<compile_context>
chip_gen: v7x
topology: tpu7x:2x2x1
jax: 0.10.2.dev20260603
libtpu: 0.0.44.dev20260713+nightly
codegen_flags: <defaults>
</compile_context>

<pallas_src>
import jax
import jax.numpy as jnp
from jax import lax
from jax.experimental import pallas as pl
from jax.experimental.pallas import tpu as pltpu
from jax.experimental.pallas import tpu_sc as plsc

NUM_CORES = 2
NUM_SUBCORES = 16
LANES = 16
NUM_WORKERS = NUM_CORES * NUM_SUBCORES

BATCH = 16384
EMBED = 16
NROWS = 1000000
WIN = 128
B_PER_W = BATCH // NUM_WORKERS
CHUNK = 128
NCHUNKS = B_PER_W // CHUNK
NGROUPS = B_PER_W // LANES


def _body(uid_hbm, iid_hbm, uembT_hbm, iembT_hbm, ubT_hbm, ibT_hbm,
          out_hbm, uidx_v, iidx_v, u_buf, i_buf, ub_buf, ib_buf, out_v,
          sem):
    wid = lax.axis_index("s") * NUM_CORES + lax.axis_index("c")
    base = wid * B_PER_W

    for j in range(NCHUNKS):
        pltpu.sync_copy(uid_hbm.at[pl.ds(base + j * CHUNK, CHUNK)],
                        uidx_v.at[j])
        pltpu.sync_copy(iid_hbm.at[pl.ds(base + j * CHUNK, CHUNK)],
                        iidx_v.at[j])

    iota = lax.iota(jnp.int32, LANES)

    def group(g, carry):
        j = g // (CHUNK // LANES)
        k = (g - j * (CHUNK // LANES)) * LANES
        uvec = uidx_v[j, pl.ds(k, LANES)]
        ivec = iidx_v[j, pl.ds(k, LANES)]
        for lane in range(LANES):
            ub_ = pl.multiple_of((uvec[lane] >> 7) << 7, WIN)
            ib_ = pl.multiple_of((ivec[lane] >> 7) << 7, WIN)
            pltpu.async_copy(
                uembT_hbm.at[:, pl.ds(ub_, WIN)],
                u_buf.at[:, pl.ds(lane * WIN, WIN)], sem)
            pltpu.async_copy(
                iembT_hbm.at[:, pl.ds(ib_, WIN)],
                i_buf.at[:, pl.ds(lane * WIN, WIN)], sem)
            pltpu.async_copy(
                ubT_hbm.at[:, pl.ds(ub_, WIN)],
                ub_buf.at[:, pl.ds(lane * WIN, WIN)], sem)
            pltpu.async_copy(
                ibT_hbm.at[:, pl.ds(ib_, WIN)],
                ib_buf.at[:, pl.ds(lane * WIN, WIN)], sem)
        pltpu.make_async_copy(
            uembT_hbm.at[:, pl.ds(0, LANES * WIN)], u_buf, sem).wait()
        pltpu.make_async_copy(
            iembT_hbm.at[:, pl.ds(0, LANES * WIN)], i_buf, sem).wait()
        pltpu.make_async_copy(
            ubT_hbm.at[:, pl.ds(0, LANES * WIN)], ub_buf, sem).wait()
        pltpu.make_async_copy(
            ibT_hbm.at[:, pl.ds(0, LANES * WIN)], ib_buf, sem).wait()

        lane_u = iota * WIN + (uvec & (WIN - 1))
        lane_i = iota * WIN + (ivec & (WIN - 1))
        acc = jnp.zeros((LANES,), jnp.float32)
        for e in range(EMBED):
            ev = jnp.full((LANES,), e, jnp.int32)
            u = plsc.load_gather(u_buf, [ev, lane_u])
            v = plsc.load_gather(i_buf, [ev, lane_i])
            acc = acc + u * v
        zv = jnp.zeros((LANES,), jnp.int32)
        ubv = plsc.load_gather(ub_buf, [zv, lane_u])
        ibv = plsc.load_gather(ib_buf, [zv, lane_i])
        x = acc + ubv + ibv
        x = jnp.maximum(x, 0.0)
        e2 = jnp.exp(-2.0 * x)
        out_v[pl.ds(g * LANES, LANES)] = (1.0 - e2) / (1.0 + e2)
        return carry

    lax.fori_loop(0, NGROUPS, group, 0)

    pltpu.sync_copy(out_v, out_hbm.at[pl.ds(base, B_PER_W)])


_sc_kernel = pl.kernel(
    _body,
    out_type=jax.ShapeDtypeStruct((BATCH,), jnp.float32),
    mesh=plsc.VectorSubcoreMesh(core_axis_name="c", subcore_axis_name="s"),
    compiler_params=pltpu.CompilerParams(
        needs_layout_passes=False, use_tc_tiling_on_sc=True),
    scratch_types=[
        pltpu.VMEM((NCHUNKS, CHUNK), jnp.int32),
        pltpu.VMEM((NCHUNKS, CHUNK), jnp.int32),
        pltpu.VMEM((EMBED, LANES * WIN), jnp.float32),
        pltpu.VMEM((EMBED, LANES * WIN), jnp.float32),
        pltpu.VMEM((1, LANES * WIN), jnp.float32),
        pltpu.VMEM((1, LANES * WIN), jnp.float32),
        pltpu.VMEM((B_PER_W,), jnp.float32),
        pltpu.SemaphoreType.DMA,
    ],
)


@jax.jit
def kernel(inputs, user_emb, item_emb, user_bias, item_bias):
    uid = inputs[:, 0].astype(jnp.int32)
    iid = inputs[:, 1].astype(jnp.int32)
    out = _sc_kernel(uid, iid, user_emb.T, item_emb.T,
                     user_bias.T, item_bias.T)
    return out.reshape(BATCH, 1)

# --- scband reference (transcript-rebuilt; emitter-appended) ---
"""Pipeline reference for scband-recommender-net-36730560316079 (READ-ONLY COPY).

The authoritative reference and input builder live on the scoring server;
editing this copy changes nothing except your own understanding.
"""

import jax, jax.numpy as jnp
import numpy as np

NUM_USERS = 1000000
NUM_ITEMS = 1000000
EMBED = 16
BATCH = 16384

def setup_inputs(seed: int = 0) -> dict:
    key = jax.random.key(seed)
    k1, k2, k3, k4, k5 = jax.random.split(key, 5)
    inputs = jax.random.randint(k1, (BATCH, 2), 0, NUM_USERS, dtype=jnp.int64 if jax.config.jax_enable_x64 else jnp.int32)
    # he_normal init: stddev = sqrt(2 / fan_in); Keras Embedding fan_in = input_dim
    user_emb = jax.random.normal(k2, (NUM_USERS, EMBED), dtype=jnp.float32) * np.sqrt(2.0 / NUM_USERS)
    item_emb = jax.random.normal(k3, (NUM_ITEMS, EMBED), dtype=jnp.float32) * np.sqrt(2.0 / NUM_ITEMS)
    user_bias = jax.random.uniform(k4, (NUM_USERS, 1), dtype=jnp.float32, minval=-0.05, maxval=0.05)
    item_bias = jax.random.uniform(k5, (NUM_ITEMS, 1), dtype=jnp.float32, minval=-0.05, maxval=0.05)
    return {"inputs": inputs, "user_emb": user_emb, "item_emb": item_emb, "user_bias": user_bias, "item_bias": item_bias}

def reference(inputs, user_emb, item_emb, user_bias, item_bias):
    uid = inputs[:, 0]
    iid = inputs[:, 1]
    user_vector = jnp.take(user_emb, uid, axis=0)      # [B, E]
    ub = jnp.take(user_bias, uid, axis=0)               # [B, 1]
    item_vector = jnp.take(item_emb, iid, axis=0)       # [B, E]
    ib = jnp.take(item_bias, iid, axis=0)               # [B, 1]
    dot_user_item = jnp.sum(user_vector * item_vector, axis=-1, keepdims=True)  # [B, 1]
    x = dot_user_item + ub + ib
    x = jax.nn.relu(x)
    # dropout is identity at inference
    return jnp.tanh(x)

if __name__ == "__main__":
    import jax
    _d = setup_inputs()
    print(jax.jit(kernel)(*tuple(_d.values())))

</pallas_src>

<mosaic_0001>
#map = affine_map<(d0, d1) -> (0)>
#map1 = affine_map<(d0, d1) -> (0, 0)>
module attributes {stable_mosaic.version = 14 : i64} {
  func.func @_body(%arg0: i32, %arg1: i32, %arg2: memref<16384xi32, #tpu.memory_space<hbm>>, %arg3: memref<16384xi32, #tpu.memory_space<hbm>>, %arg4: memref<16x1000000xf32, #tpu.memory_space<hbm>>, %arg5: memref<16x1000000xf32, #tpu.memory_space<hbm>>, %arg6: memref<1x1000000xf32, #tpu.memory_space<hbm>>, %arg7: memref<1x1000000xf32, #tpu.memory_space<hbm>>, %arg8: memref<16384xf32, #tpu.memory_space<hbm>>, %arg9: memref<4x128xi32, #tpu.memory_space<vmem>>, %arg10: memref<4x128xi32, #tpu.memory_space<vmem>>, %arg11: memref<16x2048xf32, #tpu.memory_space<vmem>>, %arg12: memref<16x2048xf32, #tpu.memory_space<vmem>>, %arg13: memref<1x2048xf32, #tpu.memory_space<vmem>>, %arg14: memref<1x2048xf32, #tpu.memory_space<vmem>>, %arg15: memref<512xf32, #tpu.memory_space<vmem>>, %arg16: memref<!tpu.dma_semaphore, #tpu.memory_space<semaphore_mem>>) attributes {dimension_semantics = [#tpu.dimension_semantics<core_parallel>, #tpu.dimension_semantics<subcore_parallel>], iteration_bounds = array<i64: 2, 16>, scalar_prefetch = 0 : i64, scratch_operands = 8 : i64, tpu.core_type = #tpu.core_type<sc_vector_subcore>, window_params = [{transform_indices = #map}, {transform_indices = #map}, {transform_indices = #map1}, {transform_indices = #map1}, {transform_indices = #map1}, {transform_indices = #map1}, {transform_indices = #map}]} {
    %mul3A = arith.constant 2 : i32
    %mul3A_0 = arith.muli %arg1, %mul3A : i32
    %add3A = arith.addi %mul3A_0, %arg0 : i32
    %mul3A_1 = arith.constant 512 : i32
    %mul3A_2 = arith.muli %add3A, %mul3A_1 : i32
    %add3A_3 = arith.constant 0 : i32
    %add3A_4 = arith.addi %mul3A_2, %add3A_3 : i32
    %run_scoped3A = arith.constant 0 : i32
    "tpu.region"() ({
      %run_scoped3A_31 = tpu.sem_alloc : memref<!tpu.dma_semaphore, #tpu.memory_space<semaphore_mem>>
      %dma_start3A = arith.constant 0 : i32
      %dma_start3A_32 = tpu.memref_slice %arg9[%run_scoped3A, %dma_start3A] : memref<4x128xi32, #tpu.memory_space<vmem>> -> memref<1x128xi32, #tpu.memory_space<vmem>>
      %dma_start3A_33 = tpu.memref_squeeze %dma_start3A_32 : memref<1x128xi32, #tpu.memory_space<vmem>> -> memref<128xi32, #tpu.memory_space<vmem>>
      %dma_start3A_34 = tpu.memref_slice %arg2[%add3A_4] : memref<16384xi32, #tpu.memory_space<hbm>> -> memref<128xi32, #tpu.memory_space<hbm>>
      %dma_start3A_35 = arith.constant 0 : i32
      %dma_start3A_36 = tpu.memref_slice %arg9[%run_scoped3A, %dma_start3A_35] : memref<4x128xi32, #tpu.memory_space<vmem>> -> memref<1x128xi32, #tpu.memory_space<vmem>>
      %dma_start3A_37 = tpu.memref_squeeze %dma_start3A_36 : memref<1x128xi32, #tpu.memory_space<vmem>> -> memref<128xi32, #tpu.memory_space<vmem>>
      %dma_start3A_38 = tpu.memref_slice %arg2[%add3A_4] : memref<16384xi32, #tpu.memory_space<hbm>> -> memref<128xi32, #tpu.memory_space<hbm>>
      tpu.enqueue_dma source(%dma_start3A_38 : memref<128xi32, #tpu.memory_space<hbm>>) target(%dma_start3A_37 : memref<128xi32, #tpu.memory_space<vmem>>) target_semaphore(%run_scoped3A_31 : memref<!tpu.dma_semaphore, #tpu.memory_space<semaphore_mem>>)
      %dma_wait3A = arith.constant 0 : i32
      %dma_wait3A_39 = tpu.memref_slice %arg9[%run_scoped3A, %dma_wait3A] : memref<4x128xi32, #tpu.memory_space<vmem>> -> memref<1x128xi32, #tpu.memory_space<vmem>>
      %dma_wait3A_40 = tpu.memref_squeeze %dma_wait3A_39 : memref<1x128xi32, #tpu.memory_space<vmem>> -> memref<128xi32, #tpu.memory_space<vmem>>
      %dma_wait3A_41 = tpu.memref_slice %arg2[%add3A_4] : memref<16384xi32, #tpu.memory_space<hbm>> -> memref<128xi32, #tpu.memory_space<hbm>>
      %dma_wait3A_42 = arith.constant 0 : i32
      %dma_wait3A_43 = tpu.memref_slice %arg9[%run_scoped3A, %dma_wait3A_42] : memref<4x128xi32, #tpu.memory_space<vmem>> -> memref<1x128xi32, #tpu.memory_space<vmem>>
      %dma_wait3A_44 = tpu.memref_squeeze %dma_wait3A_43 : memref<1x128xi32, #tpu.memory_space<vmem>> -> memref<128xi32, #tpu.memory_space<vmem>>
      %dma_wait3A_45 = tpu.memref_slice %arg2[%add3A_4] : memref<16384xi32, #tpu.memory_space<hbm>> -> memref<128xi32, #tpu.memory_space<hbm>>
      tpu.wait_dma2 semaphore(%run_scoped3A_31 : memref<!tpu.dma_semaphore, #tpu.memory_space<semaphore_mem>>) src(%dma_wait3A_45 : memref<128xi32, #tpu.memory_space<hbm>>) dst(%dma_wait3A_44 : memref<128xi32, #tpu.memory_space<vmem>>)
      tpu.yield
    }) : () -> ()
    %add3A_5 = arith.constant 0 : i32
    %add3A_6 = arith.addi %mul3A_2, %add3A_5 : i32
    %run_scoped3A_7 = arith.constant 0 : i32
    "tpu.region"() ({
      %run_scoped3A_31 = tpu.sem_alloc : memref<!tpu.dma_semaphore, #tpu.memory_space<semaphore_mem>>
      %dma_start3A = arith.constant 0 : i32
      %dma_start3A_32 = tpu.memref_slice %arg10[%run_scoped3A_7, %dma_start3A] : memref<4x128xi32, #tpu.memory_space<vmem>> -> memref<1x128xi32, #tpu.memory_space<vmem>>
      %dma_start3A_33 = tpu.memref_squeeze %dma_start3A_32 : memref<1x128xi32, #tpu.memory_space<vmem>> -> memref<128xi32, #tpu.memory_space<vmem>>
      %dma_start3A_34 = tpu.memref_slice %arg3[%add3A_6] : memref<16384xi32, #tpu.memory_space<hbm>> -> memref<128xi32, #tpu.memory_space<hbm>>
      %dma_start3A_35 = arith.constant 0 : i32
      %dma_start3A_36 = tpu.memref_slice %arg10[%run_scoped3A_7, %dma_start3A_35] : memref<4x128xi32, #tpu.memory_space<vmem>> -> memref<1x128xi32, #tpu.memory_space<vmem>>
      %dma_start3A_37 = tpu.memref_squeeze %dma_start3A_36 : memref<1x128xi32, #tpu.memory_space<vmem>> -> memref<128xi32, #tpu.memory_space<vmem>>
      %dma_start3A_38 = tpu.memref_slice %arg3[%add3A_6] : memref<16384xi32, #tpu.memory_space<hbm>> -> memref<128xi32, #tpu.memory_space<hbm>>
      tpu.enqueue_dma source(%dma_start3A_38 : memref<128xi32, #tpu.memory_space<hbm>>) target(%dma_start3A_37 : memref<128xi32, #tpu.memory_space<vmem>>) target_semaphore(%run_scoped3A_31 : memref<!tpu.dma_semaphore, #tpu.memory_space<semaphore_mem>>)
      %dma_wait3A = arith.constant 0 : i32
      %dma_wait3A_39 = tpu.memref_slice %arg10[%run_scoped3A_7, %dma_wait3A] : memref<4x128xi32, #tpu.memory_space<vmem>> -> memref<1x128xi32, #tpu.memory_space<vmem>>
      %dma_wait3A_40 = tpu.memref_squeeze %dma_wait3A_39 : memref<1x128xi32, #tpu.memory_space<vmem>> -> memref<128xi32, #tpu.memory_space<vmem>>
      %dma_wait3A_41 = tpu.memref_slice %arg3[%add3A_6] : memref<16384xi32, #tpu.memory_space<hbm>> -> memref<128xi32, #tpu.memory_space<hbm>>
      %dma_wait3A_42 = arith.constant 0 : i32
      %dma_wait3A_43 = tpu.memref_slice %arg10[%run_scoped3A_7, %dma_wait3A_42] : memref<4x128xi32, #tpu.memory_space<vmem>> -> memref<1x128xi32, #tpu.memory_space<vmem>>
      %dma_wait3A_44 = tpu.memref_squeeze %dma_wait3A_43 : memref<1x128xi32, #tpu.memory_space<vmem>> -> memref<128xi32, #tpu.memory_space<vmem>>
      %dma_wait3A_45 = tpu.memref_slice %arg3[%add3A_6] : memref<16384xi32, #tpu.memory_space<hbm>> -> memref<128xi32, #tpu.memory_space<hbm>>
      tpu.wait_dma2 semaphore(%run_scoped3A_31 : memref<!tpu.dma_semaphore, #tpu.memory_space<semaphore_mem>>) src(%dma_wait3A_45 : memref<128xi32, #tpu.memory_space<hbm>>) dst(%dma_wait3A_44 : memref<128xi32, #tpu.memory_space<vmem>>)
      tpu.yield
    }) : () -> ()
    %add3A_8 = arith.constant 128 : i32
    %add3A_9 = arith.addi %mul3A_2, %add3A_8 : i32
    %run_scoped3A_10 = arith.constant 1 : i32
    "tpu.region"() ({
      %run_scoped3A_31 = tpu.sem_alloc : memref<!tpu.dma_semaphore, #tpu.memory_space<semaphore_mem>>
      %dma_start3A = arith.constant 0 : i32
      %dma_start3A_32 = tpu.memref_slice %arg9[%run_scoped3A_10, %dma_start3A] : memref<4x128xi32, #tpu.memory_space<vmem>> -> memref<1x128xi32, #tpu.memory_space<vmem>>
      %dma_start3A_33 = tpu.memref_squeeze %dma_start3A_32 : memref<1x128xi32, #tpu.memory_space<vmem>> -> memref<128xi32, #tpu.memory_space<vmem>>
      %dma_start3A_34 = tpu.memref_slice %arg2[%add3A_9] : memref<16384xi32, #tpu.memory_space<hbm>> -> memref<128xi32, #tpu.memory_space<hbm>>
      %dma_start3A_35 = arith.constant 0 : i32
      %dma_start3A_36 = tpu.memref_slice %arg9[%run_scoped3A_10, %dma_start3A_35] : memref<4x128xi32, #tpu.memory_space<vmem>> -> memref<1x128xi32, #tpu.memory_space<vmem>>
      %dma_start3A_37 = tpu.memref_squeeze %dma_start3A_36 : memref<1x128xi32, #tpu.memory_space<vmem>> -> memref<128xi32, #tpu.memory_space<vmem>>
      %dma_start3A_38 = tpu.memref_slice %arg2[%add3A_9] : memref<16384xi32, #tpu.memory_space<hbm>> -> memref<128xi32, #tpu.memory_space<hbm>>
      tpu.enqueue_dma source(%dma_start3A_38 : memref<128xi32, #tpu.memory_space<hbm>>) target(%dma_start3A_37 : memref<128xi32, #tpu.memory_space<vmem>>) target_semaphore(%run_scoped3A_31 : memref<!tpu.dma_semaphore, #tpu.memory_space<semaphore_mem>>)
      %dma_wait3A = arith.constant 0 : i32
      %dma_wait3A_39 = tpu.memref_slice %arg9[%run_scoped3A_10, %dma_wait3A] : memref<4x128xi32, #tpu.memory_space<vmem>> -> memref<1x128xi32, #tpu.memory_space<vmem>>
      %dma_wait3A_40 = tpu.memref_squeeze %dma_wait3A_39 : memref<1x128xi32, #tpu.memory_space<vmem>> -> memref<128xi32, #tpu.memory_space<vmem>>
      %dma_wait3A_41 = tpu.memref_slice %arg2[%add3A_9] : memref<16384xi32, #tpu.memory_space<hbm>> -> memref<128xi32, #tpu.memory_space<hbm>>
      %dma_wait3A_42 = arith.constant 0 : i32
      %dma_wait3A_43 = tpu.memref_slice %arg9[%run_scoped3A_10, %dma_wait3A_42] : memref<4x128xi32, #tpu.memory_space<vmem>> -> memref<1x128xi32, #tpu.memory_space<vmem>>
      %dma_wait3A_44 = tpu.memref_squeeze %dma_wait3A_43 : memref<1x128xi32, #tpu.memory_space<vmem>> -> memref<128xi32, #tpu.memory_space<vmem>>
      %dma_wait3A_45 = tpu.memref_slice %arg2[%add3A_9] : memref<16384xi32, #tpu.memory_space<hbm>> -> memref<128xi32, #tpu.memory_space<hbm>>
      tpu.wait_dma2 semaphore(%run_scoped3A_31 : memref<!tpu.dma_semaphore, #tpu.memory_space<semaphore_mem>>) src(%dma_wait3A_45 : memref<128xi32, #tpu.memory_space<hbm>>) dst(%dma_wait3A_44 : memref<128xi32, #tpu.memory_space<vmem>>)
      tpu.yield
    }) : () -> ()
    %add3A_11 = arith.constant 128 : i32
    %add3A_12 = arith.addi %mul3A_2, %add3A_11 : i32
    %run_scoped3A_13 = arith.constant 1 : i32
    "tpu.region"() ({
      %run_scoped3A_31 = tpu.sem_alloc : memref<!tpu.dma_semaphore, #tpu.memory_space<semaphore_mem>>
      %dma_start3A = arith.constant 0 : i32
      %dma_start3A_32 = tpu.memref_slice %arg10[%run_scoped3A_13, %dma_start3A] : memref<4x128xi32, #tpu.memory_space<vmem>> -> memref<1x128xi32, #tpu.memory_space<vmem>>
      %dma_start3A_33 = tpu.memref_squeeze %dma_start3A_32 : memref<1x128xi32, #tpu.memory_space<vmem>> -> memref<128xi32, #tpu.memory_space<vmem>>
      %dma_start3A_34 = tpu.memref_slice %arg3[%add3A_12] : memref<16384xi32, #tpu.memory_space<hbm>> -> memref<128xi32, #tpu.memory_space<hbm>>
      %dma_start3A_35 = arith.constant 0 : i32
      %dma_start3A_36 = tpu.memref_slice %arg10[%run_scoped3A_13, %dma_start3A_35] : memref<4x128xi32, #tpu.memory_space<vmem>> -> memref<1x128xi32, #tpu.memory_space<vmem>>
      %dma_start3A_37 = tpu.memref_squeeze %dma_start3A_36 : memref<1x128xi32, #tpu.memory_space<vmem>> -> memref<128xi32, #tpu.memory_space<vmem>>
      %dma_start3A_38 = tpu.memref_slice %arg3[%add3A_12] : memref<16384xi32, #tpu.memory_space<hbm>> -> memref<128xi32, #tpu.memory_space<hbm>>
      tpu.enqueue_dma source(%dma_start3A_38 : memref<128xi32, #tpu.memory_space<hbm>>) target(%dma_start3A_37 : memref<128xi32, #tpu.memory_space<vmem>>) target_semaphore(%run_scoped3A_31 : memref<!tpu.dma_semaphore, #tpu.memory_space<semaphore_mem>>)
      %dma_wait3A = arith.constant 0 : i32
      %dma_wait3A_39 = tpu.memref_slice %arg10[%run_scoped3A_13, %dma_wait3A] : memref<4x128xi32, #tpu.memory_space<vmem>> -> memref<1x128xi32, #tpu.memory_space<vmem>>
      %dma_wait3A_40 = tpu.memref_squeeze %dma_wait3A_39 : memref<1x128xi32, #tpu.memory_space<vmem>> -> memref<128xi32, #tpu.memory_space<vmem>>
      %dma_wait3A_41 = tpu.memref_slice %arg3[%add3A_12] : memref<16384xi32, #tpu.memory_space<hbm>> -> memref<128xi32, #tpu.memory_space<hbm>>
      %dma_wait3A_42 = arith.constant 0 : i32
      %dma_wait3A_43 = tpu.memref_slice %arg10[%run_scoped3A_13, %dma_wait3A_42] : memref<4x128xi32, #tpu.memory_space<vmem>> -> memref<1x128xi32, #tpu.memory_space<vmem>>
      %dma_wait3A_44 = tpu.memref_squeeze %dma_wait3A_43 : memref<1x128xi32, #tpu.memory_space<vmem>> -> memref<128xi32, #tpu.memory_space<vmem>>
      %dma_wait3A_45 = tpu.memref_slice %arg3[%add3A_12] : memref<16384xi32, #tpu.memory_space<hbm>> -> memref<128xi32, #tpu.memory_space<hbm>>
      tpu.wait_dma2 semaphore(%run_scoped3A_31 : memref<!tpu.dma_semaphore, #tpu.memory_space<semaphore_mem>>) src(%dma_wait3A_45 : memref<128xi32, #tpu.memory_space<hbm>>) dst(%dma_wait3A_44 : memref<128xi32, #tpu.memory_space<vmem>>)
      tpu.yield
    }) : () -> ()
    %add3A_14 = arith.constant 256 : i32
    %add3A_15 = arith.addi %mul3A_2, %add3A_14 : i32
    %run_scoped3A_16 = arith.constant 2 : i32
    "tpu.region"() ({
      %run_scoped3A_31 = tpu.sem_alloc : memref<!tpu.dma_semaphore, #tpu.memory_space<semaphore_mem>>
      %dma_start3A = arith.constant 0 : i32
      %dma_start3A_32 = tpu.memref_slice %arg9[%run_scoped3A_16, %dma_start3A] : memref<4x128xi32, #tpu.memory_space<vmem>> -> memref<1x128xi32, #tpu.memory_space<vmem>>
      %dma_start3A_33 = tpu.memref_squeeze %dma_start3A_32 : memref<1x128xi32, #tpu.memory_space<vmem>> -> memref<128xi32, #tpu.memory_space<vmem>>
      %dma_start3A_34 = tpu.memref_slice %arg2[%add3A_15] : memref<16384xi32, #tpu.memory_space<hbm>> -> memref<128xi32, #tpu.memory_space<hbm>>
      %dma_start3A_35 = arith.constant 0 : i32
      %dma_start3A_36 = tpu.memref_slice %arg9[%run_scoped3A_16, %dma_start3A_35] : memref<4x128xi32, #tpu.memory_space<vmem>> -> memref<1x128xi32, #tpu.memory_space<vmem>>
      %dma_start3A_37 = tpu.memref_squeeze %dma_start3A_36 : memref<1x128xi32, #tpu.memory_space<vmem>> -> memref<128xi32, #tpu.memory_space<vmem>>
      %dma_start3A_38 = tpu.memref_slice %arg2[%add3A_15] : memref<16384xi32, #tpu.memory_space<hbm>> -> memref<128xi32, #tpu.memory_space<hbm>>
      tpu.enqueue_dma source(%dma_start3A_38 : memref<128xi32, #tpu.memory_space<hbm>>) target(%dma_start3A_37 : memref<128xi32, #tpu.memory_space<vmem>>) target_semaphore(%run_scoped3A_31 : memref<!tpu.dma_semaphore, #tpu.memory_space<semaphore_mem>>)
      %dma_wait3A = arith.constant 0 : i32
      %dma_wait3A_39 = tpu.memref_slice %arg9[%run_scoped3A_16, %dma_wait3A] : memref<4x128xi32, #tpu.memory_space<vmem>> -> memref<1x128xi32, #tpu.memory_space<vmem>>
      %dma_wait3A_40 = tpu.memref_squeeze %dma_wait3A_39 : memref<1x128xi32, #tpu.memory_space<vmem>> -> memref<128xi32, #tpu.memory_space<vmem>>
      %dma_wait3A_41 = tpu.memref_slice %arg2[%add3A_15] : memref<16384xi32, #tpu.memory_space<hbm>> -> memref<128xi32, #tpu.memory_space<hbm>>
      %dma_wait3A_42 = arith.constant 0 : i32
      %dma_wait3A_43 = tpu.memref_slice %arg9[%run_scoped3A_16, %dma_wait3A_42] : memref<4x128xi32, #tpu.memory_space<vmem>> -> memref<1x128xi32, #tpu.memory_space<vmem>>
      %dma_wait3A_44 = tpu.memref_squeeze %dma_wait3A_43 : memref<1x128xi32, #tpu.memory_space<vmem>> -> memref<128xi32, #tpu.memory_space<vmem>>
      %dma_wait3A_45 = tpu.memref_slice %arg2[%add3A_15] : memref<16384xi32, #tpu.memory_space<hbm>> -> memref<128xi32, #tpu.memory_space<hbm>>
      tpu.wait_dma2 semaphore(%run_scoped3A_31 : memref<!tpu.dma_semaphore, #tpu.memory_space<semaphore_mem>>) src(%dma_wait3A_45 : memref<128xi32, #tpu.memory_space<hbm>>) dst(%dma_wait3A_44 : memref<128xi32, #tpu.memory_space<vmem>>)
      tpu.yield
    }) : () -> ()
    %add3A_17 = arith.constant 256 : i32
    %add3A_18 = arith.addi %mul3A_2, %add3A_17 : i32
    %run_scoped3A_19 = arith.constant 2 : i32
    "tpu.region"() ({
      %run_scoped3A_31 = tpu.sem_alloc : memref<!tpu.dma_semaphore, #tpu.memory_space<semaphore_mem>>
      %dma_start3A = arith.constant 0 : i32
      %dma_start3A_32 = tpu.memref_slice %arg10[%run_scoped3A_19, %dma_start3A] : memref<4x128xi32, #tpu.memory_space<vmem>> -> memref<1x128xi32, #tpu.memory_space<vmem>>
      %dma_start3A_33 = tpu.memref_squeeze %dma_start3A_32 : memref<1x128xi32, #tpu.memory_space<vmem>> -> memref<128xi32, #tpu.memory_space<vmem>>
      %dma_start3A_34 = tpu.memref_slice %arg3[%add3A_18] : memref<16384xi32, #tpu.memory_space<hbm>> -> memref<128xi32, #tpu.memory_space<hbm>>
      %dma_start3A_35 = arith.constant 0 : i32
      %dma_start3A_36 = tpu.memref_slice %arg10[%run_scoped3A_19, %dma_start3A_35] : memref<4x128xi32, #tpu.memory_space<vmem>> -> memref<1x128xi32, #tpu.memory_space<vmem>>
      %dma_start3A_37 = tpu.memref_squeeze %dma_start3A_36 : memref<1x128xi32, #tpu.memory_space<vmem>> -> memref<128xi32, #tpu.memory_space<vmem>>
      %dma_start3A_38 = tpu.memref_slice %arg3[%add3A_18] : memref<16384xi32, #tpu.memory_space<hbm>> -> memref<128xi32, #tpu.memory_space<hbm>>
      tpu.enqueue_dma source(%dma_start3A_38 : memref<128xi32, #tpu.memory_space<hbm>>) target(%dma_start3A_37 : memref<128xi32, #tpu.memory_space<vmem>>) target_semaphore(%run_scoped3A_31 : memref<!tpu.dma_semaphore, #tpu.memory_space<semaphore_mem>>)
      %dma_wait3A = arith.constant 0 : i32
      %dma_wait3A_39 = tpu.memref_slice %arg10[%run_scoped3A_19, %dma_wait3A] : memref<4x128xi32, #tpu.memory_space<vmem>> -> memref<1x128xi32, #tpu.memory_space<vmem>>
      %dma_wait3A_40 = tpu.memref_squeeze %dma_wait3A_39 : memref<1x128xi32, #tpu.memory_space<vmem>> -> memref<128xi32, #tpu.memory_space<vmem>>
      %dma_wait3A_41 = tpu.memref_slice %arg3[%add3A_18] : memref<16384xi32, #tpu.memory_space<hbm>> -> memref<128xi32, #tpu.memory_space<hbm>>
      %dma_wait3A_42 = arith.constant 0 : i32
      %dma_wait3A_43 = tpu.memref_slice %arg10[%run_scoped3A_19, %dma_wait3A_42] : memref<4x128xi32, #tpu.memory_space<vmem>> -> memref<1x128xi32, #tpu.memory_space<vmem>>
      %dma_wait3A_44 = tpu.memref_squeeze %dma_wait3A_43 : memref<1x128xi32, #tpu.memory_space<vmem>> -> memref<128xi32, #tpu.memory_space<vmem>>
      %dma_wait3A_45 = tpu.memref_slice %arg3[%add3A_18] : memref<16384xi32, #tpu.memory_space<hbm>> -> memref<128xi32, #tpu.memory_space<hbm>>
      tpu.wait_dma2 semaphore(%run_scoped3A_31 : memref<!tpu.dma_semaphore, #tpu.memory_space<semaphore_mem>>) src(%dma_wait3A_45 : memref<128xi32, #tpu.memory_space<hbm>>) dst(%dma_wait3A_44 : memref<128xi32, #tpu.memory_space<vmem>>)
      tpu.yield
    }) : () -> ()
    %add3A_20 = arith.constant 384 : i32
    %add3A_21 = arith.addi %mul3A_2, %add3A_20 : i32
    %run_scoped3A_22 = arith.constant 3 : i32
    "tpu.region"() ({
      %run_scoped3A_31 = tpu.sem_alloc : memref<!tpu.dma_semaphore, #tpu.memory_space<semaphore_mem>>
      %dma_start3A = arith.constant 0 : i32
      %dma_start3A_32 = tpu.memref_slice %arg9[%run_scoped3A_22, %dma_start3A] : memref<4x128xi32, #tpu.memory_space<vmem>> -> memref<1x128xi32, #tpu.memory_space<vmem>>
      %dma_start3A_33 = tpu.memref_squeeze %dma_start3A_32 : memref<1x128xi32, #tpu.memory_space<vmem>> -> memref<128xi32, #tpu.memory_space<vmem>>
      %dma_start3A_34 = tpu.memref_slice %arg2[%add3A_21] : memref<16384xi32, #tpu.memory_space<hbm>> -> memref<128xi32, #tpu.memory_space<hbm>>
      %dma_start3A_35 = arith.constant 0 : i32
      %dma_start3A_36 = tpu.memref_slice %arg9[%run_scoped3A_22, %dma_start3A_35] : memref<4x128xi32, #tpu.memory_space<vmem>> -> memref<1x128xi32, #tpu.memory_space<vmem>>
      %dma_start3A_37 = tpu.memref_squeeze %dma_start3A_36 : memref<1x128xi32, #tpu.memory_space<vmem>> -> memref<128xi32, #tpu.memory_space<vmem>>
      %dma_start3A_38 = tpu.memref_slice %arg2[%add3A_21] : memref<16384xi32, #tpu.memory_space<hbm>> -> memref<128xi32, #tpu.memory_space<hbm>>
      tpu.enqueue_dma source(%dma_start3A_38 : memref<128xi32, #tpu.memory_space<hbm>>) target(%dma_start3A_37 : memref<128xi32, #tpu.memory_space<vmem>>) target_semaphore(%run_scoped3A_31 : memref<!tpu.dma_semaphore, #tpu.memory_space<semaphore_mem>>)
      %dma_wait3A = arith.constant 0 : i32
      %dma_wait3A_39 = tpu.memref_slice %arg9[%run_scoped3A_22, %dma_wait3A] : memref<4x128xi32, #tpu.memory_space<vmem>> -> memref<1x128xi32, #tpu.memory_space<vmem>>
      %dma_wait3A_40 = tpu.memref_squeeze %dma_wait3A_39 : memref<1x128xi32, #tpu.memory_space<vmem>> -> memref<128xi32, #tpu.memory_space<vmem>>
      %dma_wait3A_41 = tpu.memref_slice %arg2[%add3A_21] : memref<16384xi32, #tpu.memory_space<hbm>> -> memref<128xi32, #tpu.memory_space<hbm>>
      %dma_wait3A_42 = arith.constant 0 : i32
      %dma_wait3A_43 = tpu.memref_slice %arg9[%run_scoped3A_22, %dma_wait3A_42] : memref<4x128xi32, #tpu.memory_space<vmem>> -> memref<1x128xi32, #tpu.memory_space<vmem>>
      %dma_wait3A_44 = tpu.memref_squeeze %dma_wait3A_43 : memref<1x128xi32, #tpu.memory_space<vmem>> -> memref<128xi32, #tpu.memory_space<vmem>>
      %dma_wait3A_45 = tpu.memref_slice %arg2[%add3A_21] : memref<16384xi32, #tpu.memory_space<hbm>> -> memref<128xi32, #tpu.memory_space<hbm>>
      tpu.wait_dma2 semaphore(%run_scoped3A_31 : memref<!tpu.dma_semaphore, #tpu.memory_space<semaphore_mem>>) src(%dma_wait3A_45 : memref<128xi32, #tpu.memory_space<hbm>>) dst(%dma_wait3A_44 : memref<128xi32, #tpu.memory_space<vmem>>)
      tpu.yield
    }) : () -> ()
    %add3A_23 = arith.constant 384 : i32
    %add3A_24 = arith.addi %mul3A_2, %add3A_23 : i32
    %run_scoped3A_25 = arith.constant 3 : i32
    "tpu.region"() ({
      %run_scoped3A_31 = tpu.sem_alloc : memref<!tpu.dma_semaphore, #tpu.memory_space<semaphore_mem>>
      %dma_start3A = arith.constant 0 : i32
      %dma_start3A_32 = tpu.memref_slice %arg10[%run_scoped3A_25, %dma_start3A] : memref<4x128xi32, #tpu.memory_space<vmem>> -> memref<1x128xi32, #tpu.memory_space<vmem>>
      %dma_start3A_33 = tpu.memref_squeeze %dma_start3A_32 : memref<1x128xi32, #tpu.memory_space<vmem>> -> memref<128xi32, #tpu.memory_space<vmem>>
      %dma_start3A_34 = tpu.memref_slice %arg3[%add3A_24] : memref<16384xi32, #tpu.memory_space<hbm>> -> memref<128xi32, #tpu.memory_space<hbm>>
      %dma_start3A_35 = arith.constant 0 : i32
      %dma_start3A_36 = tpu.memref_slice %arg10[%run_scoped3A_25, %dma_start3A_35] : memref<4x128xi32, #tpu.memory_space<vmem>> -> memref<1x128xi32, #tpu.memory_space<vmem>>
      %dma_start3A_37 = tpu.memref_squeeze %dma_start3A_36 : memref<1x128xi32, #tpu.memory_space<vmem>> -> memref<128xi32, #tpu.memory_space<vmem>>
      %dma_start3A_38 = tpu.memref_slice %arg3[%add3A_24] : memref<16384xi32, #tpu.memory_space<hbm>> -> memref<128xi32, #tpu.memory_space<hbm>>
      tpu.enqueue_dma source(%dma_start3A_38 : memref<128xi32, #tpu.memory_space<hbm>>) target(%dma_start3A_37 : memref<128xi32, #tpu.memory_space<vmem>>) target_semaphore(%run_scoped3A_31 : memref<!tpu.dma_semaphore, #tpu.memory_space<semaphore_mem>>)
      %dma_wait3A = arith.constant 0 : i32
      %dma_wait3A_39 = tpu.memref_slice %arg10[%run_scoped3A_25, %dma_wait3A] : memref<4x128xi32, #tpu.memory_space<vmem>> -> memref<1x128xi32, #tpu.memory_space<vmem>>
      %dma_wait3A_40 = tpu.memref_squeeze %dma_wait3A_39 : memref<1x128xi32, #tpu.memory_space<vmem>> -> memref<128xi32, #tpu.memory_space<vmem>>
      %dma_wait3A_41 = tpu.memref_slice %arg3[%add3A_24] : memref<16384xi32, #tpu.memory_space<hbm>> -> memref<128xi32, #tpu.memory_space<hbm>>
      %dma_wait3A_42 = arith.constant 0 : i32
      %dma_wait3A_43 = tpu.memref_slice %arg10[%run_scoped3A_25, %dma_wait3A_42] : memref<4x128xi32, #tpu.memory_space<vmem>> -> memref<1x128xi32, #tpu.memory_space<vmem>>
      %dma_wait3A_44 = tpu.memref_squeeze %dma_wait3A_43 : memref<1x128xi32, #tpu.memory_space<vmem>> -> memref<128xi32, #tpu.memory_space<vmem>>
      %dma_wait3A_45 = tpu.memref_slice %arg3[%add3A_24] : memref<16384xi32, #tpu.memory_space<hbm>> -> memref<128xi32, #tpu.memory_space<hbm>>
      tpu.wait_dma2 semaphore(%run_scoped3A_31 : memref<!tpu.dma_semaphore, #tpu.memory_space<semaphore_mem>>) src(%dma_wait3A_45 : memref<128xi32, #tpu.memory_space<hbm>>) dst(%dma_wait3A_44 : memref<128xi32, #tpu.memory_space<vmem>>)
      tpu.yield
    }) : () -> ()
    %iota3A = tpu.iota {dimensions = array<i32: 0>} : vector<16xi32>
    %scan3A = arith.constant 0 : i32
    %scan3A_26 = arith.constant 0 : i32
    %scan3A_27 = arith.constant 32 : i32
    %scan3A_28 = arith.addi %scan3A_26, %scan3A_27 : i32
    %scan3A_29 = arith.constant 1 : i32
    scf.for %scan3A_31 = %scan3A_26 to %scan3A_28 step %scan3A_29  : i32 {
      %jit3A = arith.constant 8 : i32
      %div3A = arith.divsi %scan3A_31, %jit3A : i32
      %sign3A = arith.constant 0 : i32
      %sign3A_32 = arith.cmpi sgt, %scan3A_31, %sign3A : i32
      %sign3A_33 = arith.extui %sign3A_32 : i1 to i32
      %sign3A_34 = arith.constant 0 : i32
      %sign3A_35 = arith.cmpi slt, %scan3A_31, %sign3A_34 : i32
      %sign3A_36 = arith.extui %sign3A_35 : i1 to i32
      %sign3A_37 = arith.subi %sign3A_33, %sign3A_36 : i32
      %sign3A_38 = arith.constant 0 : i32
      %sign3A_39 = arith.cmpi sgt, %jit3A, %sign3A_38 : i32
      %sign3A_40 = arith.extui %sign3A_39 : i1 to i32
      %sign3A_41 = arith.constant 0 : i32
      %sign3A_42 = arith.cmpi slt, %jit3A, %sign3A_41 : i32
      %sign3A_43 = arith.extui %sign3A_42 : i1 to i32
      %sign3A_44 = arith.subi %sign3A_40, %sign3A_43 : i32
      %ne3A = arith.cmpi ne, %sign3A_37, %sign3A_44 : i32
      %rem3A = arith.remsi %scan3A_31, %jit3A : i32
      %ne3A_45 = arith.constant 0 : i32
      %ne3A_46 = arith.cmpi ne, %rem3A, %ne3A_45 : i32
      %and3A = arith.andi %ne3A, %ne3A_46 : i1
      %sub3A = arith.constant 1 : i32
      %sub3A_47 = arith.subi %div3A, %sub3A : i32
      %select_n3A = arith.select %and3A, %sub3A_47, %div3A : i32
      %mul3A_48 = arith.constant 8 : i32
      %mul3A_49 = arith.muli %select_n3A, %mul3A_48 : i32
      %sub3A_50 = arith.subi %scan3A_31, %mul3A_49 : i32
      %mul3A_51 = arith.constant 16 : i32
      %mul3A_52 = arith.muli %sub3A_50, %mul3A_51 : i32
      %get3A = arith.index_cast %select_n3A : i32 to index
      %get3A_53 = arith.index_cast %mul3A_52 : i32 to index
      %get3A_54 = tpu.vector_load %arg9[%get3A, %get3A_53] {strides = array<i32>} : memref<4x128xi32, #tpu.memory_space<vmem>>, vector<16xi32>,
      %get3A_55 = arith.index_cast %select_n3A : i32 to index
      %get3A_56 = arith.index_cast %mul3A_52 : i32 to index
      %get3A_57 = tpu.vector_load %arg10[%get3A_55, %get3A_56] {strides = array<i32>} : memref<4x128xi32, #tpu.memory_space<vmem>>, vector<16xi32>,
      %slice3A = vector.extract_strided_slice %get3A_54 {offsets = [0], sizes = [1], strides = [1]} : vector<16xi32> to vector<1xi32>
      %squeeze3A = vector.extract %slice3A[0] : i32 from vector<1xi32>
      %shift_right_arithmetic3A = arith.constant 7 : i32
      %shift_right_arithmetic3A_58 = arith.shrsi %squeeze3A, %shift_right_arithmetic3A : i32
      %shift_left3A = arith.constant 7 : i32
      %shift_left3A_59 = arith.shli %shift_right_arithmetic3A_58, %shift_left3A : i32
      %multiple_of3A = tpu.assume_multiple %shift_left3A_59, 128 : i32
      %slice3A_60 = vector.extract_strided_slice %get3A_57 {offsets = [0], sizes = [1], strides = [1]} : vector<16xi32> to vector<1xi32>
      %squeeze3A_61 = vector.extract %slice3A_60[0] : i32 from vector<1xi32>
      %shift_right_arithmetic3A_62 = arith.constant 7 : i32
      %shift_right_arithmetic3A_63 = arith.shrsi %squeeze3A_61, %shift_right_arithmetic3A_62 : i32
      %shift_left3A_64 = arith.constant 7 : i32
      %shift_left3A_65 = arith.shli %shift_right_arithmetic3A_63, %shift_left3A_64 : i32
      %multiple_of3A_66 = tpu.assume_multiple %shift_left3A_65, 128 : i32
      %dma_start3A = arith.constant 0 : i32
      %dma_start3A_67 = arith.constant 0 : i32
      %dma_start3A_68 = tpu.memref_slice %arg11[%dma_start3A, %dma_start3A_67] : memref<16x2048xf32, #tpu.memory_space<vmem>> -> memref<16x128xf32, #tpu.memory_space<vmem>>
      %dma_start3A_69 = arith.constant 0 : i32
      %dma_start3A_70 = tpu.memref_slice %arg4[%dma_start3A_69, %multiple_of3A] : memref<16x1000000xf32, #tpu.memory_space<hbm>> -> memref<16x128xf32, #tpu.memory_space<hbm>>
      %dma_start3A_71 = arith.constant 0 : i32
      %dma_start3A_72 = arith.constant 0 : i32
      %dma_start3A_73 = tpu.memref_slice %arg11[%dma_start3A_71, %dma_start3A_72] : memref<16x2048xf32, #tpu.memory_space<vmem>> -> memref<16x128xf32, #tpu.memory_space<vmem>>
      %dma_start3A_74 = arith.constant 0 : i32
      %dma_start3A_75 = tpu.memref_slice %arg4[%dma_start3A_74, %multiple_of3A] : memref<16x1000000xf32, #tpu.memory_space<hbm>> -> memref<16x128xf32, #tpu.memory_space<hbm>>
      tpu.enqueue_dma source(%dma_start3A_75 : memref<16x128xf32, #tpu.memory_space<hbm>>) target(%dma_start3A_73 : memref<16x128xf32, #tpu.memory_space<vmem>>) target_semaphore(%arg16 : memref<!tpu.dma_semaphore, #tpu.memory_space<semaphore_mem>>)
      %dma_start3A_76 = arith.constant 0 : i32
      %dma_start3A_77 = arith.constant 0 : i32
      %dma_start3A_78 = tpu.memref_slice %arg12[%dma_start3A_76, %dma_start3A_77] : memref<16x2048xf32, #tpu.memory_space<vmem>> -> memref<16x128xf32, #tpu.memory_space<vmem>>
      %dma_start3A_79 = arith.constant 0 : i32
      %dma_start3A_80 = tpu.memref_slice %arg5[%dma_start3A_79, %multiple_of3A_66] : memref<16x1000000xf32, #tpu.memory_space<hbm>> -> memref<16x128xf32, #tpu.memory_space<hbm>>
      %dma_start3A_81 = arith.constant 0 : i32
      %dma_start3A_82 = arith.constant 0 : i32
      %dma_start3A_83 = tpu.memref_slice %arg12[%dma_start3A_81, %dma_start3A_82] : memref<16x2048xf32, #tpu.memory_space<vmem>> -> memref<16x128xf32, #tpu.memory_space<vmem>>
      %dma_start3A_84 = arith.constant 0 : i32
      %dma_start3A_85 = tpu.memref_slice %arg5[%dma_start3A_84, %multiple_of3A_66] : memref<16x1000000xf32, #tpu.memory_space<hbm>> -> memref<16x128xf32, #tpu.memory_space<hbm>>
      tpu.enqueue_dma source(%dma_start3A_85 : memref<16x128xf32, #tpu.memory_space<hbm>>) target(%dma_start3A_83 : memref<16x128xf32, #tpu.memory_space<vmem>>) target_semaphore(%arg16 : memref<!tpu.dma_semaphore, #tpu.memory_space<semaphore_mem>>)
      %dma_start3A_86 = arith.constant 0 : i32
      %dma_start3A_87 = arith.constant 0 : i32
      %dma_start3A_88 = tpu.memref_slice %arg13[%dma_start3A_86, %dma_start3A_87] : memref<1x2048xf32, #tpu.memory_space<vmem>> -> memref<1x128xf32, #tpu.memory_space<vmem>>
      %dma_start3A_89 = arith.constant 0 : i32
      %dma_start3A_90 = tpu.memref_slice %arg6[%dma_start3A_89, %multiple_of3A] : memref<1x1000000xf32, #tpu.memory_space<hbm>> -> memref<1x128xf32, #tpu.memory_space<hbm>>
      %dma_start3A_91 = arith.constant 0 : i32
      %dma_start3A_92 = arith.constant 0 : i32
      %dma_start3A_93 = tpu.memref_slice %arg13[%dma_start3A_91, %dma_start3A_92] : memref<1x2048xf32, #tpu.memory_space<vmem>> -> memref<1x128xf32, #tpu.memory_space<vmem>>
      %dma_start3A_94 = arith.constant 0 : i32
      %dma_start3A_95 = tpu.memref_slice %arg6[%dma_start3A_94, %multiple_of3A] : memref<1x1000000xf32, #tpu.memory_space<hbm>> -> memref<1x128xf32, #tpu.memory_space<hbm>>
      tpu.enqueue_dma source(%dma_start3A_95 : memref<1x128xf32, #tpu.memory_space<hbm>>) target(%dma_start3A_93 : memref<1x128xf32, #tpu.memory_space<vmem>>) target_semaphore(%arg16 : memref<!tpu.dma_semaphore, #tpu.memory_space<semaphore_mem>>)
      %dma_start3A_96 = arith.constant 0 : i32
      %dma_start3A_97 = arith.constant 0 : i32
      %dma_start3A_98 = tpu.memref_slice %arg14[%dma_start3A_96, %dma_start3A_97] : memref<1x2048xf32, #tpu.memory_space<vmem>> -> memref<1x128xf32, #tpu.memory_space<vmem>>
      %dma_start3A_99 = arith.constant 0 : i32
      %dma_start3A_100 = tpu.memref_slice %arg7[%dma_start3A_99, %multiple_of3A_66] : memref<1x1000000xf32, #tpu.memory_space<hbm>> -> memref<1x128xf32, #tpu.memory_space<hbm>>
      %dma_start3A_101 = arith.constant 0 : i32
      %dma_start3A_102 = arith.constant 0 : i32
      %dma_start3A_103 = tpu.memref_slice %arg14[%dma_start3A_101, %dma_start3A_102] : memref<1x2048xf32, #tpu.memory_space<vmem>> -> memref<1x128xf32, #tpu.memory_space<vmem>>
      %dma_start3A_104 = arith.constant 0 : i32
      %dma_start3A_105 = tpu.memref_slice %arg7[%dma_start3A_104, %multiple_of3A_66] : memref<1x1000000xf32, #tpu.memory_space<hbm>> -> memref<1x128xf32, #tpu.memory_space<hbm>>
      tpu.enqueue_dma source(%dma_start3A_105 : memref<1x128xf32, #tpu.memory_space<hbm>>) target(%dma_start3A_103 : memref<1x128xf32, #tpu.memory_space<vmem>>) target_semaphore(%arg16 : memref<!tpu.dma_semaphore, #tpu.memory_space<semaphore_mem>>)
      %slice3A_106 = vector.extract_strided_slice %get3A_54 {offsets = [1], sizes = [1], strides = [1]} : vector<16xi32> to vector<1xi32>
      %squeeze3A_107 = vector.extract %slice3A_106[0] : i32 from vector<1xi32>
      %shift_right_arithmetic3A_108 = arith.constant 7 : i32
      %shift_right_arithmetic3A_109 = arith.shrsi %squeeze3A_107, %shift_right_arithmetic3A_108 : i32
      %shift_left3A_110 = arith.constant 7 : i32
      %shift_left3A_111 = arith.shli %shift_right_arithmetic3A_109, %shift_left3A_110 : i32
      %multiple_of3A_112 = tpu.assume_multiple %shift_left3A_111, 128 : i32
      %slice3A_113 = vector.extract_strided_slice %get3A_57 {offsets = [1], sizes = [1], strides = [1]} : vector<16xi32> to vector<1xi32>
      %squeeze3A_114 = vector.extract %slice3A_113[0] : i32 from vector<1xi32>
      %shift_right_arithmetic3A_115 = arith.constant 7 : i32
      %shift_right_arithmetic3A_116 = arith.shrsi %squeeze3A_114, %shift_right_arithmetic3A_115 : i32
      %shift_left3A_117 = arith.constant 7 : i32
      %shift_left3A_118 = arith.shli %shift_right_arithmetic3A_116, %shift_left3A_117 : i32
      %multiple_of3A_119 = tpu.assume_multiple %shift_left3A_118, 128 : i32
      %dma_start3A_120 = arith.constant 0 : i32
      %dma_start3A_121 = arith.constant 128 : i32
      %dma_start3A_122 = tpu.memref_slice %arg11[%dma_start3A_120, %dma_start3A_121] : memref<16x2048xf32, #tpu.memory_space<vmem>> -> memref<16x128xf32, #tpu.memory_space<vmem>>
      %dma_start3A_123 = arith.constant 0 : i32
      %dma_start3A_124 = tpu.memref_slice %arg4[%dma_start3A_123, %multiple_of3A_112] : memref<16x1000000xf32, #tpu.memory_space<hbm>> -> memref<16x128xf32, #tpu.memory_space<hbm>>
      %dma_start3A_125 = arith.constant 0 : i32
      %dma_start3A_126 = arith.constant 128 : i32
      %dma_start3A_127 = tpu.memref_slice %arg11[%dma_start3A_125, %dma_start3A_126] : memref<16x2048xf32, #tpu.memory_space<vmem>> -> memref<16x128xf32, #tpu.memory_space<vmem>>
      %dma_start3A_128 = arith.constant 0 : i32
      %dma_start3A_129 = tpu.memref_slice %arg4[%dma_start3A_128, %multiple_of3A_112] : memref<16x1000000xf32, #tpu.memory_space<hbm>> -> memref<16x128xf32, #tpu.memory_space<hbm>>
      tpu.enqueue_dma source(%dma_start3A_129 : memref<16x128xf32, #tpu.memory_space<hbm>>) target(%dma_start3A_127 : memref<16x128xf32, #tpu.memory_space<vmem>>) target_semaphore(%arg16 : memref<!tpu.dma_semaphore, #tpu.memory_space<semaphore_mem>>)
      %dma_start3A_130 = arith.constant 0 : i32
      %dma_start3A_131 = arith.constant 128 : i32
      %dma_start3A_132 = tpu.memref_slice %arg12[%dma_start3A_130, %dma_start3A_131] : memref<16x2048xf32, #tpu.memory_space<vmem>> -> memref<16x128xf32, #tpu.memory_space<vmem>>
      %dma_start3A_133 = arith.constant 0 : i32
      %dma_start3A_134 = tpu.memref_slice %arg5[%dma_start3A_133, %multiple_of3A_119] : memref<16x1000000xf32, #tpu.memory_space<hbm>> -> memref<16x128xf32, #tpu.memory_space<hbm>>
      %dma_start3A_135 = arith.constant 0 : i32
      %dma_start3A_136 = arith.constant 128 : i32
      %dma_start3A_137 = tpu.memref_slice %arg12[%dma_start3A_135, %dma_start3A_136] : memref<16x2048xf32, #tpu.memory_space<vmem>> -> memref<16x128xf32, #tpu.memory_space<vmem>>
      %dma_start3A_138 = arith.constant 0 : i32
      %dma_start3A_139 = tpu.memref_slice %arg5[%dma_start3A_138, %multiple_of3A_119] : memref<16x1000000xf32, #tpu.memory_space<hbm>> -> memref<16x128xf32, #tpu.memory_space<hbm>>
      tpu.enqueue_dma source(%dma_start3A_139 : memref<16x128xf32, #tpu.memory_space<hbm>>) target(%dma_start3A_137 : memref<16x128xf32, #tpu.memory_space<vmem>>) target_semaphore(%arg16 : memref<!tpu.dma_semaphore, #tpu.memory_space<semaphore_mem>>)
      %dma_start3A_140 = arith.constant 0 : i32
      %dma_start3A_141 = arith.constant 128 : i32
      %dma_start3A_142 = tpu.memref_slice %arg13[%dma_start3A_140, %dma_start3A_141] : memref<1x2048xf32, #tpu.memory_space<vmem>> -> memref<1x128xf32, #tpu.memory_space<vmem>>
      %dma_start3A_143 = arith.constant 0 : i32
      %dma_start3A_144 = tpu.memref_slice %arg6[%dma_start3A_143, %multiple_of3A_112] : memref<1x1000000xf32, #tpu.memory_space<hbm>> -> memref<1x128xf32, #tpu.memory_space<hbm>>
      %dma_start3A_145 = arith.constant 0 : i32
      %dma_start3A_146 = arith.constant 128 : i32
      %dma_start3A_147 = tpu.memref_slice %arg13[%dma_start3A_145, %dma_start3A_146] : memref<1x2048xf32, #tpu.memory_space<vmem>> -> memref<1x128xf32, #tpu.memory_space<vmem>>
      %dma_start3A_148 = arith.constant 0 : i32
      %dma_start3A_149 = tpu.memref_slice %arg6[%dma_start3A_148, %multiple_of3A_112] : memref<1x1000000xf32, #tpu.memory_space<hbm>> -> memref<1x128xf32, #tpu.memory_space<hbm>>
      tpu.enqueue_dma source(%dma_start3A_149 : memref<1x128xf32, #tpu.memory_space<hbm>>) target(%dma_start3A_147 : memref<1x128xf32, #tpu.memory_space<vmem>>) target_semaphore(%arg16 : memref<!tpu.dma_semaphore, #tpu.memory_space<semaphore_mem>>)
      %dma_start3A_150 = arith.constant 0 : i32
      %dma_start3A_151 = arith.constant 128 : i32
      %dma_start3A_152 = tpu.memref_slice %arg14[%dma_start3A_150, %dma_start3A_151] : memref<1x2048xf32, #tpu.memory_space<vmem>> -> memref<1x128xf32, #tpu.memory_space<vmem>>
      %dma_start3A_153 = arith.constant 0 : i32
      %dma_start3A_154 = tpu.memref_slice %arg7[%dma_start3A_153, %multiple_of3A_119] : memref<1x1000000xf32, #tpu.memory_space<hbm>> -> memref<1x128xf32, #tpu.memory_space<hbm>>
      %dma_start3A_155 = arith.constant 0 : i32
      %dma_start3A_156 = arith.constant 128 : i32
      %dma_start3A_157 = tpu.memref_slice %arg14[%dma_start3A_155, %dma_start3A_156] : memref<1x2048xf32, #tpu.memory_space<vmem>> -> memref<1x128xf32, #tpu.memory_space<vmem>>
      %dma_start3A_158 = arith.constant 0 : i32
      %dma_start3A_159 = tpu.memref_slice %arg7[%dma_start3A_158, %multiple_of3A_119] : memref<1x1000000xf32, #tpu.memory_space<hbm>> -> memref<1x128xf32, #tpu.memory_space<hbm>>
      tpu.enqueue_dma source(%dma_start3A_159 : memref<1x128xf32, #tpu.memory_space<hbm>>) target(%dma_start3A_157 : memref<1x128xf32, #tpu.memory_space<vmem>>) target_semaphore(%arg16 : memref<!tpu.dma_semaphore, #tpu.memory_space<semaphore_mem>>)
      %slice3A_160 = vector.extract_strided_slice %get3A_54 {offsets = [2], sizes = [1], strides = [1]} : vector<16xi32> to vector<1xi32>
      %squeeze3A_161 = vector.extract %slice3A_160[0] : i32 from vector<1xi32>
      %shift_right_arithmetic3A_162 = arith.constant 7 : i32
      %shift_right_arithmetic3A_163 = arith.shrsi %squeeze3A_161, %shift_right_arithmetic3A_162 : i32
      %shift_left3A_164 = arith.constant 7 : i32
      %shift_left3A_165 = arith.shli %shift_right_arithmetic3A_163, %shift_left3A_164 : i32
      %multiple_of3A_166 = tpu.assume_multiple %shift_left3A_165, 128 : i32
      %slice3A_167 = vector.extract_strided_slice %get3A_57 {offsets = [2], sizes = [1], strides = [1]} : vector<16xi32> to vector<1xi32>
      %squeeze3A_168 = vector.extract %slice3A_167[0] : i32 from vector<1xi32>
      %shift_right_arithmetic3A_169 = arith.constant 7 : i32
      %shift_right_arithmetic3A_170 = arith.shrsi %squeeze3A_168, %shift_right_arithmetic3A_169 : i32
      %shift_left3A_171 = arith.constant 7 : i32
      %shift_left3A_172 = arith.shli %shift_right_arithmetic3A_170, %shift_left3A_171 : i32
      %multiple_of3A_173 = tpu.assume_multiple %shift_left3A_172, 128 : i32
      %dma_start3A_174 = arith.constant 0 : i32
      %dma_start3A_175 = arith.constant 256 : i32
      %dma_start3A_176 = tpu.memref_slice %arg11[%dma_start3A_174, %dma_start3A_175] : memref<16x2048xf32, #tpu.memory_space<vmem>> -> memref<16x128xf32, #tpu.memory_space<vmem>>
      %dma_start3A_177 = arith.constant 0 : i32
      %dma_start3A_178 = tpu.memref_slice %arg4[%dma_start3A_177, %multiple_of3A_166] : memref<16x1000000xf32, #tpu.memory_space<hbm>> -> memref<16x128xf32, #tpu.memory_space<hbm>>
      %dma_start3A_179 = arith.constant 0 : i32
      %dma_start3A_180 = arith.constant 256 : i32
      %dma_start3A_181 = tpu.memref_slice %arg11[%dma_start3A_179, %dma_start3A_180] : memref<16x2048xf32, #tpu.memory_space<vmem>> -> memref<16x128xf32, #tpu.memory_space<vmem>>
      %dma_start3A_182 = arith.constant 0 : i32
      %dma_start3A_183 = tpu.memref_slice %arg4[%dma_start3A_182, %multiple_of3A_166] : memref<16x1000000xf32, #tpu.memory_space<hbm>> -> memref<16x128xf32, #tpu.memory_space<hbm>>
      tpu.enqueue_dma source(%dma_start3A_183 : memref<16x128xf32, #tpu.memory_space<hbm>>) target(%dma_start3A_181 : memref<16x128xf32, #tpu.memory_space<vmem>>) target_semaphore(%arg16 : memref<!tpu.dma_semaphore, #tpu.memory_space<semaphore_mem>>)
      %dma_start3A_184 = arith.constant 0 : i32
      %dma_start3A_185 = arith.constant 256 : i32
      %dma_start3A_186 = tpu.memref_slice %arg12[%dma_start3A_184, %dma_start3A_185] : memref<16x2048xf32, #tpu.memory_space<vmem>> -> memref<16x128xf32, #tpu.memory_space<vmem>>
      %dma_start3A_187 = arith.constant 0 : i32
      %dma_start3A_188 = tpu.memref_slice %arg5[%dma_start3A_187, %multiple_of3A_173] : memref<16x1000000xf32, #tpu.memory_space<hbm>> -> memref<16x128xf32, #tpu.memory_space<hbm>>
      %dma_start3A_189 = arith.constant 0 : i32
      %dma_start3A_190 = arith.constant 256 : i32
      %dma_start3A_191 = tpu.memref_slice %arg12[%dma_start3A_189, %dma_start3A_190] : memref<16x2048xf32, #tpu.memory_space<vmem>> -> memref<16x128xf32, #tpu.memory_space<vmem>>
      %dma_start3A_192 = arith.constant 0 : i32
      %dma_start3A_193 = tpu.memref_slice %arg5[%dma_start3A_192, %multiple_of3A_173] : memref<16x1000000xf32, #tpu.memory_space<hbm>> -> memref<16x128xf32, #tpu.memory_space<hbm>>
      tpu.enqueue_dma source(%dma_start3A_193 : memref<16x128xf32, #tpu.memory_space<hbm>>) target(%dma_start3A_191 : memref<16x128xf32, #tpu.memory_space<vmem>>) target_semaphore(%arg16 : memref<!tpu.dma_semaphore, #tpu.memory_space<semaphore_mem>>)
      %dma_start3A_194 = arith.constant 0 : i32
      %dma_start3A_195 = arith.constant 256 : i32
      %dma_start3A_196 = tpu.memref_slice %arg13[%dma_start3A_194, %dma_start3A_195] : memref<1x2048xf32, #tpu.memory_space<vmem>> -> memref<1x128xf32, #tpu.memory_space<vmem>>
      %dma_start3A_197 = arith.constant 0 : i32
      %dma_start3A_198 = tpu.memref_slice %arg6[%dma_start3A_197, %multiple_of3A_166] : memref<1x1000000xf32, #tpu.memory_space<hbm>> -> memref<1x128xf32, #tpu.memory_space<hbm>>
      %dma_start3A_199 = arith.constant 0 : i32
      %dma_start3A_200 = arith.constant 256 : i32
      %dma_start3A_201 = tpu.memref_slice %arg13[%dma_start3A_199, %dma_start3A_200] : memref<1x2048xf32, #tpu.memory_space<vmem>> -> memref<1x128xf32, #tpu.memory_space<vmem>>
      %dma_start3A_202 = arith.constant 0 : i32
      %dma_start3A_203 = tpu.memref_slice %arg6[%dma_start3A_202, %multiple_of3A_166] : memref<1x1000000xf32, #tpu.memory_space<hbm>> -> memref<1x128xf32, #tpu.memory_space<hbm>>
      tpu.enqueue_dma source(%dma_start3A_203 : memref<1x128xf32, #tpu.memory_space<hbm>>) target(%dma_start3A_201 : memref<1x128xf32, #tpu.memory_space<vmem>>) target_semaphore(%arg16 : memref<!tpu.dma_semaphore, #tpu.memory_space<semaphore_mem>>)
      %dma_start3A_204 = arith.constant 0 : i32
      %dma_start3A_205 = arith.constant 256 : i32
      %dma_start3A_206 = tpu.memref_slice %arg14[%dma_start3A_204, %dma_start3A_205] : memref<1x2048xf32, #tpu.memory_space<vmem>> -> memref<1x128xf32, #tpu.memory_space<vmem>>
      %dma_start3A_207 = arith.constant 0 : i32
      %dma_start3A_208 = tpu.memref_slice %arg7[%dma_start3A_207, %multiple_of3A_173] : memref<1x1000000xf32, #tpu.memory_space<hbm>> -> memref<1x128xf32, #tpu.memory_space<hbm>>
      %dma_start3A_209 = arith.constant 0 : i32
      %dma_start3A_210 = arith.constant 256 : i32
      %dma_start3A_211 = tpu.memref_slice %arg14[%dma_start3A_209, %dma_start3A_210] : memref<1x2048xf32, #tpu.memory_space<vmem>> -> memref<1x128xf32, #tpu.memory_space<vmem>>
      %dma_start3A_212 = arith.constant 0 : i32
      %dma_start3A_213 = tpu.memref_slice %arg7[%dma_start3A_212, %multiple_of3A_173] : memref<1x1000000xf32, #tpu.memory_space<hbm>> -> memref<1x128xf32, #tpu.memory_space<hbm>>
      tpu.enqueue_dma source(%dma_start3A_213 : memref<1x128xf32, #tpu.memory_space<hbm>>) target(%dma_start3A_211 : memref<1x128xf32, #tpu.memory_space<vmem>>) target_semaphore(%arg16 : memref<!tpu.dma_semaphore, #tpu.memory_space<semaphore_mem>>)
      %slice3A_214 = vector.extract_strided_slice %get3A_54 {offsets = [3], sizes = [1], strides = [1]} : vector<16xi32> to vector<1xi32>
      %squeeze3A_215 = vector.extract %slice3A_214[0] : i32 from vector<1xi32>
      %shift_right_arithmetic3A_216 = arith.constant 7 : i32
      %shift_right_arithmetic3A_217 = arith.shrsi %squeeze3A_215, %shift_right_arithmetic3A_216 : i32
      %shift_left3A_218 = arith.constant 7 : i32
      %shift_left3A_219 = arith.shli %shift_right_arithmetic3A_217, %shift_left3A_218 : i32
      %multiple_of3A_220 = tpu.assume_multiple %shift_left3A_219, 128 : i32
      %slice3A_221 = vector.extract_strided_slice %get3A_57 {offsets = [3], sizes = [1], strides = [1]} : vector<16xi32> to vector<1xi32>
      %squeeze3A_222 = vector.extract %slice3A_221[0] : i32 from vector<1xi32>
      %shift_right_arithmetic3A_223 = arith.constant 7 : i32
      %shift_right_arithmetic3A_224 = arith.shrsi %squeeze3A_222, %shift_right_arithmetic3A_223 : i32
      %shift_left3A_225 = arith.constant 7 : i32
      %shift_left3A_226 = arith.shli %shift_right_arithmetic3A_224, %shift_left3A_225 : i32
      %multiple_of3A_227 = tpu.assume_multiple %shift_left3A_226, 128 : i32
      %dma_start3A_228 = arith.constant 0 : i32
      %dma_start3A_229 = arith.constant 384 : i32
      %dma_start3A_230 = tpu.memref_slice %arg11[%dma_start3A_228, %dma_start3A_229] : memref<16x2048xf32, #tpu.memory_space<vmem>> -> memref<16x128xf32, #tpu.memory_space<vmem>>
      %dma_start3A_231 = arith.constant 0 : i32
      %dma_start3A_232 = tpu.memref_slice %arg4[%dma_start3A_231, %multiple_of3A_220] : memref<16x1000000xf32, #tpu.memory_space<hbm>> -> memref<16x128xf32, #tpu.memory_space<hbm>>
      %dma_start3A_233 = arith.constant 0 : i32
      %dma_start3A_234 = arith.constant 384 : i32
      %dma_start3A_235 = tpu.memref_slice %arg11[%dma_start3A_233, %dma_start3A_234] : memref<16x2048xf32, #tpu.memory_space<vmem>> -> memref<16x128xf32, #tpu.memory_space<vmem>>
      %dma_start3A_236 = arith.constant 0 : i32
      %dma_start3A_237 = tpu.memref_slice %arg4[%dma_start3A_236, %multiple_of3A_220] : memref<16x1000000xf32, #tpu.memory_space<hbm>> -> memref<16x128xf32, #tpu.memory_space<hbm>>
      tpu.enqueue_dma source(%dma_start3A_237 : memref<16x128xf32, #tpu.memory_space<hbm>>) target(%dma_start3A_235 : memref<16x128xf32, #tpu.memory_space<vmem>>) target_semaphore(%arg16 : memref<!tpu.dma_semaphore, #tpu.memory_space<semaphore_mem>>)
      %dma_start3A_238 = arith.constant 0 : i32
      %dma_start3A_239 = arith.constant 384 : i32
      %dma_start3A_240 = tpu.memref_slice %arg12[%dma_start3A_238, %dma_start3A_239] : memref<16x2048xf32, #tpu.memory_space<vmem>> -> memref<16x128xf32, #tpu.memory_space<vmem>>
      %dma_start3A_241 = arith.constant 0 : i32
      %dma_start3A_242 = tpu.memref_slice %arg5[%dma_start3A_241, %multiple_of3A_227] : memref<16x1000000xf32, #tpu.memory_space<hbm>> -> memref<16x128xf32, #tpu.memory_space<hbm>>
      %dma_start3A_243 = arith.constant 0 : i32
      %dma_start3A_244 = arith.constant 384 : i32
      %dma_start3A_245 = tpu.memref_slice %arg12[%dma_start3A_243, %dma_start3A_244] : memref<16x2048xf32, #tpu.memory_space<vmem>> -> memref<16x128xf32, #tpu.memory_space<vmem>>
      %dma_start3A_246 = arith.constant 0 : i32
      %dma_start3A_247 = tpu.memref_slice %arg5[%dma_start3A_246, %multiple_of3A_227] : memref<16x1000000xf32, #tpu.memory_space<hbm>> -> memref<16x128xf32, #tpu.memory_space<hbm>>
      tpu.enqueue_dma source(%dma_start3A_247 : memref<16x128xf32, #tpu.memory_space<hbm>>) target(%dma_start3A_245 : memref<16x128xf32, #tpu.memory_space<vmem>>) target_semaphore(%arg16 : memref<!tpu.dma_semaphore, #tpu.memory_space<semaphore_mem>>)
      %dma_start3A_248 = arith.constant 0 : i32
      %dma_start3A_249 = arith.constant 384 : i32
      %dma_start3A_250 = tpu.memref_slice %arg13[%dma_start3A_248, %dma_start3A_249] : memref<1x2048xf32, #tpu.memory_space<vmem>> -> memref<1x128xf32, #tpu.memory_space<vmem>>
      %dma_start3A_251 = arith.constant 0 : i32
      %dma_start3A_252 = tpu.memref_slice %arg6[%dma_start3A_251, %multiple_of3A_220] : memref<1x1000000xf32, #tpu.memory_space<hbm>> -> memref<1x128xf32, #tpu.memory_space<hbm>>
      %dma_start3A_253 = arith.constant 0 : i32
      %dma_start3A_254 = arith.constant 384 : i32
      %dma_start3A_255 = tpu.memref_slice %arg13[%dma_start3A_253, %dma_start3A_254] : memref<1x2048xf32, #tpu.memory_space<vmem>> -> memref<1x128xf32, #tpu.memory_space<vmem>>
      %dma_start3A_256 = arith.constant 0 : i32
      %dma_start3A_257 = tpu.memref_slice %arg6[%dma_start3A_256, %multiple_of3A_220] : memref<1x1000000xf32, #tpu.memory_space<hbm>> -> memref<1x128xf32, #tpu.memory_space<hbm>>
      tpu.enqueue_dma source(%dma_start3A_257 : memref<1x128xf32, #tpu.memory_space<hbm>>) target(%dma_start3A_255 : memref<1x128xf32, #tpu.memory_space<vmem>>) target_semaphore(%arg16 : memref<!tpu.dma_semaphore, #tpu.memory_space<semaphore_mem>>)
      %dma_start3A_258 = arith.constant 0 : i32
      %dma_start3A_259 = arith.constant 384 : i32
      %dma_start3A_260 = tpu.memref_slice %arg14[%dma_start3A_258, %dma_start3A_259] : memref<1x2048xf32, #tpu.memory_space<vmem>> -> memref<1x128xf32, #tpu.memory_space<vmem>>
      %dma_start3A_261 = arith.constant 0 : i32
      %dma_start3A_262 = tpu.memref_slice %arg7[%dma_start3A_261, %multiple_of3A_227] : memref<1x1000000xf32, #tpu.memory_space<hbm>> -> memref<1x128xf32, #tpu.memory_space<hbm>>
      %dma_start3A_263 = arith.constant 0 : i32
      %dma_start3A_264 = arith.constant 384 : i32
      %dma_start3A_265 = tpu.memref_slice %arg14[%dma_start3A_263, %dma_start3A_264] : memref<1x2048xf32, #tpu.memory_space<vmem>> -> memref<1x128xf32, #tpu.memory_space<vmem>>
      %dma_start3A_266 = arith.constant 0 : i32
      %dma_start3A_267 = tpu.memref_slice %arg7[%dma_start3A_266, %multiple_of3A_227] : memref<1x1000000xf32, #tpu.memory_space<hbm>> -> memref<1x128xf32, #tpu.memory_space<hbm>>
      tpu.enqueue_dma source(%dma_start3A_267 : memref<1x128xf32, #tpu.memory_space<hbm>>) target(%dma_start3A_265 : memref<1x128xf32, #tpu.memory_space<vmem>>) target_semaphore(%arg16 : memref<!tpu.dma_semaphore, #tpu.memory_space<semaphore_mem>>)
      %slice3A_268 = vector.extract_strided_slice %get3A_54 {offsets = [4], sizes = [1], strides = [1]} : vector<16xi32> to vector<1xi32>
      %squeeze3A_269 = vector.extract %slice3A_268[0] : i32 from vector<1xi32>
      %shift_right_arithmetic3A_270 = arith.constant 7 : i32
      %shift_right_arithmetic3A_271 = arith.shrsi %squeeze3A_269, %shift_right_arithmetic3A_270 : i32
      %shift_left3A_272 = arith.constant 7 : i32
      %shift_left3A_273 = arith.shli %shift_right_arithmetic3A_271, %shift_left3A_272 : i32
      %multiple_of3A_274 = tpu.assume_multiple %shift_left3A_273, 128 : i32
      %slice3A_275 = vector.extract_strided_slice %get3A_57 {offsets = [4], sizes = [1], strides = [1]} : vector<16xi32> to vector<1xi32>
      %squeeze3A_276 = vector.extract %slice3A_275[0] : i32 from vector<1xi32>
      %shift_right_arithmetic3A_277 = arith.constant 7 : i32
      %shift_right_arithmetic3A_278 = arith.shrsi %squeeze3A_276, %shift_right_arithmetic3A_277 : i32
      %shift_left3A_279 = arith.constant 7 : i32
      %shift_left3A_280 = arith.shli %shift_right_arithmetic3A_278, %shift_left3A_279 : i32
      %multiple_of3A_281 = tpu.assume_multiple %shift_left3A_280, 128 : i32
      %dma_start3A_282 = arith.constant 0 : i32
      %dma_start3A_283 = arith.constant 512 : i32
      %dma_start3A_284 = tpu.memref_slice %arg11[%dma_start3A_282, %dma_start3A_283] : memref<16x2048xf32, #tpu.memory_space<vmem>> -> memref<16x128xf32, #tpu.memory_space<vmem>>
      %dma_start3A_285 = arith.constant 0 : i32
      %dma_start3A_286 = tpu.memref_slice %arg4[%dma_start3A_285, %multiple_of3A_274] : memref<16x1000000xf32, #tpu.memory_space<hbm>> -> memref<16x128xf32, #tpu.memory_space<hbm>>
      %dma_start3A_287 = arith.constant 0 : i32
      %dma_start3A_288 = arith.constant 512 : i32
      %dma_start3A_289 = tpu.memref_slice %arg11[%dma_start3A_287, %dma_start3A_288] : memref<16x2048xf32, #tpu.memory_space<vmem>> -> memref<16x128xf32, #tpu.memory_space<vmem>>
      %dma_start3A_290 = arith.constant 0 : i32
      %dma_start3A_291 = tpu.memref_slice %arg4[%dma_start3A_290, %multiple_of3A_274] : memref<16x1000000xf32, #tpu.memory_space<hbm>> -> memref<16x128xf32, #tpu.memory_space<hbm>>
      tpu.enqueue_dma source(%dma_start3A_291 : memref<16x128xf32, #tpu.memory_space<hbm>>) target(%dma_start3A_289 : memref<16x128xf32, #tpu.memory_space<vmem>>) target_semaphore(%arg16 : memref<!tpu.dma_semaphore, #tpu.memory_space<semaphore_mem>>)
      %dma_start3A_292 = arith.constant 0 : i32
      %dma_start3A_293 = arith.constant 512 : i32
      %dma_start3A_294 = tpu.memref_slice %arg12[%dma_start3A_292, %dma_start3A_293] : memref<16x2048xf32, #tpu.memory_space<vmem>> -> memref<16x128xf32, #tpu.memory_space<vmem>>
      %dma_start3A_295 = arith.constant 0 : i32
      %dma_start3A_296 = tpu.memref_slice %arg5[%dma_start3A_295, %multiple_of3A_281] : memref<16x1000000xf32, #tpu.memory_space<hbm>> -> memref<16x128xf32, #tpu.memory_space<hbm>>
      %dma_start3A_297 = arith.constant 0 : i32
      %dma_start3A_298 = arith.constant 512 : i32
      %dma_start3A_299 = tpu.memref_slice %arg12[%dma_start3A_297, %dma_start3A_298] : memref<16x2048xf32, #tpu.memory_space<vmem>> -> memref<16x128xf32, #tpu.memory_space<vmem>>
      %dma_start3A_300 = arith.constant 0 : i32
      %dma_start3A_301 = tpu.memref_slice %arg5[%dma_start3A_300, %multiple_of3A_281] : memref<16x1000000xf32, #tpu.memory_space<hbm>> -> memref<16x128xf32, #tpu.memory_space<hbm>>
      tpu.enqueue_dma source(%dma_start3A_301 : memref<16x128xf32, #tpu.memory_space<hbm>>) target(%dma_start3A_299 : memref<16x128xf32, #tpu.memory_space<vmem>>) target_semaphore(%arg16 : memref<!tpu.dma_semaphore, #tpu.memory_space<semaphore_mem>>)
      %dma_start3A_302 = arith.constant 0 : i32
      %dma_start3A_303 = arith.constant 512 : i32
      %dma_start3A_304 = tpu.memref_slice %arg13[%dma_start3A_302, %dma_start3A_303] : memref<1x2048xf32, #tpu.memory_space<vmem>> -> memref<1x128xf32, #tpu.memory_space<vmem>>
      %dma_start3A_305 = arith.constant 0 : i32
      %dma_start3A_306 = tpu.memref_slice %arg6[%dma_start3A_305, %multiple_of3A_274] : memref<1x1000000xf32, #tpu.memory_space<hbm>> -> memref<1x128xf32, #tpu.memory_space<hbm>>
      %dma_start3A_307 = arith.constant 0 : i32
      %dma_start3A_308 = arith.constant 512 : i32
      %dma_start3A_309 = tpu.memref_slice %arg13[%dma_start3A_307, %dma_start3A_308] : memref<1x2048xf32, #tpu.memory_space<vmem>> -> memref<1x128xf32, #tpu.memory_space<vmem>>
      %dma_start3A_310 = arith.constant 0 : i32
      %dma_start3A_311 = tpu.memref_slice %arg6[%dma_start3A_310, %multiple_of3A_274] : memref<1x1000000xf32, #tpu.memory_space<hbm>> -> memref<1x128xf32, #tpu.memory_space<hbm>>
      tpu.enqueue_dma source(%dma_start3A_311 : memref<1x128xf32, #tpu.memory_space<hbm>>) target(%dma_start3A_309 : memref<1x128xf32, #tpu.memory_space<vmem>>) target_semaphore(%arg16 : memref<!tpu.dma_semaphore, #tpu.memory_space<semaphore_mem>>)
      %dma_start3A_312 = arith.constant 0 : i32
      %dma_start3A_313 = arith.constant 512 : i32
      %dma_start3A_314 = tpu.memref_slice %arg14[%dma_start3A_312, %dma_start3A_313] : memref<1x2048xf32, #tpu.memory_space<vmem>> -> memref<1x128xf32, #tpu.memory_space<vmem>>
      %dma_start3A_315 = arith.constant 0 : i32
      %dma_start3A_316 = tpu.memref_slice %arg7[%dma_start3A_315, %multiple_of3A_281] : memref<1x1000000xf32, #tpu.memory_space<hbm>> -> memref<1x128xf32, #tpu.memory_space<hbm>>
      %dma_start3A_317 = arith.constant 0 : i32
      %dma_start3A_318 = arith.constant 512 : i32
      %dma_start3A_319 = tpu.memref_slice %arg14[%dma_start3A_317, %dma_start3A_318] : memref<1x2048xf32, #tpu.memory_space<vmem>> -> memref<1x128xf32, #tpu.memory_space<vmem>>
      %dma_start3A_320 = arith.constant 0 : i32
      %dma_start3A_321 = tpu.memref_slice %arg7[%dma_start3A_320, %multiple_of3A_281] : memref<1x1000000xf32, #tpu.memory_space<hbm>> -> memref<1x128xf32, #tpu.memory_space<hbm>>
      tpu.enqueue_dma source(%dma_start3A_321 : memref<1x128xf32, #tpu.memory_space<hbm>>) target(%dma_start3A_319 : memref<1x128xf32, #tpu.memory_space<vmem>>) target_semaphore(%arg16 : memref<!tpu.dma_semaphore, #tpu.memory_space<semaphore_mem>>)
      %slice3A_322 = vector.extract_strided_slice %get3A_54 {offsets = [5], sizes = [1], strides = [1]} : vector<16xi32> to vector<1xi32>
      %squeeze3A_323 = vector.extract %slice3A_322[0] : i32 from vector<1xi32>
      %shift_right_arithmetic3A_324 = arith.constant 7 : i32
      %shift_right_arithmetic3A_325 = arith.shrsi %squeeze3A_323, %shift_right_arithmetic3A_324 : i32
      %shift_left3A_326 = arith.constant 7 : i32
      %shift_left3A_327 = arith.shli %shift_right_arithmetic3A_325, %shift_left3A_326 : i32
      %multiple_of3A_328 = tpu.assume_multiple %shift_left3A_327, 128 : i32
      %slice3A_329 = vector.extract_strided_slice %get3A_57 {offsets = [5], sizes = [1], strides = [1]} : vector<16xi32> to vector<1xi32>
      %squeeze3A_330 = vector.extract %slice3A_329[0] : i32 from vector<1xi32>
      %shift_right_arithmetic3A_331 = arith.constant 7 : i32
      %shift_right_arithmetic3A_332 = arith.shrsi %squeeze3A_330, %shift_right_arithmetic3A_331 : i32
      %shift_left3A_333 = arith.constant 7 : i32
      %shift_left3A_334 = arith.shli %shift_right_arithmetic3A_332, %shift_left3A_333 : i32
      %multiple_of3A_335 = tpu.assume_multiple %shift_left3A_334, 128 : i32
      %dma_start3A_336 = arith.constant 0 : i32
      %dma_start3A_337 = arith.constant 640 : i32
      %dma_start3A_338 = tpu.memref_slice %arg11[%dma_start3A_336, %dma_start3A_337] : memref<16x2048xf32, #tpu.memory_space<vmem>> -> memref<16x128xf32, #tpu.memory_space<vmem>>
      %dma_start3A_339 = arith.constant 0 : i32
      %dma_start3A_340 = tpu.memref_slice %arg4[%dma_start3A_339, %multiple_of3A_328] : memref<16x1000000xf32, #tpu.memory_space<hbm>> -> memref<16x128xf32, #tpu.memory_space<hbm>>
      %dma_start3A_341 = arith.constant 0 : i32
      %dma_start3A_342 = arith.constant 640 : i32
      %dma_start3A_343 = tpu.memref_slice %arg11[%dma_start3A_341, %dma_start3A_342] : memref<16x2048xf32, #tpu.memory_space<vmem>> -> memref<16x128xf32, #tpu.memory_space<vmem>>
      %dma_start3A_344 = arith.constant 0 : i32
      %dma_start3A_345 = tpu.memref_slice %arg4[%dma_start3A_344, %multiple_of3A_328] : memref<16x1000000xf32, #tpu.memory_space<hbm>> -> memref<16x128xf32, #tpu.memory_space<hbm>>
      tpu.enqueue_dma source(%dma_start3A_345 : memref<16x128xf32, #tpu.memory_space<hbm>>) target(%dma_start3A_343 : memref<16x128xf32, #tpu.memory_space<vmem>>) target_semaphore(%arg16 : memref<!tpu.dma_semaphore, #tpu.memory_space<semaphore_mem>>)
      %dma_start3A_346 = arith.constant 0 : i32
      %dma_start3A_347 = arith.constant 640 : i32
      %dma_start3A_348 = tpu.memref_slice %arg12[%dma_start3A_346, %dma_start3A_347] : memref<16x2048xf32, #tpu.memory_space<vmem>> -> memref<16x128xf32, #tpu.memory_space<vmem>>
      %dma_start3A_349 = arith.constant 0 : i32
      %dma_start3A_350 = tpu.memref_slice %arg5[%dma_start3A_349, %multiple_of3A_335] : memref<16x1000000xf32, #tpu.memory_space<hbm>> -> memref<16x128xf32, #tpu.memory_space<hbm>>
      %dma_start3A_351 = arith.constant 0 : i32
      %dma_start3A_352 = arith.constant 640 : i32
      %dma_start3A_353 = tpu.memref_slice %arg12[%dma_start3A_351, %dma_start3A_352] : memref<16x2048xf32, #tpu.memory_space<vmem>> -> memref<16x128xf32, #tpu.memory_space<vmem>>
      %dma_start3A_354 = arith.constant 0 : i32
      %dma_start3A_355 = tpu.memref_slice %arg5[%dma_start3A_354, %multiple_of3A_335] : memref<16x1000000xf32, #tpu.memory_space<hbm>> -> memref<16x128xf32, #tpu.memory_space<hbm>>
      tpu.enqueue_dma source(%dma_start3A_355 : memref<16x128xf32, #tpu.memory_space<hbm>>) target(%dma_start3A_353 : memref<16x128xf32, #tpu.memory_space<vmem>>) target_semaphore(%arg16 : memref<!tpu.dma_semaphore, #tpu.memory_space<semaphore_mem>>)
      %dma_start3A_356 = arith.constant 0 : i32
      %dma_start3A_357 = arith.constant 640 : i32
      %dma_start3A_358 = tpu.memref_slice %arg13[%dma_start3A_356, %dma_start3A_357] : memref<1x2048xf32, #tpu.memory_space<vmem>> -> memref<1x128xf32, #tpu.memory_space<vmem>>
      %dma_start3A_359 = arith.constant 0 : i32
      %dma_start3A_360 = tpu.memref_slice %arg6[%dma_start3A_359, %multiple_of3A_328] : memref<1x1000000xf32, #tpu.memory_space<hbm>> -> memref<1x128xf32, #tpu.memory_space<hbm>>
      %dma_start3A_361 = arith.constant 0 : i32
      %dma_start3A_362 = arith.constant 640 : i32
      %dma_start3A_363 = tpu.memref_slice %arg13[%dma_start3A_361, %dma_start3A_362] : memref<1x2048xf32, #tpu.memory_space<vmem>> -> memref<1x128xf32, #tpu.memory_space<vmem>>
      %dma_start3A_364 = arith.constant 0 : i32
      %dma_start3A_365 = tpu.memref_slice %arg6[%dma_start3A_364, %multiple_of3A_328] : memref<1x1000000xf32, #tpu.memory_space<hbm>> -> memref<1x128xf32, #tpu.memory_space<hbm>>
      tpu.enqueue_dma source(%dma_start3A_365 : memref<1x128xf32, #tpu.memory_space<hbm>>) target(%dma_start3A_363 : memref<1x128xf32, #tpu.memory_space<vmem>>) target_semaphore(%arg16 : memref<!tpu.dma_semaphore, #tpu.memory_space<semaphore_mem>>)
      %dma_start3A_366 = arith.constant 0 : i32
      %dma_start3A_367 = arith.constant 640 : i32
      %dma_start3A_368 = tpu.memref_slice %arg14[%dma_start3A_366, %dma_start3A_367] : memref<1x2048xf32, #tpu.memory_space<vmem>> -> memref<1x128xf32, #tpu.memory_space<vmem>>
      %dma_start3A_369 = arith.constant 0 : i32
      %dma_start3A_370 = tpu.memref_slice %arg7[%dma_start3A_369, %multiple_of3A_335] : memref<1x1000000xf32, #tpu.memory_space<hbm>> -> memref<1x128xf32, #tpu.memory_space<hbm>>
      %dma_start3A_371 = arith.constant 0 : i32
      %dma_start3A_372 = arith.constant 640 : i32
      %dma_start3A_373 = tpu.memref_slice %arg14[%dma_start3A_371, %dma_start3A_372] : memref<1x2048xf32, #tpu.memory_space<vmem>> -> memref<1x128xf32, #tpu.memory_space<vmem>>
      %dma_start3A_374 = arith.constant 0 : i32
      %dma_start3A_375 = tpu.memref_slice %arg7[%dma_start3A_374, %multiple_of3A_335] : memref<1x1000000xf32, #tpu.memory_space<hbm>> -> memref<1x128xf32, #tpu.memory_space<hbm>>
      tpu.enqueue_dma source(%dma_start3A_375 : memref<1x128xf32, #tpu.memory_space<hbm>>) target(%dma_start3A_373 : memref<1x128xf32, #tpu.memory_space<vmem>>) target_semaphore(%arg16 : memref<!tpu.dma_semaphore, #tpu.memory_space<semaphore_mem>>)
      %slice3A_376 = vector.extract_strided_slice %get3A_54 {offsets = [6], sizes = [1], strides = [1]} : vector<16xi32> to vector<1xi32>
      %squeeze3A_377 = vector.extract %slice3A_376[0] : i32 from vector<1xi32>
      %shift_right_arithmetic3A_378 = arith.constant 7 : i32
      %shift_right_arithmetic3A_379 = arith.shrsi %squeeze3A_377, %shift_right_arithmetic3A_378 : i32
      %shift_left3A_380 = arith.constant 7 : i32
      %shift_left3A_381 = arith.shli %shift_right_arithmetic3A_379, %shift_left3A_380 : i32
      %multiple_of3A_382 = tpu.assume_multiple %shift_left3A_381, 128 : i32
      %slice3A_383 = vector.extract_strided_slice %get3A_57 {offsets = [6], sizes = [1], strides = [1]} : vector<16xi32> to vector<1xi32>
      %squeeze3A_384 = vector.extract %slice3A_383[0] : i32 from vector<1xi32>
      %shift_right_arithmetic3A_385 = arith.constant 7 : i32
      %shift_right_arithmetic3A_386 = arith.shrsi %squeeze3A_384, %shift_right_arithmetic3A_385 : i32
      %shift_left3A_387 = arith.constant 7 : i32
      %shift_left3A_388 = arith.shli %shift_right_arithmetic3A_386, %shift_left3A_387 : i32
      %multiple_of3A_389 = tpu.assume_multiple %shift_left3A_388, 128 : i32
      %dma_start3A_390 = arith.constant 0 : i32
      %dma_start3A_391 = arith.constant 768 : i32
      %dma_start3A_392 = tpu.memref_slice %arg11[%dma_start3A_390, %dma_start3A_391] : memref<16x2048xf32, #tpu.memory_space<vmem>> -> memref<16x128xf32, #tpu.memory_space<vmem>>
      %dma_start3A_393 = arith.constant 0 : i32
      %dma_start3A_394 = tpu.memref_slice %arg4[%dma_start3A_393, %multiple_of3A_382] : memref<16x1000000xf32, #tpu.memory_space<hbm>> -> memref<16x128xf32, #tpu.memory_space<hbm>>
      %dma_start3A_395 = arith.constant 0 : i32
      %dma_start3A_396 = arith.constant 768 : i32
      %dma_start3A_397 = tpu.memref_slice %arg11[%dma_start3A_395, %dma_start3A_396] : memref<16x2048xf32, #tpu.memory_space<vmem>> -> memref<16x128xf32, #tpu.memory_space<vmem>>
      %dma_start3A_398 = arith.constant 0 : i32
      %dma_start3A_399 = tpu.memref_slice %arg4[%dma_start3A_398, %multiple_of3A_382] : memref<16x1000000xf32, #tpu.memory_space<hbm>> -> memref<16x128xf32, #tpu.memory_space<hbm>>
      tpu.enqueue_dma source(%dma_start3A_399 : memref<16x128xf32, #tpu.memory_space<hbm>>) target(%dma_start3A_397 : memref<16x128xf32, #tpu.memory_space<vmem>>) target_semaphore(%arg16 : memref<!tpu.dma_semaphore, #tpu.memory_space<semaphore_mem>>)
      %dma_start3A_400 = arith.constant 0 : i32
      %dma_start3A_401 = arith.constant 768 : i32
      %dma_start3A_402 = tpu.memref_slice %arg12[%dma_start3A_400, %dma_start3A_401] : memref<16x2048xf32, #tpu.memory_space<vmem>> -> memref<16x128xf32, #tpu.memory_space<vmem>>
      %dma_start3A_403 = arith.constant 0 : i32
      %dma_start3A_404 = tpu.memref_slice %arg5[%dma_start3A_403, %multiple_of3A_389] : memref<16x1000000xf32, #tpu.memory_space<hbm>> -> memref<16x128xf32, #tpu.memory_space<hbm>>
      %dma_start3A_405 = arith.constant 0 : i32
      %dma_start3A_406 = arith.constant 768 : i32
      %dma_start3A_407 = tpu.memref_slice %arg12[%dma_start3A_405, %dma_start3A_406] : memref<16x2048xf32, #tpu.memory_space<vmem>> -> memref<16x128xf32, #tpu.memory_space<vmem>>
      %dma_start3A_408 = arith.constant 0 : i32
      %dma_start3A_409 = tpu.memref_slice %arg5[%dma_start3A_408, %multiple_of3A_389] : memref<16x1000000xf32, #tpu.memory_space<hbm>> -> memref<16x128xf32, #tpu.memory_space<hbm>>
      tpu.enqueue_dma source(%dma_start3A_409 : memref<16x128xf32, #tpu.memory_space<hbm>>) target(%dma_start3A_407 : memref<16x128xf32, #tpu.memory_space<vmem>>) target_semaphore(%arg16 : memref<!tpu.dma_semaphore, #tpu.memory_space<semaphore_mem>>)
      %dma_start3A_410 = arith.constant 0 : i32
      %dma_start3A_411 = arith.constant 768 : i32
      %dma_start3A_412 = tpu.memref_slice %arg13[%dma_start3A_410, %dma_start3A_411] : memref<1x2048xf32, #tpu.memory_space<vmem>> -> memref<1x128xf32, #tpu.memory_space<vmem>>
      %dma_start3A_413 = arith.constant 0 : i32
      %dma_start3A_414 = tpu.memref_slice %arg6[%dma_start3A_413, %multiple_of3A_382] : memref<1x1000000xf32, #tpu.memory_space<hbm>> -> memref<1x128xf32, #tpu.memory_space<hbm>>
      %dma_start3A_415 = arith.constant 0 : i32
      %dma_start3A_416 = arith.constant 768 : i32
      %dma_start3A_417 = tpu.memref_slice %arg13[%dma_start3A_415, %dma_start3A_416] : memref<1x2048xf32, #tpu.memory_space<vmem>> -> memref<1x128xf32, #tpu.memory_space<vmem>>
      %dma_start3A_418 = arith.constant 0 : i32
      %dma_start3A_419 = tpu.memref_slice %arg6[%dma_start3A_418, %multiple_of3A_382] : memref<1x1000000xf32, #tpu.memory_space<hbm>> -> memref<1x128xf32, #tpu.memory_space<hbm>>
      tpu.enqueue_dma source(%dma_start3A_419 : memref<1x128xf32, #tpu.memory_space<hbm>>) target(%dma_start3A_417 : memref<1x128xf32, #tpu.memory_space<vmem>>) target_semaphore(%arg16 : memref<!tpu.dma_semaphore, #tpu.memory_space<semaphore_mem>>)
      %dma_start3A_420 = arith.constant 0 : i32
      %dma_start3A_421 = arith.constant 768 : i32
      %dma_start3A_422 = tpu.memref_slice %arg14[%dma_start3A_420, %dma_start3A_421] : memref<1x2048xf32, #tpu.memory_space<vmem>> -> memref<1x128xf32, #tpu.memory_space<vmem>>
      %dma_start3A_423 = arith.constant 0 : i32
      %dma_start3A_424 = tpu.memref_slice %arg7[%dma_start3A_423, %multiple_of3A_389] : memref<1x1000000xf32, #tpu.memory_space<hbm>> -> memref<1x128xf32, #tpu.memory_space<hbm>>
      %dma_start3A_425 = arith.constant 0 : i32
      %dma_start3A_426 = arith.constant 768 : i32
      %dma_start3A_427 = tpu.memref_slice %arg14[%dma_start3A_425, %dma_start3A_426] : memref<1x2048xf32, #tpu.memory_space<vmem>> -> memref<1x128xf32, #tpu.memory_space<vmem>>
      %dma_start3A_428 = arith.constant 0 : i32
      %dma_start3A_429 = tpu.memref_slice %arg7[%dma_start3A_428, %multiple_of3A_389] : memref<1x1000000xf32, #tpu.memory_space<hbm>> -> memref<1x128xf32, #tpu.memory_space<hbm>>
      tpu.enqueue_dma source(%dma_start3A_429 : memref<1x128xf32, #tpu.memory_space<hbm>>) target(%dma_start3A_427 : memref<1x128xf32, #tpu.memory_space<vmem>>) target_semaphore(%arg16 : memref<!tpu.dma_semaphore, #tpu.memory_space<semaphore_mem>>)
      %slice3A_430 = vector.extract_strided_slice %get3A_54 {offsets = [7], sizes = [1], strides = [1]} : vector<16xi32> to vector<1xi32>
      %squeeze3A_431 = vector.extract %slice3A_430[0] : i32 from vector<1xi32>
      %shift_right_arithmetic3A_432 = arith.constant 7 : i32
      %shift_right_arithmetic3A_433 = arith.shrsi %squeeze3A_431, %shift_right_arithmetic3A_432 : i32
      %shift_left3A_434 = arith.constant 7 : i32
      %shift_left3A_435 = arith.shli %shift_right_arithmetic3A_433, %shift_left3A_434 : i32
      %multiple_of3A_436 = tpu.assume_multiple %shift_left3A_435, 128 : i32
      %slice3A_437 = vector.extract_strided_slice %get3A_57 {offsets = [7], sizes = [1], strides = [1]} : vector<16xi32> to vector<1xi32>
      %squeeze3A_438 = vector.extract %slice3A_437[0] : i32 from vector<1xi32>
      %shift_right_arithmetic3A_439 = arith.constant 7 : i32
      %shift_right_arithmetic3A_440 = arith.shrsi %squeeze3A_438, %shift_right_arithmetic3A_439 : i32
      %shift_left3A_441 = arith.constant 7 : i32
      %shift_left3A_442 = arith.shli %shift_right_arithmetic3A_440, %shift_left3A_441 : i32
      %multiple_of3A_443 = tpu.assume_multiple %shift_left3A_442, 128 : i32
      %dma_start3A_444 = arith.constant 0 : i32
      %dma_start3A_445 = arith.constant 896 : i32
      %dma_start3A_446 = tpu.memref_slice %arg11[%dma_start3A_444, %dma_start3A_445] : memref<16x2048xf32, #tpu.memory_space<vmem>> -> memref<16x128xf32, #tpu.memory_space<vmem>>
      %dma_start3A_447 = arith.constant 0 : i32
      %dma_start3A_448 = tpu.memref_slice %arg4[%dma_start3A_447, %multiple_of3A_436] : memref<16x1000000xf32, #tpu.memory_space<hbm>> -> memref<16x128xf32, #tpu.memory_space<hbm>>
      %dma_start3A_449 = arith.constant 0 : i32
      %dma_start3A_450 = arith.constant 896 : i32
      %dma_start3A_451 = tpu.memref_slice %arg11[%dma_start3A_449, %dma_start3A_450] : memref<16x2048xf32, #tpu.memory_space<vmem>> -> memref<16x128xf32, #tpu.memory_space<vmem>>
      %dma_start3A_452 = arith.constant 0 : i32
      %dma_start3A_453 = tpu.memref_slice %arg4[%dma_start3A_452, %multiple_of3A_436] : memref<16x1000000xf32, #tpu.memory_space<hbm>> -> memref<16x128xf32, #tpu.memory_space<hbm>>
      tpu.enqueue_dma source(%dma_start3A_453 : memref<16x128xf32, #tpu.memory_space<hbm>>) target(%dma_start3A_451 : memref<16x128xf32, #tpu.memory_space<vmem>>) target_semaphore(%arg16 : memref<!tpu.dma_semaphore, #tpu.memory_space<semaphore_mem>>)
      %dma_start3A_454 = arith.constant 0 : i32
      %dma_start3A_455 = arith.constant 896 : i32
      %dma_start3A_456 = tpu.memref_slice %arg12[%dma_start3A_454, %dma_start3A_455] : memref<16x2048xf32, #tpu.memory_space<vmem>> -> memref<16x128xf32, #tpu.memory_space<vmem>>
      %dma_start3A_457 = arith.constant 0 : i32
      %dma_start3A_458 = tpu.memref_slice %arg5[%dma_start3A_457, %multiple_of3A_443] : memref<16x1000000xf32, #tpu.memory_space<hbm>> -> memref<16x128xf32, #tpu.memory_space<hbm>>
      %dma_start3A_459 = arith.constant 0 : i32
      %dma_start3A_460 = arith.constant 896 : i32
      %dma_start3A_461 = tpu.memref_slice %arg12[%dma_start3A_459, %dma_start3A_460] : memref<16x2048xf32, #tpu.memory_space<vmem>> -> memref<16x128xf32, #tpu.memory_space<vmem>>
      %dma_start3A_462 = arith.constant 0 : i32
      %dma_start3A_463 = tpu.memref_slice %arg5[%dma_start3A_462, %multiple_of3A_443] : memref<16x1000000xf32, #tpu.memory_space<hbm>> -> memref<16x128xf32, #tpu.memory_space<hbm>>
      tpu.enqueue_dma source(%dma_start3A_463 : memref<16x128xf32, #tpu.memory_space<hbm>>) target(%dma_start3A_461 : memref<16x128xf32, #tpu.memory_space<vmem>>) target_semaphore(%arg16 : memref<!tpu.dma_semaphore, #tpu.memory_space<semaphore_mem>>)
      %dma_start3A_464 = arith.constant 0 : i32
      %dma_start3A_465 = arith.constant 896 : i32
      %dma_start3A_466 = tpu.memref_slice %arg13[%dma_start3A_464, %dma_start3A_465] : memref<1x2048xf32, #tpu.memory_space<vmem>> -> memref<1x128xf32, #tpu.memory_space<vmem>>
      %dma_start3A_467 = arith.constant 0 : i32
      %dma_start3A_468 = tpu.memref_slice %arg6[%dma_start3A_467, %multiple_of3A_436] : memref<1x1000000xf32, #tpu.memory_space<hbm>> -> memref<1x128xf32, #tpu.memory_space<hbm>>
      %dma_start3A_469 = arith.constant 0 : i32
      %dma_start3A_470 = arith.constant 896 : i32
      %dma_start3A_471 = tpu.memref_slice %arg13[%dma_start3A_469, %dma_start3A_470] : memref<1x2048xf32, #tpu.memory_space<vmem>> -> memref<1x128xf32, #tpu.memory_space<vmem>>
      %dma_start3A_472 = arith.constant 0 : i32
      %dma_start3A_473 = tpu.memref_slice %arg6[%dma_start3A_472, %multiple_of3A_436] : memref<1x1000000xf32, #tpu.memory_space<hbm>> -> memref<1x128xf32, #tpu.memory_space<hbm>>
      tpu.enqueue_dma source(%dma_start3A_473 : memref<1x128xf32, #tpu.memory_space<hbm>>) target(%dma_start3A_471 : memref<1x128xf32, #tpu.memory_space<vmem>>) target_semaphore(%arg16 : memref<!tpu.dma_semaphore, #tpu.memory_space<semaphore_mem>>)
      %dma_start3A_474 = arith.constant 0 : i32
      %dma_start3A_475 = arith.constant 896 : i32
      %dma_start3A_476 = tpu.memref_slice %arg14[%dma_start3A_474, %dma_start3A_475] : memref<1x2048xf32, #tpu.memory_space<vmem>> -> memref<1x128xf32, #tpu.memory_space<vmem>>
      %dma_start3A_477 = arith.constant 0 : i32
      %dma_start3A_478 = tpu.memref_slice %arg7[%dma_start3A_477, %multiple_of3A_443] : memref<1x1000000xf32, #tpu.memory_space<hbm>> -> memref<1x128xf32, #tpu.memory_space<hbm>>
      %dma_start3A_479 = arith.constant 0 : i32
      %dma_start3A_480 = arith.constant 896 : i32
      %dma_start3A_481 = tpu.memref_slice %arg14[%dma_start3A_479, %dma_start3A_480] : memref<1x2048xf32, #tpu.memory_space<vmem>> -> memref<1x128xf32, #tpu.memory_space<vmem>>
      %dma_start3A_482 = arith.constant 0 : i32
      %dma_start3A_483 = tpu.memref_slice %arg7[%dma_start3A_482, %multiple_of3A_443] : memref<1x1000000xf32, #tpu.memory_space<hbm>> -> memref<1x128xf32, #tpu.memory_space<hbm>>
      tpu.enqueue_dma source(%dma_start3A_483 : memref<1x128xf32, #tpu.memory_space<hbm>>) target(%dma_start3A_481 : memref<1x128xf32, #tpu.memory_space<vmem>>) target_semaphore(%arg16 : memref<!tpu.dma_semaphore, #tpu.memory_space<semaphore_mem>>)
      %slice3A_484 = vector.extract_strided_slice %get3A_54 {offsets = [8], sizes = [1], strides = [1]} : vector<16xi32> to vector<1xi32>
      %squeeze3A_485 = vector.extract %slice3A_484[0] : i32 from vector<1xi32>
      %shift_right_arithmetic3A_486 = arith.constant 7 : i32
      %shift_right_arithmetic3A_487 = arith.shrsi %squeeze3A_485, %shift_right_arithmetic3A_486 : i32
      %shift_left3A_488 = arith.constant 7 : i32
      %shift_left3A_489 = arith.shli %shift_right_arithmetic3A_487, %shift_left3A_488 : i32
      %multiple_of3A_490 = tpu.assume_multiple %shift_left3A_489, 128 : i32
      %slice3A_491 = vector.extract_strided_slice %get3A_57 {offsets = [8], sizes = [1], strides = [1]} : vector<16xi32> to vector<1xi32>
      %squeeze3A_492 = vector.extract %slice3A_491[0] : i32 from vector<1xi32>
      %shift_right_arithmetic3A_493 = arith.constant 7 : i32
      %shift_right_arithmetic3A_494 = arith.shrsi %squeeze3A_492, %shift_right_arithmetic3A_493 : i32
      %shift_left3A_495 = arith.constant 7 : i32
      %shift_left3A_496 = arith.shli %shift_right_arithmetic3A_494, %shift_left3A_495 : i32
      %multiple_of3A_497 = tpu.assume_multiple %shift_left3A_496, 128 : i32
      %dma_start3A_498 = arith.constant 0 : i32
      %dma_start3A_499 = arith.constant 1024 : i32
      %dma_start3A_500 = tpu.memref_slice %arg11[%dma_start3A_498, %dma_start3A_499] : memref<16x2048xf32, #tpu.memory_space<vmem>> -> memref<16x128xf32, #tpu.memory_space<vmem>>
      %dma_start3A_501 = arith.constant 0 : i32
      %dma_start3A_502 = tpu.memref_slice %arg4[%dma_start3A_501, %multiple_of3A_490] : memref<16x1000000xf32, #tpu.memory_space<hbm>> -> memref<16x128xf32, #tpu.memory_space<hbm>>
      %dma_start3A_503 = arith.constant 0 : i32
      %dma_start3A_504 = arith.constant 1024 : i32
      %dma_start3A_505 = tpu.memref_slice %arg11[%dma_start3A_503, %dma_start3A_504] : memref<16x2048xf32, #tpu.memory_space<vmem>> -> memref<16x128xf32, #tpu.memory_space<vmem>>
      %dma_start3A_506 = arith.constant 0 : i32
      %dma_start3A_507 = tpu.memref_slice %arg4[%dma_start3A_506, %multiple_of3A_490] : memref<16x1000000xf32, #tpu.memory_space<hbm>> -> memref<16x128xf32, #tpu.memory_space<hbm>>
      tpu.enqueue_dma source(%dma_start3A_507 : memref<16x128xf32, #tpu.memory_space<hbm>>) target(%dma_start3A_505 : memref<16x128xf32, #tpu.memory_space<vmem>>) target_semaphore(%arg16 : memref<!tpu.dma_semaphore, #tpu.memory_space<semaphore_mem>>)
      %dma_start3A_508 = arith.constant 0 : i32
      %dma_start3A_509 = arith.constant 1024 : i32
      %dma_start3A_510 = tpu.memref_slice %arg12[%dma_start3A_508, %dma_start3A_509] : memref<16x2048xf32, #tpu.memory_space<vmem>> -> memref<16x128xf32, #tpu.memory_space<vmem>>
      %dma_start3A_511 = arith.constant 0 : i32
      %dma_start3A_512 = tpu.memref_slice %arg5[%dma_start3A_511, %multiple_of3A_497] : memref<16x1000000xf32, #tpu.memory_space<hbm>> -> memref<16x128xf32, #tpu.memory_space<hbm>>
      %dma_start3A_513 = arith.constant 0 : i32
      %dma_start3A_514 = arith.constant 1024 : i32
      %dma_start3A_515 = tpu.memref_slice %arg12[%dma_start3A_513, %dma_start3A_514] : memref<16x2048xf32, #tpu.memory_space<vmem>> -> memref<16x128xf32, #tpu.memory_space<vmem>>
      %dma_start3A_516 = arith.constant 0 : i32
      %dma_start3A_517 = tpu.memref_slice %arg5[%dma_start3A_516, %multiple_of3A_497] : memref<16x1000000xf32, #tpu.memory_space<hbm>> -> memref<16x128xf32, #tpu.memory_space<hbm>>
      tpu.enqueue_dma source(%dma_start3A_517 : memref<16x128xf32, #tpu.memory_space<hbm>>) target(%dma_start3A_515 : memref<16x128xf32, #tpu.memory_space<vmem>>) target_semaphore(%arg16 : memref<!tpu.dma_semaphore, #tpu.memory_space<semaphore_mem>>)
      %dma_start3A_518 = arith.constant 0 : i32
      %dma_start3A_519 = arith.constant 1024 : i32
      %dma_start3A_520 = tpu.memref_slice %arg13[%dma_start3A_518, %dma_start3A_519] : memref<1x2048xf32, #tpu.memory_space<vmem>> -> memref<1x128xf32, #tpu.memory_space<vmem>>
      %dma_start3A_521 = arith.constant 0 : i32
      %dma_start3A_522 = tpu.memref_slice %arg6[%dma_start3A_521, %multiple_of3A_490] : memref<1x1000000xf32, #tpu.memory_space<hbm>> -> memref<1x128xf32, #tpu.memory_space<hbm>>
      %dma_start3A_523 = arith.constant 0 : i32
      %dma_start3A_524 = arith.constant 1024 : i32
      %dma_start3A_525 = tpu.memref_slice %arg13[%dma_start3A_523, %dma_start3A_524] : memref<1x2048xf32, #tpu.memory_space<vmem>> -> memref<1x128xf32, #tpu.memory_space<vmem>>
      %dma_start3A_526 = arith.constant 0 : i32
      %dma_start3A_527 = tpu.memref_slice %arg6[%dma_start3A_526, %multiple_of3A_490] : memref<1x1000000xf32, #tpu.memory_space<hbm>> -> memref<1x128xf32, #tpu.memory_space<hbm>>
      tpu.enqueue_dma source(%dma_start3A_527 : memref<1x128xf32, #tpu.memory_space<hbm>>) target(%dma_start3A_525 : memref<1x128xf32, #tpu.memory_space<vmem>>) target_semaphore(%arg16 : memref<!tpu.dma_semaphore, #tpu.memory_space<semaphore_mem>>)
      %dma_start3A_528 = arith.constant 0 : i32
      %dma_start3A_529 = arith.constant 1024 : i32
      %dma_start3A_530 = tpu.memref_slice %arg14[%dma_start3A_528, %dma_start3A_529] : memref<1x2048xf32, #tpu.memory_space<vmem>> -> memref<1x128xf32, #tpu.memory_space<vmem>>
      %dma_start3A_531 = arith.constant 0 : i32
      %dma_start3A_532 = tpu.memref_slice %arg7[%dma_start3A_531, %multiple_of3A_497] : memref<1x1000000xf32, #tpu.memory_space<hbm>> -> memref<1x128xf32, #tpu.memory_space<hbm>>
      %dma_start3A_533 = arith.constant 0 : i32
      %dma_start3A_534 = arith.constant 1024 : i32
      %dma_start3A_535 = tpu.memref_slice %arg14[%dma_start3A_533, %dma_start3A_534] : memref<1x2048xf32, #tpu.memory_space<vmem>> -> memref<1x128xf32, #tpu.memory_space<vmem>>
      %dma_start3A_536 = arith.constant 0 : i32
      %dma_start3A_537 = tpu.memref_slice %arg7[%dma_start3A_536, %multiple_of3A_497] : memref<1x1000000xf32, #tpu.memory_space<hbm>> -> memref<1x128xf32, #tpu.memory_space<hbm>>
      tpu.enqueue_dma source(%dma_start3A_537 : memref<1x128xf32, #tpu.memory_space<hbm>>) target(%dma_start3A_535 : memref<1x128xf32, #tpu.memory_space<vmem>>) target_semaphore(%arg16 : memref<!tpu.dma_semaphore, #tpu.memory_space<semaphore_mem>>)
      %slice3A_538 = vector.extract_strided_slice %get3A_54 {offsets = [9], sizes = [1], strides = [1]} : vector<16xi32> to vector<1xi32>
      %squeeze3A_539 = vector.extract %slice3A_538[0] : i32 from vector<1xi32>
      %shift_right_arithmetic3A_540 = arith.constant 7 : i32
      %shift_right_arithmetic3A_541 = arith.shrsi %squeeze3A_539, %shift_right_arithmetic3A_540 : i32
      %shift_left3A_542 = arith.constant 7 : i32
      %shift_left3A_543 = arith.shli %shift_right_arithmetic3A_541, %shift_left3A_542 : i32
      %multiple_of3A_544 = tpu.assume_multiple %shift_left3A_543, 128 : i32
      %slice3A_545 = vector.extract_strided_slice %get3A_57 {offsets = [9], sizes = [1], strides = [1]} : vector<16xi32> to vector<1xi32>
      %squeeze3A_546 = vector.extract %slice3A_545[0] : i32 from vector<1xi32>
      %shift_right_arithmetic3A_547 = arith.constant 7 : i32
      %shift_right_arithmetic3A_548 = arith.shrsi %squeeze3A_546, %shift_right_arithmetic3A_547 : i32
      %shift_left3A_549 = arith.constant 7 : i32
      %shift_left3A_550 = arith.shli %shift_right_arithmetic3A_548, %shift_left3A_549 : i32
      %multiple_of3A_551 = tpu.assume_multiple %shift_left3A_550, 128 : i32
      %dma_start3A_552 = arith.constant 0 : i32
      %dma_start3A_553 = arith.constant 1152 : i32
      %dma_start3A_554 = tpu.memref_slice %arg11[%dma_start3A_552, %dma_start3A_553] : memref<16x2048xf32, #tpu.memory_space<vmem>> -> memref<16x128xf32, #tpu.memory_space<vmem>>
      %dma_start3A_555 = arith.constant 0 : i32
      %dma_start3A_556 = tpu.memref_slice %arg4[%dma_start3A_555, %multiple_of3A_544] : memref<16x1000000xf32, #tpu.memory_space<hbm>> -> memref<16x128xf32, #tpu.memory_space<hbm>>
      %dma_start3A_557 = arith.constant 0 : i32
      %dma_start3A_558 = arith.constant 1152 : i32
      %dma_start3A_559 = tpu.memref_slice %arg11[%dma_start3A_557, %dma_start3A_558] : memref<16x2048xf32, #tpu.memory_space<vmem>> -> memref<16x128xf32, #tpu.memory_space<vmem>>
      %dma_start3A_560 = arith.constant 0 : i32
      %dma_start3A_561 = tpu.memref_slice %arg4[%dma_start3A_560, %multiple_of3A_544] : memref<16x1000000xf32, #tpu.memory_space<hbm>> -> memref<16x128xf32, #tpu.memory_space<hbm>>
      tpu.enqueue_dma source(%dma_start3A_561 : memref<16x128xf32, #tpu.memory_space<hbm>>) target(%dma_start3A_559 : memref<16x128xf32, #tpu.memory_space<vmem>>) target_semaphore(%arg16 : memref<!tpu.dma_semaphore, #tpu.memory_space<semaphore_mem>>)
      %dma_start3A_562 = arith.constant 0 : i32
      %dma_start3A_563 = arith.constant 1152 : i32
      %dma_start3A_564 = tpu.memref_slice %arg12[%dma_start3A_562, %dma_start3A_563] : memref<16x2048xf32, #tpu.memory_space<vmem>> -> memref<16x128xf32, #tpu.memory_space<vmem>>
      %dma_start3A_565 = arith.constant 0 : i32
      %dma_start3A_566 = tpu.memref_slice %arg5[%dma_start3A_565, %multiple_of3A_551] : memref<16x1000000xf32, #tpu.memory_space<hbm>> -> memref<16x128xf32, #tpu.memory_space<hbm>>
      %dma_start3A_567 = arith.constant 0 : i32
      %dma_start3A_568 = arith.constant 1152 : i32
      %dma_start3A_569 = tpu.memref_slice %arg12[%dma_start3A_567, %dma_start3A_568] : memref<16x2048xf32, #tpu.memory_space<vmem>> -> memref<16x128xf32, #tpu.memory_space<vmem>>
      %dma_start3A_570 = arith.constant 0 : i32
      %dma_start3A_571 = tpu.memref_slice %arg5[%dma_start3A_570, %multiple_of3A_551] : memref<16x1000000xf32, #tpu.memory_space<hbm>> -> memref<16x128xf32, #tpu.memory_space<hbm>>
      tpu.enqueue_dma source(%dma_start3A_571 : memref<16x128xf32, #tpu.memory_space<hbm>>) target(%dma_start3A_569 : memref<16x128xf32, #tpu.memory_space<vmem>>) target_semaphore(%arg16 : memref<!tpu.dma_semaphore, #tpu.memory_space<semaphore_mem>>)
      %dma_start3A_572 = arith.constant 0 : i32
      %dma_start3A_573 = arith.constant 1152 : i32
      %dma_start3A_574 = tpu.memref_slice %arg13[%dma_start3A_572, %dma_start3A_573] : memref<1x2048xf32, #tpu.memory_space<vmem>> -> memref<1x128xf32, #tpu.memory_space<vmem>>
      %dma_start3A_575 = arith.constant 0 : i32
      %dma_start3A_576 = tpu.memref_slice %arg6[%dma_start3A_575, %multiple_of3A_544] : memref<1x1000000xf32, #tpu.memory_space<hbm>> -> memref<1x128xf32, #tpu.memory_space<hbm>>
      %dma_start3A_577 = arith.constant 0 : i32
      %dma_start3A_578 = arith.constant 1152 : i32
      %dma_start3A_579 = tpu.memref_slice %arg13[%dma_start3A_577, %dma_start3A_578] : memref<1x2048xf32, #tpu.memory_space<vmem>> -> memref<1x128xf32, #tpu.memory_space<vmem>>
      %dma_start3A_580 = arith.constant 0 : i32
      %dma_start3A_581 = tpu.memref_slice %arg6[%dma_start3A_580, %multiple_of3A_544] : memref<1x1000000xf32, #tpu.memory_space<hbm>> -> memref<1x128xf32, #tpu.memory_space<hbm>>
      tpu.enqueue_dma source(%dma_start3A_581 : memref<1x128xf32, #tpu.memory_space<hbm>>) target(%dma_start3A_579 : memref<1x128xf32, #tpu.memory_space<vmem>>) target_semaphore(%arg16 : memref<!tpu.dma_semaphore, #tpu.memory_space<semaphore_mem>>)
      %dma_start3A_582 = arith.constant 0 : i32
      %dma_start3A_583 = arith.constant 1152 : i32
      %dma_start3A_584 = tpu.memref_slice %arg14[%dma_start3A_582, %dma_start3A_583] : memref<1x2048xf32, #tpu.memory_space<vmem>> -> memref<1x128xf32, #tpu.memory_space<vmem>>
      %dma_start3A_585 = arith.constant 0 : i32
      %dma_start3A_586 = tpu.memref_slice %arg7[%dma_start3A_585, %multiple_of3A_551] : memref<1x1000000xf32, #tpu.memory_space<hbm>> -> memref<1x128xf32, #tpu.memory_space<hbm>>
      %dma_start3A_587 = arith.constant 0 : i32
      %dma_start3A_588 = arith.constant 1152 : i32
      %dma_start3A_589 = tpu.memref_slice %arg14[%dma_start3A_587, %dma_start3A_588] : memref<1x2048xf32, #tpu.memory_space<vmem>> -> memref<1x128xf32, #tpu.memory_space<vmem>>
      %dma_start3A_590 = arith.constant 0 : i32
      %dma_start3A_591 = tpu.memref_slice %arg7[%dma_start3A_590, %multiple_of3A_551] : memref<1x1000000xf32, #tpu.memory_space<hbm>> -> memref<1x128xf32, #tpu.memory_space<hbm>>
      tpu.enqueue_dma source(%dma_start3A_591 : memref<1x128xf32, #tpu.memory_space<hbm>>) target(%dma_start3A_589 : memref<1x128xf32, #tpu.memory_space<vmem>>) target_semaphore(%arg16 : memref<!tpu.dma_semaphore, #tpu.memory_space<semaphore_mem>>)
      %slice3A_592 = vector.extract_strided_slice %get3A_54 {offsets = [10], sizes = [1], strides = [1]} : vector<16xi32> to vector<1xi32>
      %squeeze3A_593 = vector.extract %slice3A_592[0] : i32 from vector<1xi32>
      %shift_right_arithmetic3A_594 = arith.constant 7 : i32
      %shift_right_arithmetic3A_595 = arith.shrsi %squeeze3A_593, %shift_right_arithmetic3A_594 : i32
      %shift_left3A_596 = arith.constant 7 : i32
      %shift_left3A_597 = arith.shli %shift_right_arithmetic3A_595, %shift_left3A_596 : i32
      %multiple_of3A_598 = tpu.assume_multiple %shift_left3A_597, 128 : i32
      %slice3A_599 = vector.extract_strided_slice %get3A_57 {offsets = [10], sizes = [1], strides = [1]} : vector<16xi32> to vector<1xi32>
      %squeeze3A_600 = vector.extract %slice3A_599[0] : i32 from vector<1xi32>
      %shift_right_arithmetic3A_601 = arith.constant 7 : i32
      %shift_right_arithmetic3A_602 = arith.shrsi %squeeze3A_600, %shift_right_arithmetic3A_601 : i32
      %shift_left3A_603 = arith.constant 7 : i32
      %shift_left3A_604 = arith.shli %shift_right_arithmetic3A_602, %shift_left3A_603 : i32
      %multiple_of3A_605 = tpu.assume_multiple %shift_left3A_604, 128 : i32
      %dma_start3A_606 = arith.constant 0 : i32
      %dma_start3A_607 = arith.constant 1280 : i32
      %dma_start3A_608 = tpu.memref_slice %arg11[%dma_start3A_606, %dma_start3A_607] : memref<16x2048xf32, #tpu.memory_space<vmem>> -> memref<16x128xf32, #tpu.memory_space<vmem>>
      %dma_start3A_609 = arith.constant 0 : i32
      %dma_start3A_610 = tpu.memref_slice %arg4[%dma_start3A_609, %multiple_of3A_598] : memref<16x1000000xf32, #tpu.memory_space<hbm>> -> memref<16x128xf32, #tpu.memory_space<hbm>>
      %dma_start3A_611 = arith.constant 0 : i32
      %dma_start3A_612 = arith.constant 1280 : i32
      %dma_start3A_613 = tpu.memref_slice %arg11[%dma_start3A_611, %dma_start3A_612] : memref<16x2048xf32, #tpu.memory_space<vmem>> -> memref<16x128xf32, #tpu.memory_space<vmem>>
      %dma_start3A_614 = arith.constant 0 : i32
      %dma_start3A_615 = tpu.memref_slice %arg4[%dma_start3A_614, %multiple_of3A_598] : memref<16x1000000xf32, #tpu.memory_space<hbm>> -> memref<16x128xf32, #tpu.memory_space<hbm>>
      tpu.enqueue_dma source(%dma_start3A_615 : memref<16x128xf32, #tpu.memory_space<hbm>>) target(%dma_start3A_613 : memref<16x128xf32, #tpu.memory_space<vmem>>) target_semaphore(%arg16 : memref<!tpu.dma_semaphore, #tpu.memory_space<semaphore_mem>>)
      %dma_start3A_616 = arith.constant 0 : i32
      %dma_start3A_617 = arith.constant 1280 : i32
      %dma_start3A_618 = tpu.memref_slice %arg12[%dma_start3A_616, %dma_start3A_617] : memref<16x2048xf32, #tpu.memory_space<vmem>> -> memref<16x128xf32, #tpu.memory_space<vmem>>
      %dma_start3A_619 = arith.constant 0 : i32
      %dma_start3A_620 = tpu.memref_slice %arg5[%dma_start3A_619, %multiple_of3A_605] : memref<16x1000000xf32, #tpu.memory_space<hbm>> -> memref<16x128xf32, #tpu.memory_space<hbm>>
      %dma_start3A_621 = arith.constant 0 : i32
      %dma_start3A_622 = arith.constant 1280 : i32
      %dma_start3A_623 = tpu.memref_slice %arg12[%dma_start3A_621, %dma_start3A_622] : memref<16x2048xf32, #tpu.memory_space<vmem>> -> memref<16x128xf32, #tpu.memory_space<vmem>>
      %dma_start3A_624 = arith.constant 0 : i32
      %dma_start3A_625 = tpu.memref_slice %arg5[%dma_start3A_624, %multiple_of3A_605] : memref<16x1000000xf32, #tpu.memory_space<hbm>> -> memref<16x128xf32, #tpu.memory_space<hbm>>
      tpu.enqueue_dma source(%dma_start3A_625 : memref<16x128xf32, #tpu.memory_space<hbm>>) target(%dma_start3A_623 : memref<16x128xf32, #tpu.memory_space<vmem>>) target_semaphore(%arg16 : memref<!tpu.dma_semaphore, #tpu.memory_space<semaphore_mem>>)
      %dma_start3A_626 = arith.constant 0 : i32
      %dma_start3A_627 = arith.constant 1280 : i32
      %dma_start3A_628 = tpu.memref_slice %arg13[%dma_start3A_626, %dma_start3A_627] : memref<1x2048xf32, #tpu.memory_space<vmem>> -> memref<1x128xf32, #tpu.memory_space<vmem>>
      %dma_start3A_629 = arith.constant 0 : i32
      %dma_start3A_630 = tpu.memref_slice %arg6[%dma_start3A_629, %multiple_of3A_598] : memref<1x1000000xf32, #tpu.memory_space<hbm>> -> memref<1x128xf32, #tpu.memory_space<hbm>>
      %dma_start3A_631 = arith.constant 0 : i32
      %dma_start3A_632 = arith.constant 1280 : i32
      %dma_start3A_633 = tpu.memref_slice %arg13[%dma_start3A_631, %dma_start3A_632] : memref<1x2048xf32, #tpu.memory_space<vmem>> -> memref<1x128xf32, #tpu.memory_space<vmem>>
      %dma_start3A_634 = arith.constant 0 : i32
      %dma_start3A_635 = tpu.memref_slice %arg6[%dma_start3A_634, %multiple_of3A_598] : memref<1x1000000xf32, #tpu.memory_space<hbm>> -> memref<1x128xf32, #tpu.memory_space<hbm>>
      tpu.enqueue_dma source(%dma_start3A_635 : memref<1x128xf32, #tpu.memory_space<hbm>>) target(%dma_start3A_633 : memref<1x128xf32, #tpu.memory_space<vmem>>) target_semaphore(%arg16 : memref<!tpu.dma_semaphore, #tpu.memory_space<semaphore_mem>>)
      %dma_start3A_636 = arith.constant 0 : i32
      %dma_start3A_637 = arith.constant 1280 : i32
      %dma_start3A_638 = tpu.memref_slice %arg14[%dma_start3A_636, %dma_start3A_637] : memref<1x2048xf32, #tpu.memory_space<vmem>> -> memref<1x128xf32, #tpu.memory_space<vmem>>
      %dma_start3A_639 = arith.constant 0 : i32
      %dma_start3A_640 = tpu.memref_slice %arg7[%dma_start3A_639, %multiple_of3A_605] : memref<1x1000000xf32, #tpu.memory_space<hbm>> -> memref<1x128xf32, #tpu.memory_space<hbm>>
      %dma_start3A_641 = arith.constant 0 : i32
      %dma_start3A_642 = arith.constant 1280 : i32
      %dma_start3A_643 = tpu.memref_slice %arg14[%dma_start3A_641, %dma_start3A_642] : memref<1x2048xf32, #tpu.memory_space<vmem>> -> memref<1x128xf32, #tpu.memory_space<vmem>>
      %dma_start3A_644 = arith.constant 0 : i32
      %dma_start3A_645 = tpu.memref_slice %arg7[%dma_start3A_644, %multiple_of3A_605] : memref<1x1000000xf32, #tpu.memory_space<hbm>> -> memref<1x128xf32, #tpu.memory_space<hbm>>
      tpu.enqueue_dma source(%dma_start3A_645 : memref<1x128xf32, #tpu.memory_space<hbm>>) target(%dma_start3A_643 : memref<1x128xf32, #tpu.memory_space<vmem>>) target_semaphore(%arg16 : memref<!tpu.dma_semaphore, #tpu.memory_space<semaphore_mem>>)
      %slice3A_646 = vector.extract_strided_slice %get3A_54 {offsets = [11], sizes = [1], strides = [1]} : vector<16xi32> to vector<1xi32>
      %squeeze3A_647 = vector.extract %slice3A_646[0] : i32 from vector<1xi32>
      %shift_right_arithmetic3A_648 = arith.constant 7 : i32
      %shift_right_arithmetic3A_649 = arith.shrsi %squeeze3A_647, %shift_right_arithmetic3A_648 : i32
      %shift_left3A_650 = arith.constant 7 : i32
      %shift_left3A_651 = arith.shli %shift_right_arithmetic3A_649, %shift_left3A_650 : i32
      %multiple_of3A_652 = tpu.assume_multiple %shift_left3A_651, 128 : i32
      %slice3A_653 = vector.extract_strided_slice %get3A_57 {offsets = [11], sizes = [1], strides = [1]} : vector<16xi32> to vector<1xi32>
      %squeeze3A_654 = vector.extract %slice3A_653[0] : i32 from vector<1xi32>
      %shift_right_arithmetic3A_655 = arith.constant 7 : i32
      %shift_right_arithmetic3A_656 = arith.shrsi %squeeze3A_654, %shift_right_arithmetic3A_655 : i32
      %shift_left3A_657 = arith.constant 7 : i32
      %shift_left3A_658 = arith.shli %shift_right_arithmetic3A_656, %shift_left3A_657 : i32
      %multiple_of3A_659 = tpu.assume_multiple %shift_left3A_658, 128 : i32
      %dma_start3A_660 = arith.constant 0 : i32
      %dma_start3A_661 = arith.constant 1408 : i32
      %dma_start3A_662 = tpu.memref_slice %arg11[%dma_start3A_660, %dma_start3A_661] : memref<16x2048xf32, #tpu.memory_space<vmem>> -> memref<16x128xf32, #tpu.memory_space<vmem>>
      %dma_start3A_663 = arith.constant 0 : i32
      %dma_start3A_664 = tpu.memref_slice %arg4[%dma_start3A_663, %multiple_of3A_652] : memref<16x1000000xf32, #tpu.memory_space<hbm>> -> memref<16x128xf32, #tpu.memory_space<hbm>>
      %dma_start3A_665 = arith.constant 0 : i32
      %dma_start3A_666 = arith.constant 1408 : i32
      %dma_start3A_667 = tpu.memref_slice %arg11[%dma_start3A_665, %dma_start3A_666] : memref<16x2048xf32, #tpu.memory_space<vmem>> -> memref<16x128xf32, #tpu.memory_space<vmem>>
      %dma_start3A_668 = arith.constant 0 : i32
      %dma_start3A_669 = tpu.memref_slice %arg4[%dma_start3A_668, %multiple_of3A_652] : memref<16x1000000xf32, #tpu.memory_space<hbm>> -> memref<16x128xf32, #tpu.memory_space<hbm>>
      tpu.enqueue_dma source(%dma_start3A_669 : memref<16x128xf32, #tpu.memory_space<hbm>>) target(%dma_start3A_667 : memref<16x128xf32, #tpu.memory_space<vmem>>) target_semaphore(%arg16 : memref<!tpu.dma_semaphore, #tpu.memory_space<semaphore_mem>>)
      %dma_start3A_670 = arith.constant 0 : i32
      %dma_start3A_671 = arith.constant 1408 : i32
      %dma_start3A_672 = tpu.memref_slice %arg12[%dma_start3A_670, %dma_start3A_671] : memref<16x2048xf32, #tpu.memory_space<vmem>> -> memref<16x128xf32, #tpu.memory_space<vmem>>
      %dma_start3A_673 = arith.constant 0 : i32
      %dma_start3A_674 = tpu.memref_slice %arg5[%dma_start3A_673, %multiple_of3A_659] : memref<16x1000000xf32, #tpu.memory_space<hbm>> -> memref<16x128xf32, #tpu.memory_space<hbm>>
      %dma_start3A_675 = arith.constant 0 : i32
      %dma_start3A_676 = arith.constant 1408 : i32
      %dma_start3A_677 = tpu.memref_slice %arg12[%dma_start3A_675, %dma_start3A_676] : memref<16x2048xf32, #tpu.memory_space<vmem>> -> memref<16x128xf32, #tpu.memory_space<vmem>>
      %dma_start3A_678 = arith.constant 0 : i32
      %dma_start3A_679 = tpu.memref_slice %arg5[%dma_start3A_678, %multiple_of3A_659] : memref<16x1000000xf32, #tpu.memory_space<hbm>> -> memref<16x128xf32, #tpu.memory_space<hbm>>
      tpu.enqueue_dma source(%dma_start3A_679 : memref<16x128xf32, #tpu.memory_space<hbm>>) target(%dma_start3A_677 : memref<16x128xf32, #tpu.memory_space<vmem>>) target_semaphore(%arg16 : memref<!tpu.dma_semaphore, #tpu.memory_space<semaphore_mem>>)
      %dma_start3A_680 = arith.constant 0 : i32
      %dma_start3A_681 = arith.constant 1408 : i32
      %dma_start3A_682 = tpu.memref_slice %arg13[%dma_start3A_680, %dma_start3A_681] : memref<1x2048xf32, #tpu.memory_space<vmem>> -> memref<1x128xf32, #tpu.memory_space<vmem>>
      %dma_start3A_683 = arith.constant 0 : i32
      %dma_start3A_684 = tpu.memref_slice %arg6[%dma_start3A_683, %multiple_of3A_652] : memref<1x1000000xf32, #tpu.memory_space<hbm>> -> memref<1x128xf32, #tpu.memory_space<hbm>>
      %dma_start3A_685 = arith.constant 0 : i32
      %dma_start3A_686 = arith.constant 1408 : i32
      %dma_start3A_687 = tpu.memref_slice %arg13[%dma_start3A_685, %dma_start3A_686] : memref<1x2048xf32, #tpu.memory_space<vmem>> -> memref<1x128xf32, #tpu.memory_space<vmem>>
      %dma_start3A_688 = arith.constant 0 : i32
      %dma_start3A_689 = tpu.memref_slice %arg6[%dma_start3A_688, %multiple_of3A_652] : memref<1x1000000xf32, #tpu.memory_space<hbm>> -> memref<1x128xf32, #tpu.memory_space<hbm>>
      tpu.enqueue_dma source(%dma_start3A_689 : memref<1x128xf32, #tpu.memory_space<hbm>>) target(%dma_start3A_687 : memref<1x128xf32, #tpu.memory_space<vmem>>) target_semaphore(%arg16 : memref<!tpu.dma_semaphore, #tpu.memory_space<semaphore_mem>>)
      %dma_start3A_690 = arith.constant 0 : i32
      %dma_start3A_691 = arith.constant 1408 : i32
      %dma_start3A_692 = tpu.memref_slice %arg14[%dma_start3A_690, %dma_start3A_691] : memref<1x2048xf32, #tpu.memory_space<vmem>> -> memref<1x128xf32, #tpu.memory_space<vmem>>
      %dma_start3A_693 = arith.constant 0 : i32
      %dma_start3A_694 = tpu.memref_slice %arg7[%dma_start3A_693, %multiple_of3A_659] : memref<1x1000000xf32, #tpu.memory_space<hbm>> -> memref<1x128xf32, #tpu.memory_space<hbm>>
      %dma_start3A_695 = arith.constant 0 : i32
      %dma_start3A_696 = arith.constant 1408 : i32
      %dma_start3A_697 = tpu.memref_slice %arg14[%dma_start3A_695, %dma_start3A_696] : memref<1x2048xf32, #tpu.memory_space<vmem>> -> memref<1x128xf32, #tpu.memory_space<vmem>>
      %dma_start3A_698 = arith.constant 0 : i32
      %dma_start3A_699 = tpu.memref_slice %arg7[%dma_start3A_698, %multiple_of3A_659] : memref<1x1000000xf32, #tpu.memory_space<hbm>> -> memref<1x128xf32, #tpu.memory_space<hbm>>
      tpu.enqueue_dma source(%dma_start3A_699 : memref<1x128xf32, #tpu.memory_space<hbm>>) target(%dma_start3A_697 : memref<1x128xf32, #tpu.memory_space<vmem>>) target_semaphore(%arg16 : memref<!tpu.dma_semaphore, #tpu.memory_space<semaphore_mem>>)
      %slice3A_700 = vector.extract_strided_slice %get3A_54 {offsets = [12], sizes = [1], strides = [1]} : vector<16xi32> to vector<1xi32>
      %squeeze3A_701 = vector.extract %slice3A_700[0] : i32 from vector<1xi32>
      %shift_right_arithmetic3A_702 = arith.constant 7 : i32
      %shift_right_arithmetic3A_703 = arith.shrsi %squeeze3A_701, %shift_right_arithmetic3A_702 : i32
      %shift_left3A_704 = arith.constant 7 : i32
      %shift_left3A_705 = arith.shli %shift_right_arithmetic3A_703, %shift_left3A_704 : i32
      %multiple_of3A_706 = tpu.assume_multiple %shift_left3A_705, 128 : i32
      %slice3A_707 = vector.extract_strided_slice %get3A_57 {offsets = [12], sizes = [1], strides = [1]} : vector<16xi32> to vector<1xi32>
      %squeeze3A_708 = vector.extract %slice3A_707[0] : i32 from vector<1xi32>
      %shift_right_arithmetic3A_709 = arith.constant 7 : i32
      %shift_right_arithmetic3A_710 = arith.shrsi %squeeze3A_708, %shift_right_arithmetic3A_709 : i32
      %shift_left3A_711 = arith.constant 7 : i32
      %shift_left3A_712 = arith.shli %shift_right_arithmetic3A_710, %shift_left3A_711 : i32
      %multiple_of3A_713 = tpu.assume_multiple %shift_left3A_712, 128 : i32
      %dma_start3A_714 = arith.constant 0 : i32
      %dma_start3A_715 = arith.constant 1536 : i32
      %dma_start3A_716 = tpu.memref_slice %arg11[%dma_start3A_714, %dma_start3A_715] : memref<16x2048xf32, #tpu.memory_space<vmem>> -> memref<16x128xf32, #tpu.memory_space<vmem>>
      %dma_start3A_717 = arith.constant 0 : i32
      %dma_start3A_718 = tpu.memref_slice %arg4[%dma_start3A_717, %multiple_of3A_706] : memref<16x1000000xf32, #tpu.memory_space<hbm>> -> memref<16x128xf32, #tpu.memory_space<hbm>>
      %dma_start3A_719 = arith.constant 0 : i32
      %dma_start3A_720 = arith.constant 1536 : i32
      %dma_start3A_721 = tpu.memref_slice %arg11[%dma_start3A_719, %dma_start3A_720] : memref<16x2048xf32, #tpu.memory_space<vmem>> -> memref<16x128xf32, #tpu.memory_space<vmem>>
      %dma_start3A_722 = arith.constant 0 : i32
      %dma_start3A_723 = tpu.memref_slice %arg4[%dma_start3A_722, %multiple_of3A_706] : memref<16x1000000xf32, #tpu.memory_space<hbm>> -> memref<16x128xf32, #tpu.memory_space<hbm>>
      tpu.enqueue_dma source(%dma_start3A_723 : memref<16x128xf32, #tpu.memory_space<hbm>>) target(%dma_start3A_721 : memref<16x128xf32, #tpu.memory_space<vmem>>) target_semaphore(%arg16 : memref<!tpu.dma_semaphore, #tpu.memory_space<semaphore_mem>>)
      %dma_start3A_724 = arith.constant 0 : i32
      %dma_start3A_725 = arith.constant 1536 : i32
      %dma_start3A_726 = tpu.memref_slice %arg12[%dma_start3A_724, %dma_start3A_725] : memref<16x2048xf32, #tpu.memory_space<vmem>> -> memref<16x128xf32, #tpu.memory_space<vmem>>
      %dma_start3A_727 = arith.constant 0 : i32
      %dma_start3A_728 = tpu.memref_slice %arg5[%dma_start3A_727, %multiple_of3A_713] : memref<16x1000000xf32, #tpu.memory_space<hbm>> -> memref<16x128xf32, #tpu.memory_space<hbm>>
      %dma_start3A_729 = arith.constant 0 : i32
      %dma_start3A_730 = arith.constant 1536 : i32
      %dma_start3A_731 = tpu.memref_slice %arg12[%dma_start3A_729, %dma_start3A_730] : memref<16x2048xf32, #tpu.memory_space<vmem>> -> memref<16x128xf32, #tpu.memory_space<vmem>>
      %dma_start3A_732 = arith.constant 0 : i32
      %dma_start3A_733 = tpu.memref_slice %arg5[%dma_start3A_732, %multiple_of3A_713] : memref<16x1000000xf32, #tpu.memory_space<hbm>> -> memref<16x128xf32, #tpu.memory_space<hbm>>
      tpu.enqueue_dma source(%dma_start3A_733 : memref<16x128xf32, #tpu.memory_space<hbm>>) target(%dma_start3A_731 : memref<16x128xf32, #tpu.memory_space<vmem>>) target_semaphore(%arg16 : memref<!tpu.dma_semaphore, #tpu.memory_space<semaphore_mem>>)
      %dma_start3A_734 = arith.constant 0 : i32
      %dma_start3A_735 = arith.constant 1536 : i32
      %dma_start3A_736 = tpu.memref_slice %arg13[%dma_start3A_734, %dma_start3A_735] : memref<1x2048xf32, #tpu.memory_space<vmem>> -> memref<1x128xf32, #tpu.memory_space<vmem>>
      %dma_start3A_737 = arith.constant 0 : i32
      %dma_start3A_738 = tpu.memref_slice %arg6[%dma_start3A_737, %multiple_of3A_706] : memref<1x1000000xf32, #tpu.memory_space<hbm>> -> memref<1x128xf32, #tpu.memory_space<hbm>>
      %dma_start3A_739 = arith.constant 0 : i32
      %dma_start3A_740 = arith.constant 1536 : i32
      %dma_start3A_741 = tpu.memref_slice %arg13[%dma_start3A_739, %dma_start3A_740] : memref<1x2048xf32, #tpu.memory_space<vmem>> -> memref<1x128xf32, #tpu.memory_space<vmem>>
      %dma_start3A_742 = arith.constant 0 : i32
      %dma_start3A_743 = tpu.memref_slice %arg6[%dma_start3A_742, %multiple_of3A_706] : memref<1x1000000xf32, #tpu.memory_space<hbm>> -> memref<1x128xf32, #tpu.memory_space<hbm>>
      tpu.enqueue_dma source(%dma_start3A_743 : memref<1x128xf32, #tpu.memory_space<hbm>>) target(%dma_start3A_741 : memref<1x128xf32, #tpu.memory_space<vmem>>) target_semaphore(%arg16 : memref<!tpu.dma_semaphore, #tpu.memory_space<semaphore_mem>>)
      %dma_start3A_744 = arith.constant 0 : i32
      %dma_start3A_745 = arith.constant 1536 : i32
      %dma_start3A_746 = tpu.memref_slice %arg14[%dma_start3A_744, %dma_start3A_745] : memref<1x2048xf32, #tpu.memory_space<vmem>> -> memref<1x128xf32, #tpu.memory_space<vmem>>
      %dma_start3A_747 = arith.constant 0 : i32
      %dma_start3A_748 = tpu.memref_slice %arg7[%dma_start3A_747, %multiple_of3A_713] : memref<1x1000000xf32, #tpu.memory_space<hbm>> -> memref<1x128xf32, #tpu.memory_space<hbm>>
      %dma_start3A_749 = arith.constant 0 : i32
      %dma_start3A_750 = arith.constant 1536 : i32
      %dma_start3A_751 = tpu.memref_slice %arg14[%dma_start3A_749, %dma_start3A_750] : memref<1x2048xf32, #tpu.memory_space<vmem>> -> memref<1x128xf32, #tpu.memory_space<vmem>>
      %dma_start3A_752 = arith.constant 0 : i32
      %dma_start3A_753 = tpu.memref_slice %arg7[%dma_start3A_752, %multiple_of3A_713] : memref<1x1000000xf32, #tpu.memory_space<hbm>> -> memref<1x128xf32, #tpu.memory_space<hbm>>
      tpu.enqueue_dma source(%dma_start3A_753 : memref<1x128xf32, #tpu.memory_space<hbm>>) target(%dma_start3A_751 : memref<1x128xf32, #tpu.memory_space<vmem>>) target_semaphore(%arg16 : memref<!tpu.dma_semaphore, #tpu.memory_space<semaphore_mem>>)
      %slice3A_754 = vector.extract_strided_slice %get3A_54 {offsets = [13], sizes = [1], strides = [1]} : vector<16xi32> to vector<1xi32>
      %squeeze3A_755 = vector.extract %slice3A_754[0] : i32 from vector<1xi32>
      %shift_right_arithmetic3A_756 = arith.constant 7 : i32
      %shift_right_arithmetic3A_757 = arith.shrsi %squeeze3A_755, %shift_right_arithmetic3A_756 : i32
      %shift_left3A_758 = arith.constant 7 : i32
      %shift_left3A_759 = arith.shli %shift_right_arithmetic3A_757, %shift_left3A_758 : i32
      %multiple_of3A_760 = tpu.assume_multiple %shift_left3A_759, 128 : i32
      %slice3A_761 = vector.extract_strided_slice %get3A_57 {offsets = [13], sizes = [1], strides = [1]} : vector<16xi32> to vector<1xi32>
      %squeeze3A_762 = vector.extract %slice3A_761[0] : i32 from vector<1xi32>
      %shift_right_arithmetic3A_763 = arith.constant 7 : i32
      %shift_right_arithmetic3A_764 = arith.shrsi %squeeze3A_762, %shift_right_arithmetic3A_763 : i32
      %shift_left3A_765 = arith.constant 7 : i32
      %shift_left3A_766 = arith.shli %shift_right_arithmetic3A_764, %shift_left3A_765 : i32
      %multiple_of3A_767 = tpu.assume_multiple %shift_left3A_766, 128 : i32
      %dma_start3A_768 = arith.constant 0 : i32
      %dma_start3A_769 = arith.constant 1664 : i32
      %dma_start3A_770 = tpu.memref_slice %arg11[%dma_start3A_768, %dma_start3A_769] : memref<16x2048xf32, #tpu.memory_space<vmem>> -> memref<16x128xf32, #tpu.memory_space<vmem>>
      %dma_start3A_771 = arith.constant 0 : i32
      %dma_start3A_772 = tpu.memref_slice %arg4[%dma_start3A_771, %multiple_of3A_760] : memref<16x1000000xf32, #tpu.memory_space<hbm>> -> memref<16x128xf32, #tpu.memory_space<hbm>>
      %dma_start3A_773 = arith.constant 0 : i32
      %dma_start3A_774 = arith.constant 1664 : i32
      %dma_start3A_775 = tpu.memref_slice %arg11[%dma_start3A_773, %dma_start3A_774] : memref<16x2048xf32, #tpu.memory_space<vmem>> -> memref<16x128xf32, #tpu.memory_space<vmem>>
      %dma_start3A_776 = arith.constant 0 : i32
      %dma_start3A_777 = tpu.memref_slice %arg4[%dma_start3A_776, %multiple_of3A_760] : memref<16x1000000xf32, #tpu.memory_space<hbm>> -> memref<16x128xf32, #tpu.memory_space<hbm>>
      tpu.enqueue_dma source(%dma_start3A_777 : memref<16x128xf32, #tpu.memory_space<hbm>>) target(%dma_start3A_775 : memref<16x128xf32, #tpu.memory_space<vmem>>) target_semaphore(%arg16 : memref<!tpu.dma_semaphore, #tpu.memory_space<semaphore_mem>>)
      %dma_start3A_778 = arith.constant 0 : i32
      %dma_start3A_779 = arith.constant 1664 : i32
      %dma_start3A_780 = tpu.memref_slice %arg12[%dma_start3A_778, %dma_start3A_779] : memref<16x2048xf32, #tpu.memory_space<vmem>> -> memref<16x128xf32, #tpu.memory_space<vmem>>
      %dma_start3A_781 = arith.constant 0 : i32
      %dma_start3A_782 = tpu.memref_slice %arg5[%dma_start3A_781, %multiple_of3A_767] : memref<16x1000000xf32, #tpu.memory_space<hbm>> -> memref<16x128xf32, #tpu.memory_space<hbm>>
      %dma_start3A_783 = arith.constant 0 : i32
      %dma_start3A_784 = arith.constant 1664 : i32
      %dma_start3A_785 = tpu.memref_slice %arg12[%dma_start3A_783, %dma_start3A_784] : memref<16x2048xf32, #tpu.memory_space<vmem>> -> memref<16x128xf32, #tpu.memory_space<vmem>>
      %dma_start3A_786 = arith.constant 0 : i32
      %dma_start3A_787 = tpu.memref_slice %arg5[%dma_start3A_786, %multiple_of3A_767] : memref<16x1000000xf32, #tpu.memory_space<hbm>> -> memref<16x128xf32, #tpu.memory_space<hbm>>
      tpu.enqueue_dma source(%dma_start3A_787 : memref<16x128xf32, #tpu.memory_space<hbm>>) target(%dma_start3A_785 : memref<16x128xf32, #tpu.memory_space<vmem>>) target_semaphore(%arg16 : memref<!tpu.dma_semaphore, #tpu.memory_space<semaphore_mem>>)
      %dma_start3A_788 = arith.constant 0 : i32
      %dma_start3A_789 = arith.constant 1664 : i32
      %dma_start3A_790 = tpu.memref_slice %arg13[%dma_start3A_788, %dma_start3A_789] : memref<1x2048xf32, #tpu.memory_space<vmem>> -> memref<1x128xf32, #tpu.memory_space<vmem>>
      %dma_start3A_791 = arith.constant 0 : i32
      %dma_start3A_792 = tpu.memref_slice %arg6[%dma_start3A_791, %multiple_of3A_760] : memref<1x1000000xf32, #tpu.memory_space<hbm>> -> memref<1x128xf32, #tpu.memory_space<hbm>>
      %dma_start3A_793 = arith.constant 0 : i32
      %dma_start3A_794 = arith.constant 1664 : i32
      %dma_start3A_795 = tpu.memref_slice %arg13[%dma_start3A_793, %dma_start3A_794] : memref<1x2048xf32, #tpu.memory_space<vmem>> -> memref<1x128xf32, #tpu.memory_space<vmem>>
      %dma_start3A_796 = arith.constant 0 : i32
      %dma_start3A_797 = tpu.memref_slice %arg6[%dma_start3A_796, %multiple_of3A_760] : memref<1x1000000xf32, #tpu.memory_space<hbm>> -> memref<1x128xf32, #tpu.memory_space<hbm>>
      tpu.enqueue_dma source(%dma_start3A_797 : memref<1x128xf32, #tpu.memory_space<hbm>>) target(%dma_start3A_795 : memref<1x128xf32, #tpu.memory_space<vmem>>) target_semaphore(%arg16 : memref<!tpu.dma_semaphore, #tpu.memory_space<semaphore_mem>>)
      %dma_start3A_798 = arith.constant 0 : i32
      %dma_start3A_799 = arith.constant 1664 : i32
      %dma_start3A_800 = tpu.memref_slice %arg14[%dma_start3A_798, %dma_start3A_799] : memref<1x2048xf32, #tpu.memory_space<vmem>> -> memref<1x128xf32, #tpu.memory_space<vmem>>
      %dma_start3A_801 = arith.constant 0 : i32
      %dma_start3A_802 = tpu.memref_slice %arg7[%dma_start3A_801, %multiple_of3A_767] : memref<1x1000000xf32, #tpu.memory_space<hbm>> -> memref<1x128xf32, #tpu.memory_space<hbm>>
      %dma_start3A_803 = arith.constant 0 : i32
      %dma_start3A_804 = arith.constant 1664 : i32
      %dma_start3A_805 = tpu.memref_slice %arg14[%dma_start3A_803, %dma_start3A_804] : memref<1x2048xf32, #tpu.memory_space<vmem>> -> memref<1x128xf32, #tpu.memory_space<vmem>>
      %dma_start3A_806 = arith.constant 0 : i32
      %dma_start3A_807 = tpu.memref_slice %arg7[%dma_start3A_806, %multiple_of3A_767] : memref<1x1000000xf32, #tpu.memory_space<hbm>> -> memref<1x128xf32, #tpu.memory_space<hbm>>
      tpu.enqueue_dma source(%dma_start3A_807 : memref<1x128xf32, #tpu.memory_space<hbm>>) target(%dma_start3A_805 : memref<1x128xf32, #tpu.memory_space<vmem>>) target_semaphore(%arg16 : memref<!tpu.dma_semaphore, #tpu.memory_space<semaphore_mem>>)
      %slice3A_808 = vector.extract_strided_slice %get3A_54 {offsets = [14], sizes = [1], strides = [1]} : vector<16xi32> to vector<1xi32>
      %squeeze3A_809 = vector.extract %slice3A_808[0] : i32 from vector<1xi32>
      %shift_right_arithmetic3A_810 = arith.constant 7 : i32
      %shift_right_arithmetic3A_811 = arith.shrsi %squeeze3A_809, %shift_right_arithmetic3A_810 : i32
      %shift_left3A_812 = arith.constant 7 : i32
      %shift_left3A_813 = arith.shli %shift_right_arithmetic3A_811, %shift_left3A_812 : i32
      %multiple_of3A_814 = tpu.assume_multiple %shift_left3A_813, 128 : i32
      %slice3A_815 = vector.extract_strided_slice %get3A_57 {offsets = [14], sizes = [1], strides = [1]} : vector<16xi32> to vector<1xi32>
      %squeeze3A_816 = vector.extract %slice3A_815[0] : i32 from vector<1xi32>
      %shift_right_arithmetic3A_817 = arith.constant 7 : i32
      %shift_right_arithmetic3A_818 = arith.shrsi %squeeze3A_816, %shift_right_arithmetic3A_817 : i32
      %shift_left3A_819 = arith.constant 7 : i32
      %shift_left3A_820 = arith.shli %shift_right_arithmetic3A_818, %shift_left3A_819 : i32
      %multiple_of3A_821 = tpu.assume_multiple %shift_left3A_820, 128 : i32
      %dma_start3A_822 = arith.constant 0 : i32
      %dma_start3A_823 = arith.constant 1792 : i32
      %dma_start3A_824 = tpu.memref_slice %arg11[%dma_start3A_822, %dma_start3A_823] : memref<16x2048xf32, #tpu.memory_space<vmem>> -> memref<16x128xf32, #tpu.memory_space<vmem>>
      %dma_start3A_825 = arith.constant 0 : i32
      %dma_start3A_826 = tpu.memref_slice %arg4[%dma_start3A_825, %multiple_of3A_814] : memref<16x1000000xf32, #tpu.memory_space<hbm>> -> memref<16x128xf32, #tpu.memory_space<hbm>>
      %dma_start3A_827 = arith.constant 0 : i32
      %dma_start3A_828 = arith.constant 1792 : i32
      %dma_start3A_829 = tpu.memref_slice %arg11[%dma_start3A_827, %dma_start3A_828] : memref<16x2048xf32, #tpu.memory_space<vmem>> -> memref<16x128xf32, #tpu.memory_space<vmem>>
      %dma_start3A_830 = arith.constant 0 : i32
      %dma_start3A_831 = tpu.memref_slice %arg4[%dma_start3A_830, %multiple_of3A_814] : memref<16x1000000xf32, #tpu.memory_space<hbm>> -> memref<16x128xf32, #tpu.memory_space<hbm>>
      tpu.enqueue_dma source(%dma_start3A_831 : memref<16x128xf32, #tpu.memory_space<hbm>>) target(%dma_start3A_829 : memref<16x128xf32, #tpu.memory_space<vmem>>) target_semaphore(%arg16 : memref<!tpu.dma_semaphore, #tpu.memory_space<semaphore_mem>>)
      %dma_start3A_832 = arith.constant 0 : i32
      %dma_start3A_833 = arith.constant 1792 : i32
      %dma_start3A_834 = tpu.memref_slice %arg12[%dma_start3A_832, %dma_start3A_833] : memref<16x2048xf32, #tpu.memory_space<vmem>> -> memref<16x128xf32, #tpu.memory_space<vmem>>
      %dma_start3A_835 = arith.constant 0 : i32
      %dma_start3A_836 = tpu.memref_slice %arg5[%dma_start3A_835, %multiple_of3A_821] : memref<16x1000000xf32, #tpu.memory_space<hbm>> -> memref<16x128xf32, #tpu.memory_space<hbm>>
      %dma_start3A_837 = arith.constant 0 : i32
      %dma_start3A_838 = arith.constant 1792 : i32
      %dma_start3A_839 = tpu.memref_slice %arg12[%dma_start3A_837, %dma_start3A_838] : memref<16x2048xf32, #tpu.memory_space<vmem>> -> memref<16x128xf32, #tpu.memory_space<vmem>>
      %dma_start3A_840 = arith.constant 0 : i32
      %dma_start3A_841 = tpu.memref_slice %arg5[%dma_start3A_840, %multiple_of3A_821] : memref<16x1000000xf32, #tpu.memory_space<hbm>> -> memref<16x128xf32, #tpu.memory_space<hbm>>
      tpu.enqueue_dma source(%dma_start3A_841 : memref<16x128xf32, #tpu.memory_space<hbm>>) target(%dma_start3A_839 : memref<16x128xf32, #tpu.memory_space<vmem>>) target_semaphore(%arg16 : memref<!tpu.dma_semaphore, #tpu.memory_space<semaphore_mem>>)
      %dma_start3A_842 = arith.constant 0 : i32
      %dma_start3A_843 = arith.constant 1792 : i32
      %dma_start3A_844 = tpu.memref_slice %arg13[%dma_start3A_842, %dma_start3A_843] : memref<1x2048xf32, #tpu.memory_space<vmem>> -> memref<1x128xf32, #tpu.memory_space<vmem>>
      %dma_start3A_845 = arith.constant 0 : i32
      %dma_start3A_846 = tpu.memref_slice %arg6[%dma_start3A_845, %multiple_of3A_814] : memref<1x1000000xf32, #tpu.memory_space<hbm>> -> memref<1x128xf32, #tpu.memory_space<hbm>>
      %dma_start3A_847 = arith.constant 0 : i32
      %dma_start3A_848 = arith.constant 1792 : i32
      %dma_start3A_849 = tpu.memref_slice %arg13[%dma_start3A_847, %dma_start3A_848] : memref<1x2048xf32, #tpu.memory_space<vmem>> -> memref<1x128xf32, #tpu.memory_space<vmem>>
      %dma_start3A_850 = arith.constant 0 : i32
      %dma_start3A_851 = tpu.memref_slice %arg6[%dma_start3A_850, %multiple_of3A_814] : memref<1x1000000xf32, #tpu.memory_space<hbm>> -> memref<1x128xf32, #tpu.memory_space<hbm>>
      tpu.enqueue_dma source(%dma_start3A_851 : memref<1x128xf32, #tpu.memory_space<hbm>>) target(%dma_start3A_849 : memref<1x128xf32, #tpu.memory_space<vmem>>) target_semaphore(%arg16 : memref<!tpu.dma_semaphore, #tpu.memory_space<semaphore_mem>>)
      %dma_start3A_852 = arith.constant 0 : i32
      %dma_start3A_853 = arith.constant 1792 : i32
      %dma_start3A_854 = tpu.memref_slice %arg14[%dma_start3A_852, %dma_start3A_853] : memref<1x2048xf32, #tpu.memory_space<vmem>> -> memref<1x128xf32, #tpu.memory_space<vmem>>
      %dma_start3A_855 = arith.constant 0 : i32
      %dma_start3A_856 = tpu.memref_slice %arg7[%dma_start3A_855, %multiple_of3A_821] : memref<1x1000000xf32, #tpu.memory_space<hbm>> -> memref<1x128xf32, #tpu.memory_space<hbm>>
      %dma_start3A_857 = arith.constant 0 : i32
      %dma_start3A_858 = arith.constant 1792 : i32
      %dma_start3A_859 = tpu.memref_slice %arg14[%dma_start3A_857, %dma_start3A_858] : memref<1x2048xf32, #tpu.memory_space<vmem>> -> memref<1x128xf32, #tpu.memory_space<vmem>>
      %dma_start3A_860 = arith.constant 0 : i32
      %dma_start3A_861 = tpu.memref_slice %arg7[%dma_start3A_860, %multiple_of3A_821] : memref<1x1000000xf32, #tpu.memory_space<hbm>> -> memref<1x128xf32, #tpu.memory_space<hbm>>
      tpu.enqueue_dma source(%dma_start3A_861 : memref<1x128xf32, #tpu.memory_space<hbm>>) target(%dma_start3A_859 : memref<1x128xf32, #tpu.memory_space<vmem>>) target_semaphore(%arg16 : memref<!tpu.dma_semaphore, #tpu.memory_space<semaphore_mem>>)
      %slice3A_862 = vector.extract_strided_slice %get3A_54 {offsets = [15], sizes = [1], strides = [1]} : vector<16xi32> to vector<1xi32>
      %squeeze3A_863 = vector.extract %slice3A_862[0] : i32 from vector<1xi32>
      %shift_right_arithmetic3A_864 = arith.constant 7 : i32
      %shift_right_arithmetic3A_865 = arith.shrsi %squeeze3A_863, %shift_right_arithmetic3A_864 : i32
      %shift_left3A_866 = arith.constant 7 : i32
      %shift_left3A_867 = arith.shli %shift_right_arithmetic3A_865, %shift_left3A_866 : i32
      %multiple_of3A_868 = tpu.assume_multiple %shift_left3A_867, 128 : i32
      %slice3A_869 = vector.extract_strided_slice %get3A_57 {offsets = [15], sizes = [1], strides = [1]} : vector<16xi32> to vector<1xi32>
      %squeeze3A_870 = vector.extract %slice3A_869[0] : i32 from vector<1xi32>
      %shift_right_arithmetic3A_871 = arith.constant 7 : i32
      %shift_right_arithmetic3A_872 = arith.shrsi %squeeze3A_870, %shift_right_arithmetic3A_871 : i32
      %shift_left3A_873 = arith.constant 7 : i32
      %shift_left3A_874 = arith.shli %shift_right_arithmetic3A_872, %shift_left3A_873 : i32
      %multiple_of3A_875 = tpu.assume_multiple %shift_left3A_874, 128 : i32
      %dma_start3A_876 = arith.constant 0 : i32
      %dma_start3A_877 = arith.constant 1920 : i32
      %dma_start3A_878 = tpu.memref_slice %arg11[%dma_start3A_876, %dma_start3A_877] : memref<16x2048xf32, #tpu.memory_space<vmem>> -> memref<16x128xf32, #tpu.memory_space<vmem>>
      %dma_start3A_879 = arith.constant 0 : i32
      %dma_start3A_880 = tpu.memref_slice %arg4[%dma_start3A_879, %multiple_of3A_868] : memref<16x1000000xf32, #tpu.memory_space<hbm>> -> memref<16x128xf32, #tpu.memory_space<hbm>>
      %dma_start3A_881 = arith.constant 0 : i32
      %dma_start3A_882 = arith.constant 1920 : i32
      %dma_start3A_883 = tpu.memref_slice %arg11[%dma_start3A_881, %dma_start3A_882] : memref<16x2048xf32, #tpu.memory_space<vmem>> -> memref<16x128xf32, #tpu.memory_space<vmem>>
      %dma_start3A_884 = arith.constant 0 : i32
      %dma_start3A_885 = tpu.memref_slice %arg4[%dma_start3A_884, %multiple_of3A_868] : memref<16x1000000xf32, #tpu.memory_space<hbm>> -> memref<16x128xf32, #tpu.memory_space<hbm>>
      tpu.enqueue_dma source(%dma_start3A_885 : memref<16x128xf32, #tpu.memory_space<hbm>>) target(%dma_start3A_883 : memref<16x128xf32, #tpu.memory_space<vmem>>) target_semaphore(%arg16 : memref<!tpu.dma_semaphore, #tpu.memory_space<semaphore_mem>>)
      %dma_start3A_886 = arith.constant 0 : i32
      %dma_start3A_887 = arith.constant 1920 : i32
      %dma_start3A_888 = tpu.memref_slice %arg12[%dma_start3A_886, %dma_start3A_887] : memref<16x2048xf32, #tpu.memory_space<vmem>> -> memref<16x128xf32, #tpu.memory_space<vmem>>
      %dma_start3A_889 = arith.constant 0 : i32
      %dma_start3A_890 = tpu.memref_slice %arg5[%dma_start3A_889, %multiple_of3A_875] : memref<16x1000000xf32, #tpu.memory_space<hbm>> -> memref<16x128xf32, #tpu.memory_space<hbm>>
      %dma_start3A_891 = arith.constant 0 : i32
      %dma_start3A_892 = arith.constant 1920 : i32
      %dma_start3A_893 = tpu.memref_slice %arg12[%dma_start3A_891, %dma_start3A_892] : memref<16x2048xf32, #tpu.memory_space<vmem>> -> memref<16x128xf32, #tpu.memory_space<vmem>>
      %dma_start3A_894 = arith.constant 0 : i32
      %dma_start3A_895 = tpu.memref_slice %arg5[%dma_start3A_894, %multiple_of3A_875] : memref<16x1000000xf32, #tpu.memory_space<hbm>> -> memref<16x128xf32, #tpu.memory_space<hbm>>
      tpu.enqueue_dma source(%dma_start3A_895 : memref<16x128xf32, #tpu.memory_space<hbm>>) target(%dma_start3A_893 : memref<16x128xf32, #tpu.memory_space<vmem>>) target_semaphore(%arg16 : memref<!tpu.dma_semaphore, #tpu.memory_space<semaphore_mem>>)
      %dma_start3A_896 = arith.constant 0 : i32
      %dma_start3A_897 = arith.constant 1920 : i32
      %dma_start3A_898 = tpu.memref_slice %arg13[%dma_start3A_896, %dma_start3A_897] : memref<1x2048xf32, #tpu.memory_space<vmem>> -> memref<1x128xf32, #tpu.memory_space<vmem>>
      %dma_start3A_899 = arith.constant 0 : i32
      %dma_start3A_900 = tpu.memref_slice %arg6[%dma_start3A_899, %multiple_of3A_868] : memref<1x1000000xf32, #tpu.memory_space<hbm>> -> memref<1x128xf32, #tpu.memory_space<hbm>>
      %dma_start3A_901 = arith.constant 0 : i32
      %dma_start3A_902 = arith.constant 1920 : i32
      %dma_start3A_903 = tpu.memref_slice %arg13[%dma_start3A_901, %dma_start3A_902] : memref<1x2048xf32, #tpu.memory_space<vmem>> -> memref<1x128xf32, #tpu.memory_space<vmem>>
      %dma_start3A_904 = arith.constant 0 : i32
      %dma_start3A_905 = tpu.memref_slice %arg6[%dma_start3A_904, %multiple_of3A_868] : memref<1x1000000xf32, #tpu.memory_space<hbm>> -> memref<1x128xf32, #tpu.memory_space<hbm>>
      tpu.enqueue_dma source(%dma_start3A_905 : memref<1x128xf32, #tpu.memory_space<hbm>>) target(%dma_start3A_903 : memref<1x128xf32, #tpu.memory_space<vmem>>) target_semaphore(%arg16 : memref<!tpu.dma_semaphore, #tpu.memory_space<semaphore_mem>>)
      %dma_start3A_906 = arith.constant 0 : i32
      %dma_start3A_907 = arith.constant 1920 : i32
      %dma_start3A_908 = tpu.memref_slice %arg14[%dma_start3A_906, %dma_start3A_907] : memref<1x2048xf32, #tpu.memory_space<vmem>> -> memref<1x128xf32, #tpu.memory_space<vmem>>
      %dma_start3A_909 = arith.constant 0 : i32
      %dma_start3A_910 = tpu.memref_slice %arg7[%dma_start3A_909, %multiple_of3A_875] : memref<1x1000000xf32, #tpu.memory_space<hbm>> -> memref<1x128xf32, #tpu.memory_space<hbm>>
      %dma_start3A_911 = arith.constant 0 : i32
      %dma_start3A_912 = arith.constant 1920 : i32
      %dma_start3A_913 = tpu.memref_slice %arg14[%dma_start3A_911, %dma_start3A_912] : memref<1x2048xf32, #tpu.memory_space<vmem>> -> memref<1x128xf32, #tpu.memory_space<vmem>>
      %dma_start3A_914 = arith.constant 0 : i32
      %dma_start3A_915 = tpu.memref_slice %arg7[%dma_start3A_914, %multiple_of3A_875] : memref<1x1000000xf32, #tpu.memory_space<hbm>> -> memref<1x128xf32, #tpu.memory_space<hbm>>
      tpu.enqueue_dma source(%dma_start3A_915 : memref<1x128xf32, #tpu.memory_space<hbm>>) target(%dma_start3A_913 : memref<1x128xf32, #tpu.memory_space<vmem>>) target_semaphore(%arg16 : memref<!tpu.dma_semaphore, #tpu.memory_space<semaphore_mem>>)
      %dma_wait3A = arith.constant 0 : i32
      %dma_wait3A_916 = arith.constant 0 : i32
      %dma_wait3A_917 = tpu.memref_slice %arg4[%dma_wait3A, %dma_wait3A_916] : memref<16x1000000xf32, #tpu.memory_space<hbm>> -> memref<16x2048xf32, #tpu.memory_space<hbm>>
      %dma_wait3A_918 = arith.constant 0 : i32
      %dma_wait3A_919 = arith.constant 0 : i32
      %dma_wait3A_920 = tpu.memref_slice %arg4[%dma_wait3A_918, %dma_wait3A_919] : memref<16x1000000xf32, #tpu.memory_space<hbm>> -> memref<16x2048xf32, #tpu.memory_space<hbm>>
      tpu.wait_dma2 semaphore(%arg16 : memref<!tpu.dma_semaphore, #tpu.memory_space<semaphore_mem>>) src(%dma_wait3A_920 : memref<16x2048xf32, #tpu.memory_space<hbm>>) dst(%arg11 : memref<16x2048xf32, #tpu.memory_space<vmem>>)
      %dma_wait3A_921 = arith.constant 0 : i32
      %dma_wait3A_922 = arith.constant 0 : i32
      %dma_wait3A_923 = tpu.memref_slice %arg5[%dma_wait3A_921, %dma_wait3A_922] : memref<16x1000000xf32, #tpu.memory_space<hbm>> -> memref<16x2048xf32, #tpu.memory_space<hbm>>
      %dma_wait3A_924 = arith.constant 0 : i32
      %dma_wait3A_925 = arith.constant 0 : i32
      %dma_wait3A_926 = tpu.memref_slice %arg5[%dma_wait3A_924, %dma_wait3A_925] : memref<16x1000000xf32, #tpu.memory_space<hbm>> -> memref<16x2048xf32, #tpu.memory_space<hbm>>
      tpu.wait_dma2 semaphore(%arg16 : memref<!tpu.dma_semaphore, #tpu.memory_space<semaphore_mem>>) src(%dma_wait3A_926 : memref<16x2048xf32, #tpu.memory_space<hbm>>) dst(%arg12 : memref<16x2048xf32, #tpu.memory_space<vmem>>)
      %dma_wait3A_927 = arith.constant 0 : i32
      %dma_wait3A_928 = arith.constant 0 : i32
      %dma_wait3A_929 = tpu.memref_slice %arg6[%dma_wait3A_927, %dma_wait3A_928] : memref<1x1000000xf32, #tpu.memory_space<hbm>> -> memref<1x2048xf32, #tpu.memory_space<hbm>>
      %dma_wait3A_930 = arith.constant 0 : i32
      %dma_wait3A_931 = arith.constant 0 : i32
      %dma_wait3A_932 = tpu.memref_slice %arg6[%dma_wait3A_930, %dma_wait3A_931] : memref<1x1000000xf32, #tpu.memory_space<hbm>> -> memref<1x2048xf32, #tpu.memory_space<hbm>>
      tpu.wait_dma2 semaphore(%arg16 : memref<!tpu.dma_semaphore, #tpu.memory_space<semaphore_mem>>) src(%dma_wait3A_932 : memref<1x2048xf32, #tpu.memory_space<hbm>>) dst(%arg13 : memref<1x2048xf32, #tpu.memory_space<vmem>>)
      %dma_wait3A_933 = arith.constant 0 : i32
      %dma_wait3A_934 = arith.constant 0 : i32
      %dma_wait3A_935 = tpu.memref_slice %arg7[%dma_wait3A_933, %dma_wait3A_934] : memref<1x1000000xf32, #tpu.memory_space<hbm>> -> memref<1x2048xf32, #tpu.memory_space<hbm>>
      %dma_wait3A_936 = arith.constant 0 : i32
      %dma_wait3A_937 = arith.constant 0 : i32
      %dma_wait3A_938 = tpu.memref_slice %arg7[%dma_wait3A_936, %dma_wait3A_937] : memref<1x1000000xf32, #tpu.memory_space<hbm>> -> memref<1x2048xf32, #tpu.memory_space<hbm>>
      tpu.wait_dma2 semaphore(%arg16 : memref<!tpu.dma_semaphore, #tpu.memory_space<semaphore_mem>>) src(%dma_wait3A_938 : memref<1x2048xf32, #tpu.memory_space<hbm>>) dst(%arg14 : memref<1x2048xf32, #tpu.memory_space<vmem>>)
      %mul3A_939 = arith.constant 128 : i32
      %mul3A_940 = vector.broadcast %mul3A_939 : i32 to vector<16xi32>
      %mul3A_941 = arith.muli %iota3A, %mul3A_940 : vector<16xi32>
      %and3A_942 = arith.constant 127 : i32
      %and3A_943 = vector.broadcast %and3A_942 : i32 to vector<16xi32>
      %and3A_944 = arith.andi %get3A_54, %and3A_943 : vector<16xi32>
      %add3A_945 = arith.addi %mul3A_941, %and3A_944 : vector<16xi32>
      %mul3A_946 = arith.constant 128 : i32
      %mul3A_947 = vector.broadcast %mul3A_946 : i32 to vector<16xi32>
      %mul3A_948 = arith.muli %iota3A, %mul3A_947 : vector<16xi32>
      %and3A_949 = arith.constant 127 : i32
      %and3A_950 = vector.broadcast %and3A_949 : i32 to vector<16xi32>
      %and3A_951 = arith.andi %get3A_57, %and3A_950 : vector<16xi32>
      %add3A_952 = arith.addi %mul3A_948, %and3A_951 : vector<16xi32>
      %broadcast_in_dim3A = arith.constant 0.000000e+00 : f32
      %broadcast_in_dim3A_953 = vector.broadcast %broadcast_in_dim3A : f32 to vector<16xf32>
      %broadcast_in_dim3A_954 = arith.constant 0 : i32
      %broadcast_in_dim3A_955 = vector.broadcast %broadcast_in_dim3A_954 : i32 to vector<16xi32>
      %gather3A = tpu.vector_load_idx %arg11[%broadcast_in_dim3A_955, %add3A_945] : memref<16x2048xf32, #tpu.memory_space<vmem>>[vector<16xi32>, vector<16xi32>], vector<16xf32>,
      %gather3A_956 = tpu.vector_load_idx %arg12[%broadcast_in_dim3A_955, %add3A_952] : memref<16x2048xf32, #tpu.memory_space<vmem>>[vector<16xi32>, vector<16xi32>], vector<16xf32>,
      %mul3A_957 = arith.mulf %gather3A, %gather3A_956 : vector<16xf32>
      %add3A_958 = arith.addf %broadcast_in_dim3A_953, %mul3A_957 : vector<16xf32>
      %broadcast_in_dim3A_959 = arith.constant 1 : i32
      %broadcast_in_dim3A_960 = vector.broadcast %broadcast_in_dim3A_959 : i32 to vector<16xi32>
      %gather3A_961 = tpu.vector_load_idx %arg11[%broadcast_in_dim3A_960, %add3A_945] : memref<16x2048xf32, #tpu.memory_space<vmem>>[vector<16xi32>, vector<16xi32>], vector<16xf32>,
      %gather3A_962 = tpu.vector_load_idx %arg12[%broadcast_in_dim3A_960, %add3A_952] : memref<16x2048xf32, #tpu.memory_space<vmem>>[vector<16xi32>, vector<16xi32>], vector<16xf32>,
      %mul3A_963 = arith.mulf %gather3A_961, %gather3A_962 : vector<16xf32>
      %add3A_964 = arith.addf %add3A_958, %mul3A_963 : vector<16xf32>
      %broadcast_in_dim3A_965 = arith.constant 2 : i32
      %broadcast_in_dim3A_966 = vector.broadcast %broadcast_in_dim3A_965 : i32 to vector<16xi32>
      %gather3A_967 = tpu.vector_load_idx %arg11[%broadcast_in_dim3A_966, %add3A_945] : memref<16x2048xf32, #tpu.memory_space<vmem>>[vector<16xi32>, vector<16xi32>], vector<16xf32>,
      %gather3A_968 = tpu.vector_load_idx %arg12[%broadcast_in_dim3A_966, %add3A_952] : memref<16x2048xf32, #tpu.memory_space<vmem>>[vector<16xi32>, vector<16xi32>], vector<16xf32>,
      %mul3A_969 = arith.mulf %gather3A_967, %gather3A_968 : vector<16xf32>
      %add3A_970 = arith.addf %add3A_964, %mul3A_969 : vector<16xf32>
      %broadcast_in_dim3A_971 = arith.constant 3 : i32
      %broadcast_in_dim3A_972 = vector.broadcast %broadcast_in_dim3A_971 : i32 to vector<16xi32>
      %gather3A_973 = tpu.vector_load_idx %arg11[%broadcast_in_dim3A_972, %add3A_945] : memref<16x2048xf32, #tpu.memory_space<vmem>>[vector<16xi32>, vector<16xi32>], vector<16xf32>,
      %gather3A_974 = tpu.vector_load_idx %arg12[%broadcast_in_dim3A_972, %add3A_952] : memref<16x2048xf32, #tpu.memory_space<vmem>>[vector<16xi32>, vector<16xi32>], vector<16xf32>,
      %mul3A_975 = arith.mulf %gather3A_973, %gather3A_974 : vector<16xf32>
      %add3A_976 = arith.addf %add3A_970, %mul3A_975 : vector<16xf32>
      %broadcast_in_dim3A_977 = arith.constant 4 : i32
      %broadcast_in_dim3A_978 = vector.broadcast %broadcast_in_dim3A_977 : i32 to vector<16xi32>
      %gather3A_979 = tpu.vector_load_idx %arg11[%broadcast_in_dim3A_978, %add3A_945] : memref<16x2048xf32, #tpu.memory_space<vmem>>[vector<16xi32>, vector<16xi32>], vector<16xf32>,
      %gather3A_980 = tpu.vector_load_idx %arg12[%broadcast_in_dim3A_978, %add3A_952] : memref<16x2048xf32, #tpu.memory_space<vmem>>[vector<16xi32>, vector<16xi32>], vector<16xf32>,
      %mul3A_981 = arith.mulf %gather3A_979, %gather3A_980 : vector<16xf32>
      %add3A_982 = arith.addf %add3A_976, %mul3A_981 : vector<16xf32>
      %broadcast_in_dim3A_983 = arith.constant 5 : i32
      %broadcast_in_dim3A_984 = vector.broadcast %broadcast_in_dim3A_983 : i32 to vector<16xi32>
      %gather3A_985 = tpu.vector_load_idx %arg11[%broadcast_in_dim3A_984, %add3A_945] : memref<16x2048xf32, #tpu.memory_space<vmem>>[vector<16xi32>, vector<16xi32>], vector<16xf32>,
      %gather3A_986 = tpu.vector_load_idx %arg12[%broadcast_in_dim3A_984, %add3A_952] : memref<16x2048xf32, #tpu.memory_space<vmem>>[vector<16xi32>, vector<16xi32>], vector<16xf32>,
      %mul3A_987 = arith.mulf %gather3A_985, %gather3A_986 : vector<16xf32>
      %add3A_988 = arith.addf %add3A_982, %mul3A_987 : vector<16xf32>
      %broadcast_in_dim3A_989 = arith.constant 6 : i32
      %broadcast_in_dim3A_990 = vector.broadcast %broadcast_in_dim3A_989 : i32 to vector<16xi32>
      %gather3A_991 = tpu.vector_load_idx %arg11[%broadcast_in_dim3A_990, %add3A_945] : memref<16x2048xf32, #tpu.memory_space<vmem>>[vector<16xi32>, vector<16xi32>], vector<16xf32>,
      %gather3A_992 = tpu.vector_load_idx %arg12[%broadcast_in_dim3A_990, %add3A_952] : memref<16x2048xf32, #tpu.memory_space<vmem>>[vector<16xi32>, vector<16xi32>], vector<16xf32>,
      %mul3A_993 = arith.mulf %gather3A_991, %gather3A_992 : vector<16xf32>
      %add3A_994 = arith.addf %add3A_988, %mul3A_993 : vector<16xf32>
      %broadcast_in_dim3A_995 = arith.constant 7 : i32
      %broadcast_in_dim3A_996 = vector.broadcast %broadcast_in_dim3A_995 : i32 to vector<16xi32>
      %gather3A_997 = tpu.vector_load_idx %arg11[%broadcast_in_dim3A_996, %add3A_945] : memref<16x2048xf32, #tpu.memory_space<vmem>>[vector<16xi32>, vector<16xi32>], vector<16xf32>,
      %gather3A_998 = tpu.vector_load_idx %arg12[%broadcast_in_dim3A_996, %add3A_952] : memref<16x2048xf32, #tpu.memory_space<vmem>>[vector<16xi32>, vector<16xi32>], vector<16xf32>,
      %mul3A_999 = arith.mulf %gather3A_997, %gather3A_998 : vector<16xf32>
      %add3A_1000 = arith.addf %add3A_994, %mul3A_999 : vector<16xf32>
      %broadcast_in_dim3A_1001 = arith.constant 8 : i32
      %broadcast_in_dim3A_1002 = vector.broadcast %broadcast_in_dim3A_1001 : i32 to vector<16xi32>
      %gather3A_1003 = tpu.vector_load_idx %arg11[%broadcast_in_dim3A_1002, %add3A_945] : memref<16x2048xf32, #tpu.memory_space<vmem>>[vector<16xi32>, vector<16xi32>], vector<16xf32>,
      %gather3A_1004 = tpu.vector_load_idx %arg12[%broadcast_in_dim3A_1002, %add3A_952] : memref<16x2048xf32, #tpu.memory_space<vmem>>[vector<16xi32>, vector<16xi32>], vector<16xf32>,
      %mul3A_1005 = arith.mulf %gather3A_1003, %gather3A_1004 : vector<16xf32>
      %add3A_1006 = arith.addf %add3A_1000, %mul3A_1005 : vector<16xf32>
      %broadcast_in_dim3A_1007 = arith.constant 9 : i32
      %broadcast_in_dim3A_1008 = vector.broadcast %broadcast_in_dim3A_1007 : i32 to vector<16xi32>
      %gather3A_1009 = tpu.vector_load_idx %arg11[%broadcast_in_dim3A_1008, %add3A_945] : memref<16x2048xf32, #tpu.memory_space<vmem>>[vector<16xi32>, vector<16xi32>], vector<16xf32>,
      %gather3A_1010 = tpu.vector_load_idx %arg12[%broadcast_in_dim3A_1008, %add3A_952] : memref<16x2048xf32, #tpu.memory_space<vmem>>[vector<16xi32>, vector<16xi32>], vector<16xf32>,
      %mul3A_1011 = arith.mulf %gather3A_1009, %gather3A_1010 : vector<16xf32>
      %add3A_1012 = arith.addf %add3A_1006, %mul3A_1011 : vector<16xf32>
      %broadcast_in_dim3A_1013 = arith.constant 10 : i32
      %broadcast_in_dim3A_1014 = vector.broadcast %broadcast_in_dim3A_1013 : i32 to vector<16xi32>
      %gather3A_1015 = tpu.vector_load_idx %arg11[%broadcast_in_dim3A_1014, %add3A_945] : memref<16x2048xf32, #tpu.memory_space<vmem>>[vector<16xi32>, vector<16xi32>], vector<16xf32>,
      %gather3A_1016 = tpu.vector_load_idx %arg12[%broadcast_in_dim3A_1014, %add3A_952] : memref<16x2048xf32, #tpu.memory_space<vmem>>[vector<16xi32>, vector<16xi32>], vector<16xf32>,
      %mul3A_1017 = arith.mulf %gather3A_1015, %gather3A_1016 : vector<16xf32>
      %add3A_1018 = arith.addf %add3A_1012, %mul3A_1017 : vector<16xf32>
      %broadcast_in_dim3A_1019 = arith.constant 11 : i32
      %broadcast_in_dim3A_1020 = vector.broadcast %broadcast_in_dim3A_1019 : i32 to vector<16xi32>
      %gather3A_1021 = tpu.vector_load_idx %arg11[%broadcast_in_dim3A_1020, %add3A_945] : memref<16x2048xf32, #tpu.memory_space<vmem>>[vector<16xi32>, vector<16xi32>], vector<16xf32>,
      %gather3A_1022 = tpu.vector_load_idx %arg12[%broadcast_in_dim3A_1020, %add3A_952] : memref<16x2048xf32, #tpu.memory_space<vmem>>[vector<16xi32>, vector<16xi32>], vector<16xf32>,
      %mul3A_1023 = arith.mulf %gather3A_1021, %gather3A_1022 : vector<16xf32>
      %add3A_1024 = arith.addf %add3A_1018, %mul3A_1023 : vector<16xf32>
      %broadcast_in_dim3A_1025 = arith.constant 12 : i32
      %broadcast_in_dim3A_1026 = vector.broadcast %broadcast_in_dim3A_1025 : i32 to vector<16xi32>
      %gather3A_1027 = tpu.vector_load_idx %arg11[%broadcast_in_dim3A_1026, %add3A_945] : memref<16x2048xf32, #tpu.memory_space<vmem>>[vector<16xi32>, vector<16xi32>], vector<16xf32>,
      %gather3A_1028 = tpu.vector_load_idx %arg12[%broadcast_in_dim3A_1026, %add3A_952] : memref<16x2048xf32, #tpu.memory_space<vmem>>[vector<16xi32>, vector<16xi32>], vector<16xf32>,
      %mul3A_1029 = arith.mulf %gather3A_1027, %gather3A_1028 : vector<16xf32>
      %add3A_1030 = arith.addf %add3A_1024, %mul3A_1029 : vector<16xf32>
      %broadcast_in_dim3A_1031 = arith.constant 13 : i32
      %broadcast_in_dim3A_1032 = vector.broadcast %broadcast_in_dim3A_1031 : i32 to vector<16xi32>
      %gather3A_1033 = tpu.vector_load_idx %arg11[%broadcast_in_dim3A_1032, %add3A_945] : memref<16x2048xf32, #tpu.memory_space<vmem>>[vector<16xi32>, vector<16xi32>], vector<16xf32>,
      %gather3A_1034 = tpu.vector_load_idx %arg12[%broadcast_in_dim3A_1032, %add3A_952] : memref<16x2048xf32, #tpu.memory_space<vmem>>[vector<16xi32>, vector<16xi32>], vector<16xf32>,
      %mul3A_1035 = arith.mulf %gather3A_1033, %gather3A_1034 : vector<16xf32>
      %add3A_1036 = arith.addf %add3A_1030, %mul3A_1035 : vector<16xf32>
      %broadcast_in_dim3A_1037 = arith.constant 14 : i32
      %broadcast_in_dim3A_1038 = vector.broadcast %broadcast_in_dim3A_1037 : i32 to vector<16xi32>
      %gather3A_1039 = tpu.vector_load_idx %arg11[%broadcast_in_dim3A_1038, %add3A_945] : memref<16x2048xf32, #tpu.memory_space<vmem>>[vector<16xi32>, vector<16xi32>], vector<16xf32>,
      %gather3A_1040 = tpu.vector_load_idx %arg12[%broadcast_in_dim3A_1038, %add3A_952] : memref<16x2048xf32, #tpu.memory_space<vmem>>[vector<16xi32>, vector<16xi32>], vector<16xf32>,
      %mul3A_1041 = arith.mulf %gather3A_1039, %gather3A_1040 : vector<16xf32>
      %add3A_1042 = arith.addf %add3A_1036, %mul3A_1041 : vector<16xf32>
      %broadcast_in_dim3A_1043 = arith.constant 15 : i32
      %broadcast_in_dim3A_1044 = vector.broadcast %broadcast_in_dim3A_1043 : i32 to vector<16xi32>
      %gather3A_1045 = tpu.vector_load_idx %arg11[%broadcast_in_dim3A_1044, %add3A_945] : memref<16x2048xf32, #tpu.memory_space<vmem>>[vector<16xi32>, vector<16xi32>], vector<16xf32>,
      %gather3A_1046 = tpu.vector_load_idx %arg12[%broadcast_in_dim3A_1044, %add3A_952] : memref<16x2048xf32, #tpu.memory_space<vmem>>[vector<16xi32>, vector<16xi32>], vector<16xf32>,
      %mul3A_1047 = arith.mulf %gather3A_1045, %gather3A_1046 : vector<16xf32>
      %add3A_1048 = arith.addf %add3A_1042, %mul3A_1047 : vector<16xf32>
      %broadcast_in_dim3A_1049 = arith.constant 0 : i32
      %broadcast_in_dim3A_1050 = vector.broadcast %broadcast_in_dim3A_1049 : i32 to vector<16xi32>
      %gather3A_1051 = tpu.vector_load_idx %arg13[%broadcast_in_dim3A_1050, %add3A_945] : memref<1x2048xf32, #tpu.memory_space<vmem>>[vector<16xi32>, vector<16xi32>], vector<16xf32>,
      %gather3A_1052 = tpu.vector_load_idx %arg14[%broadcast_in_dim3A_1050, %add3A_952] : memref<1x2048xf32, #tpu.memory_space<vmem>>[vector<16xi32>, vector<16xi32>], vector<16xf32>,
      %add3A_1053 = arith.addf %add3A_1048, %gather3A_1051 : vector<16xf32>
      %add3A_1054 = arith.addf %add3A_1053, %gather3A_1052 : vector<16xf32>
      %max3A = arith.constant 0.000000e+00 : f32
      %max3A_1055 = vector.broadcast %max3A : f32 to vector<16xf32>
      %max3A_1056 = arith.maximumf %add3A_1054, %max3A_1055 : vector<16xf32>
      %mul3A_1057 = arith.constant -2.000000e+00 : f32
      %mul3A_1058 = vector.broadcast %mul3A_1057 : f32 to vector<16xf32>
      %mul3A_1059 = arith.mulf %mul3A_1058, %max3A_1056 : vector<16xf32>
      %exp3A = math.exp %mul3A_1059 : vector<16xf32>
      %sub3A_1060 = arith.constant 1.000000e+00 : f32
      %sub3A_1061 = vector.broadcast %sub3A_1060 : f32 to vector<16xf32>
      %sub3A_1062 = arith.subf %sub3A_1061, %exp3A : vector<16xf32>
      %add3A_1063 = arith.constant 1.000000e+00 : f32
      %add3A_1064 = vector.broadcast %add3A_1063 : f32 to vector<16xf32>
      %add3A_1065 = arith.addf %add3A_1064, %exp3A : vector<16xf32>
      %div3A_1066 = arith.divf %sub3A_1062, %add3A_1065 : vector<16xf32>
      %mul3A_1067 = arith.constant 16 : i32
      %mul3A_1068 = arith.muli %scan3A_31, %mul3A_1067 : i32
      %swap3A = arith.index_cast %mul3A_1068 : i32 to index
      %swap3A_1069 = tpu.vector_load %arg15[%swap3A] {strides = array<i32>} : memref<512xf32, #tpu.memory_space<vmem>>, vector<16xf32>,
      tpu.vector_store %arg15[%swap3A], %div3A_1066 {strides = array<i32>} : memref<512xf32, #tpu.memory_space<vmem>>, vector<16xf32>,
    }
    %scan3A_30 = arith.constant 32 : i32
    "tpu.region"() ({
      %run_scoped3A_31 = tpu.sem_alloc : memref<!tpu.dma_semaphore, #tpu.memory_space<semaphore_mem>>
      %dma_start3A = tpu.memref_slice %arg8[%mul3A_2] : memref<16384xf32, #tpu.memory_space<hbm>> -> memref<512xf32, #tpu.memory_space<hbm>>
      %dma_start3A_32 = tpu.memref_slice %arg8[%mul3A_2] : memref<16384xf32, #tpu.memory_space<hbm>> -> memref<512xf32, #tpu.memory_space<hbm>>
      tpu.enqueue_dma source(%arg15 : memref<512xf32, #tpu.memory_space<vmem>>) target(%dma_start3A_32 : memref<512xf32, #tpu.memory_space<hbm>>) target_semaphore(%run_scoped3A_31 : memref<!tpu.dma_semaphore, #tpu.memory_space<semaphore_mem>>)
      %dma_wait3A = tpu.memref_slice %arg8[%mul3A_2] : memref<16384xf32, #tpu.memory_space<hbm>> -> memref<512xf32, #tpu.memory_space<hbm>>
      %dma_wait3A_33 = tpu.memref_slice %arg8[%mul3A_2] : memref<16384xf32, #tpu.memory_space<hbm>> -> memref<512xf32, #tpu.memory_space<hbm>>
      tpu.wait_dma2 semaphore(%run_scoped3A_31 : memref<!tpu.dma_semaphore, #tpu.memory_space<semaphore_mem>>) src(%arg15 : memref<512xf32, #tpu.memory_space<vmem>>) dst(%dma_wait3A_33 : memref<512xf32, #tpu.memory_space<hbm>>)
      tpu.yield
    }) : () -> ()
    return
  }
}

</mosaic_0001>

<sc_bundles>
// kernel: kernel.3.cloned.1.call-start
scs
__scs_entry_jumppad:
0x0: {  	(pc) =	sbr.rel $0x88, $3  }
0x1: {  	(tag) =	ssettag $0x0;
	lr =	simm.s32 $0x1  }
0x2: {  	[smem:$0x3F9C] =	sst lr;
	_ =	strace $0xD0000000  }
0x3: {  	_ = 	snop  }
0x4: {  	_ = 	snop  }
0x5: {  	_ = 	snop  }
0x6: {  	_ = 	snop  }
0x7: {  	_ = 	snop  }
__scs_overlays_trampoline_lowered:
0x8: {  	[smem:$0x3FAB] =	sst s0  }
0x9: {  	[smem:$0x3FAC] =	sst s1  }
0xa: {  	[smem:$0x3FAD] =	sst s2  }
0xb: {  	[smem:$0x3FAE] =	sst s3  }
0xc: {  	[smem:$0x3FAF] =	sst s4  }
0xd: {  	[smem:$0x3FB0] =	sst s5  }
0xe: {  	[smem:$0x3FB1] =	sst s6  }
0xf: {  	[smem:$0x3FB2] =	sst s7  }
0x10: {  	[smem:$0x3FB3] =	sst s8  }
0x11: {  	[smem:$0x3FB4] =	sst s9;
	s0 =	simm.s32 @!p0 $0x0  }
0x12: {  	s1 =	sld [smem:$0x3F9A];
	s0 =	simm.s32 @p0 $0x1  }
0x13: {  	[smem:$0x3FB5] =	sst s0;
	s0 =	simm.s32 @!p1 $0x0  }
0x14: {  	s2 =	sld [smem:$0x3F99];
	s0 =	simm.s32 @p1 $0x1  }
0x15: {  	[smem:$0x3FB6] =	sst s0;
	s0 =	simm.s32 @!p2 $0x0  }
0x16: {  	s3 =	sld [smem:$0x3FDB];
	s0 =	simm.s32 @p2 $0x1  }
0x17: {  	s4 =	simm.s32 $0x1BF5;
	[smem:$0x3FB8] =	sst s0  }
0x18: {  	s0 =	sld [smem:$0x3F9B];
	_ =	swait.ge [sflag:s4], $0x0  }
0x19: {  	s7 =	sld [smem:$0x3F9C]  }
0x1a: {  	s8 =	sadd.s32 $0xFFFFE003, lr  }
0x1b: {  	s9 =	sadd.s32 $0xFFFFFEF7, lr;
	s5 =	simm.s32 $0xFFFFFFFF;
	p2 =	slt.u32 s8, $0xFFFFF086  }
0x1c: {  	p1 =	slt.u32 s9, $0xF7A;
	s5 =	simm.s32 @!p2 $0x0  }
0x1d: {  	s5 =	simm.s32 @p1 $0x1;
	p0 =	seq.s32 s7, s2  }
0x1e: {  	s7 =	smul.u32 @!p0 $0xF7A, s2;
	p2 =	seq.s32 @!p0 s5, $0x0  }
0x1f: {  	s9 =	smul.u32 $0xF7A, s1;
	s8 =	simm.s32 @!p0 $0x1BF5;
	p2 =	por !p2, p0  }
0x20: {  	[sflag:s8] =	ssyncset.s32 @!p0 $0xFFFFF086;
	s6 =	sadd.s32 @!p0 s3, s7;
	s7 =	simm.s32 @!p0 $0x108  }
0x21: {  	s3 =	sadd.s32 s3, s9;
	s6 =	sadd.s32 @!p0 $0x88, s6;
	s7 =	simm.s32 @p2 $0x1082  }
0x22: {  	[simem:s7], [sflag:s8] =	dma.local @!p0 [hbm:s6], $0xF7A  }
0x23: {  	s9 =	sor.u32 $0xD0000000, s2;
	s6 =	simm.s32 $0x108;
	_ =	swait.ge @!p0 [sflag:s8], $0x0  }
0x24: {  	s3 =	sadd.s32 $0x88, s3;
	s6 =	simm.s32 @!p1 $0x1082;
	[sflag:s4] =	ssyncset.s32 $0xFFFFF086  }
0x25: {  	[simem:s6], [sflag:s4] =	dma.local [hbm:s3], $0xF7A  }
0x26: {  	[smem:$0x3F9C] =	sst s1;
	(tag) =	ssettag s2;
	_ =	strace s9  }
0x27: {  	s1 =	sld [smem:$0x3FAC]  }
0x28: {  	s2 =	sld [smem:$0x3FAD]  }
0x29: {  	s4 =	sld [smem:$0x3FAF]  }
0x2a: {  	p0 =	seq.s32 s5, $0x0;
	s5 =	sld [smem:$0x3FB0]  }
0x2b: {  	s6 =	sld [smem:$0x3FB1]  }
0x2c: {  	s7 =	sld [smem:$0x3FB2]  }
0x2d: {  	s3 =	simm.s32 $0x108;
	s8 =	sld [smem:$0x3FB3]  }
0x2e: {  	s3 =	simm.s32 @!p0 $0x1082;
	s9 =	sld [smem:$0x3FB4]  }
0x2f: {  	lr =	sadd.s32 s0, s3;
	s0 =	sld [smem:$0x3FAB]  }
0x30: {  	s3 =	sld [smem:$0x3FAE]  }
0x31: {  	[smem:$0x3FB7] =	sst s10  }
0x32: {  	s10 =	sld [smem:$0x3FB5];
	_ =	sdelay $0x3  }
0x33: {  	p0 =	seq.s32 s10, $0x1;
	s10 =	sld [smem:$0x3FB7];
	_ =	sdelay $0x3  }
0x34: {  	[smem:$0x3FB7] =	sst s10  }
0x35: {  	s10 =	sld [smem:$0x3FB6];
	_ =	sdelay $0x3  }
0x36: {  	p1 =	seq.s32 s10, $0x1;
	s10 =	sld [smem:$0x3FB7];
	_ =	sdelay $0x3  }
0x37: {  	[smem:$0x3FB7] =	sst s10  }
0x38: {  	s10 =	sld [smem:$0x3FB8]  }
0x39: {  	_ = 	snop;
	(pc) =	sbr.ind lr, $3  }
0x3a: {  	_ = 	snop  }
0x3b: {  	_ = 	snop  }
0x3c: {  	p2 =	seq.s32 s10, $0x1;
	s10 =	sld [smem:$0x3FB7]  }
0x3d: {  	_ =	shalt  }
0x3e: {  	_ =	shalt  }
0x3f: {  	_ =	shalt  }
0x40: {  	_ =	shalt  }
0x41: {  	_ =	shalt  }
0x42: {  	_ =	shalt  }
0x43: {  	_ =	shalt  }
0x44: {  	_ =	shalt  }
0x45: {  	_ =	shalt  }
0x46: {  	_ =	shalt  }
0x47: {  	_ =	shalt  }
0x48: {  	_ =	shalt  }
0x49: {  	_ =	shalt  }
0x4a: {  	_ =	shalt  }
0x4b: {  	_ =	shalt  }
0x4c: {  	_ =	shalt  }
0x4d: {  	_ =	shalt  }
0x4e: {  	_ =	shalt  }
0x4f: {  	_ =	shalt  }
0x50: {  	_ =	shalt  }
0x51: {  	_ =	shalt  }
0x52: {  	_ =	shalt  }
0x53: {  	_ =	shalt  }
0x54: {  	_ =	shalt  }
0x55: {  	_ =	shalt  }
0x56: {  	_ =	shalt  }
0x57: {  	_ =	shalt  }
0x58: {  	_ =	shalt  }
0x59: {  	_ =	shalt  }
0x5a: {  	_ =	shalt  }
0x5b: {  	_ =	shalt  }
0x5c: {  	_ =	shalt  }
0x5d: {  	_ =	shalt  }
0x5e: {  	_ =	shalt  }
0x5f: {  	_ =	shalt  }
0x60: {  	_ =	shalt  }
0x61: {  	_ =	shalt  }
0x62: {  	_ =	shalt  }
0x63: {  	_ =	shalt  }
0x64: {  	_ =	shalt  }
0x65: {  	_ =	shalt  }
0x66: {  	_ =	shalt  }
0x67: {  	_ =	shalt  }
0x68: {  	_ =	shalt  }
0x69: {  	_ =	shalt  }
0x6a: {  	_ =	shalt  }
0x6b: {  	_ =	shalt  }
0x6c: {  	_ =	shalt  }
0x6d: {  	_ =	shalt  }
0x6e: {  	_ =	shalt  }
0x6f: {  	_ =	shalt  }
0x70: {  	_ =	shalt  }
0x71: {  	_ =	shalt  }
0x72: {  	_ =	shalt  }
0x73: {  	_ =	shalt  }
0x74: {  	_ =	shalt  }
0x75: {  	_ =	shalt  }
0x76: {  	_ =	shalt  }
0x77: {  	_ =	shalt  }
0x78: {  	_ =	shalt  }
0x79: {  	_ =	shalt  }
0x7a: {  	_ =	shalt  }
0x7b: {  	_ =	shalt  }
0x7c: {  	_ =	shalt  }
0x7d: {  	_ =	shalt  }
0x7e: {  	_ =	shalt  }
0x7f: {  	_ =	shalt  }
0x80: {  	_ =	shalt  }
0x81: {  	_ =	shalt  }
0x82: {  	_ =	shalt  }
0x83: {  	_ =	shalt  }
0x84: {  	_ =	shalt  }
0x85: {  	_ =	shalt  }
0x86: {  	_ =	shalt  }
0x87: {  	_ =	shalt  }
.Lfunc_end0:
.L_simem_size_0:
called_computation_lowered:
.L_overlay_start_0:
0x88: {  	s2 =	sld [smem:$0x3FD9]  }
0x89: {  	s3 =	sld [smem:$0x3FFE];
	_ =	sdelay $0x1  }
0x8a: {  	s1 =	srdreg.scid  }
0x8b: {  	s0 =	sand.u32 $0x1, s1  }
0x8c: {  	s17 =	sshll.u32 s0, $0xA;
	s2 =	sadd.s32 s3, s2  }
0x8d: {  	s2 =	sadd.s32 s2, s17  }
0x8e: {  	[smem:$0x3FC3] =	sst s2  }
0x8f: {  	_ = 	snop  }
0x90: {  	s2 =	sld [smem:$0x3FC8]  }
0x91: {  	s18 =	sld [smem:$0x3FC7]  }
0x92: {  	s4 =	sld [smem:$0x3FC6]  }
0x93: {  	s5 =	sld [smem:$0x3FC5]  }
0x94: {  	s6 =	sld [smem:$0x3FD0];
	(tm) =	ssettm $0x1  }
0x95: {  	s7 =	sld [smem:$0x3FFB];
	_ =	sdelay $0x3  }
0x96: {  	_ =	strace s7  }
0x97: {  	s7 =	sld [smem:$0x3FFC];
	_ =	sdelay $0x3  }
0x98: {  	_ =	strace s7  }
0x99: {  	s7 =	sld [smem:$0x3FFD];
	_ =	sdelay $0x3  }
0x9a: {  	_ =	strace s7  }
0x9b: {  	_ =	strace $0x8FFFFFFF  }
0x9c: {  	s19 =	sld [smem:$0x3FDB];
	_ =	sdelay $0x1  }
0x9d: {  	s8 =	simm.s32 $_scs_section_size  }
0x9e: {  	s9 =	simm.s32 $_size__tile_overlayer_lowered;
	s10 =	simm.s32 $_tile_overlayer_lowered  }
0x9f: {  	s22 =	simm.s32 $0x1BFF;
	s21 =	sshll.u32 s10, $0x1;
	s7 =	sadd.s32 s8, s19  }
0xa0: {  	s11 =	simm.s32 $0x0;
	s20 =	sshll.u32 s9, $0x1;
	s9 =	sadd.s32 s21, s7  }
0xa1: {  	[timem:s11], [sflag:s22] =	dma.local [hbm:s9], s20  }
0xa2: {  	_ =	swait.ge [sflag:s22], s20  }
0xa3: {  	s8 =	ssub.s32 $0x0, s20;
	[sflag:s22] =	ssyncset.done $0x0  }
0xa4: {  	[sflag:s22] =	ssyncadd.s32 s8;
	_ =	sdelay $0x1  }
0xa5: {  	s23 =	simm.s32 $0x1B8B  }
0xa6: {  	_ =	swait.ge [sflag:s23], $0x1  }
0xa7: {  	[sflag:s23] =	ssyncset.done $0x0  }
0xa8: {  	s25 =	simm.s32 $0x1B8E;
	s24 =	sld [smem:$0x3FFE];
	[sflag:s23] =	ssyncadd.s32 $0xFFFFFFFF  }
0xa9: {  	s26 =	simm.s32 $execute0_lowered;
	[smem:$0x3FD2] =	sst s25  }
0xaa: {  	s9 =	sshll.u32 s26, $0x1;
	_ =	strace $0x80000046;
	[dreg:$0x1] =	wrdreg $0xFFFFFFFF  }
0xab: {  	s28 =	simm.s32 $_size_execute0_lowered;
	s7 =	sadd.s32 s7, s9;
	[dreg:$0x0] =	wrdreg $0x0  }
0xac: {  	s9 =	sshll.u32 s28, $0x1;
	[dreg:$0x2] =	wrdreg s7  }
0xad: {  	[dreg:$0x3] =	wrdreg s9  }
0xae: {  	[dreg:$0x4] =	wrdreg $0xC0  }
0xaf: {  	_ =	task [dreg:s11], $0x5FFFF  }
0xb0: {  	[dreg:$0x1] =	wrdreg $0xFFFFFFFF  }
0xb1: {  	[dreg:$0x0] =	wrdreg $0x60  }
0xb2: {  	[dreg:$0x2] =	wrdreg s24  }
0xb3: {  	[dreg:$0x3] =	wrdreg s2  }
0xb4: {  	[dreg:$0x4] =	wrdreg s18  }
0xb5: {  	[dreg:$0x5] =	wrdreg s4  }
0xb6: {  	[dreg:$0x6] =	wrdreg s5  }
0xb7: {  	[dreg:$0x7] =	wrdreg s6  }
0xb8: {  	[dreg:$0x8] =	wrdreg $0x9  }
0xb9: {  	_ =	task.clear_ibuf [dreg:s11], $0x9FFFF;
	_ =	strace $0x90000046  }
0xba: {  	s29 =	simm.s32 $0x9;
	_ =	strace $0x80000048  }
0xbb: {  	_ =	swait.ge [sflag:s29], $0x1  }
0xbc: {  	[sflag:s29] =	ssyncadd.s32 $0xFFFFFFFF  }
0xbd: {  	_ =	strace $0x90000048  }
0xbe: {  	_ =	sfence  }
0xbf: {  	s30 =	sld [smem:$0x0];
	_ =	sdelay $0x2  }
0xc0: {  	s31 =	sshll.u32 s1, $0xD;
	s1 =	sshrl.u32 s1, $0x2  }
0xc1: {  	s3 =	sand.u32 $0x4000, s31;
	s1 =	sadd.s32 s1, s30  }
0xc2: {  	s0 =	sor.u32 s3, s0;
	s1 =	sshll.u32 s1, $0x11  }
0xc3: {  	s0 =	sor.u32 s1, s0  }
0xc4: {  	s0 =	sadd.s32 $0x8F2B, s0  }
0xc5: {  	[sflag:s0] =	ssyncadd.remote.s32 $0x1  }
0xc6: {  	_ =	sfence.sel $0xFFFF  }
0xc7: {  	[dreg:$0x0] =	wrdreg $0xFFFFFFFF;
	(pc) =	sbr.abs _section_cstart, $3  }
0xc8: {  	[dreg:$0x1] =	wrdreg $0xFFFFFFFF  }
0xc9: {  	_ =	task.clear_ibuf [dreg:s11], $0x2FFFF;
	_ =	strace $0x9FFFFFFF  }
0xca: {  	(tm) =	ssettm $0x7FFFFFFF  }
0xcb: {  	_ =	shalt  }
tec
execute0_lowered:
.L_overlay_start_1:
0x0: {  	(tag) =	ssettag $0x1  }
0x1: {  	s1 =	rddreg [dreg:$0x0]  }
0x2: {  	s0 =	rddreg [dreg:$0x5];
	s5 =	simm.s32 $0x0  }
0x3: {  	s2 =	simm.s32 $0x4400;
	[smem:$0x7FF] =	sst s5  }
0x4: {  	s8 =	simm.s32 $0xC400;
	_ =	strace $0x80000047;
	[dreg:$0x7] =	wrdreg s2  }
0x5: {  	s9 =	simm.s32 $0x800;
	[dreg:$0x8] =	wrdreg s8  }
0x6: {  	s10 =	simm.s32 $0x4800;
	[dreg:$0x9] =	wrdreg s9  }
0x7: {  	s11 =	simm.s32 $0x8800;
	[dreg:$0xa] =	wrdreg s10  }
0x8: {  	s12 =	simm.s32 $0xC800;
	[dreg:$0xb] =	wrdreg s11  }
0x9: {  	s13 =	simm.s32 $0x10480;
	[dreg:$0xc] =	wrdreg s12  }
0xa: {  	s14 =	simm.s32 $0x10C80;
	[dreg:$0xd] =	wrdreg s13  }
0xb: {  	s15 =	simm.s32 $0xC00;
	[dreg:$0xe] =	wrdreg s14  }
0xc: {  	s16 =	simm.s32 $0x4C00;
	[dreg:$0xf] =	wrdreg s15  }
0xd: {  	s17 =	simm.s32 $0x8C00;
	[dreg:$0x10] =	wrdreg s16  }
0xe: {  	s18 =	simm.s32 $0xCC00;
	[dreg:$0x11] =	wrdreg s17  }
0xf: {  	s19 =	simm.s32 $0x10500;
	[dreg:$0x12] =	wrdreg s18  }
0x10: {  	s20 =	simm.s32 $0x10D00;
	[dreg:$0x13] =	wrdreg s19  }
0x11: {  	s21 =	simm.s32 $0x1000;
	[dreg:$0x14] =	wrdreg s20  }
0x12: {  	s22 =	simm.s32 $0x5000;
	[dreg:$0x15] =	wrdreg s21  }
0x13: {  	s23 =	simm.s32 $0x9000;
	[dreg:$0x16] =	wrdreg s22  }
0x14: {  	s24 =	simm.s32 $0xD000;
	[dreg:$0x17] =	wrdreg s23  }
0x15: {  	s25 =	simm.s32 $0x10580;
	[dreg:$0x18] =	wrdreg s24  }
0x16: {  	s26 =	simm.s32 $0x10D80;
	[dreg:$0x19] =	wrdreg s25  }
0x17: {  	s28 =	simm.s32 $0x1400;
	[dreg:$0x1a] =	wrdreg s26  }
0x18: {  	s29 =	simm.s32 $0x5400;
	[dreg:$0x1b] =	wrdreg s28  }
0x19: {  	s30 =	simm.s32 $0x9400;
	[dreg:$0x1c] =	wrdreg s29  }
0x1a: {  	s31 =	simm.s32 $0xD400;
	[dreg:$0x1d] =	wrdreg s30  }
0x1b: {  	s3 =	simm.s32 $0x10600;
	[dreg:$0x1e] =	wrdreg s31  }
0x1c: {  	s4 =	simm.s32 $0x10E00;
	[dreg:$0x1f] =	wrdreg s3  }
0x1d: {  	s6 =	simm.s32 $0x1800;
	[smem:$0x7B1] =	sst s4  }
0x1e: {  	s7 =	simm.s32 $0x5800;
	[smem:$0x7B2] =	sst s6  }
0x1f: {  	[smem:$0x7B3] =	sst s7;
	s8 =	simm.s32 $0x9800  }
0x20: {  	s9 =	simm.s32 $0xD800;
	[smem:$0x7B4] =	sst s8  }
0x21: {  	s10 =	simm.s32 $0x10680;
	[smem:$0x7B5] =	sst s9  }
0x22: {  	s11 =	simm.s32 $0x10E80;
	[smem:$0x7B6] =	sst s10  }
0x23: {  	s12 =	simm.s32 $0x1C00;
	[smem:$0x7B7] =	sst s11  }
0x24: {  	s13 =	simm.s32 $0x5C00;
	[smem:$0x7B8] =	sst s12  }
0x25: {  	s14 =	simm.s32 $0x9C00;
	[smem:$0x7B9] =	sst s13  }
0x26: {  	s15 =	simm.s32 $0xDC00;
	[smem:$0x7BA] =	sst s14  }
0x27: {  	s16 =	simm.s32 $0x10700;
	[smem:$0x7BB] =	sst s15  }
0x28: {  	s17 =	simm.s32 $0x10F00;
	[smem:$0x7BC] =	sst s16  }
0x29: {  	s18 =	simm.s32 $0x2000;
	[smem:$0x7BD] =	sst s17  }
0x2a: {  	s19 =	simm.s32 $0x6000;
	[smem:$0x7BE] =	sst s18  }
0x2b: {  	s20 =	simm.s32 $0xA000;
	[smem:$0x7BF] =	sst s19  }
0x2c: {  	s21 =	simm.s32 $0xE000;
	[smem:$0x7C0] =	sst s20  }
0x2d: {  	s22 =	simm.s32 $0x10780;
	[smem:$0x7C1] =	sst s21  }
0x2e: {  	s23 =	simm.s32 $0x10F80;
	[smem:$0x7C2] =	sst s22  }
0x2f: {  	s24 =	simm.s32 $0x2400;
	[smem:$0x7C3] =	sst s23  }
0x30: {  	s25 =	simm.s32 $0x6400;
	[smem:$0x7C4] =	sst s24  }
0x31: {  	s26 =	simm.s32 $0xA400;
	[smem:$0x7C5] =	sst s25  }
0x32: {  	s28 =	simm.s32 $0xE400;
	[smem:$0x7C6] =	sst s26  }
0x33: {  	s29 =	simm.s32 $0x10800;
	[smem:$0x7C7] =	sst s28  }
0x34: {  	s30 =	simm.s32 $0x11000;
	[smem:$0x7C8] =	sst s29  }
0x35: {  	s31 =	simm.s32 $0x2800;
	[smem:$0x7C9] =	sst s30  }
0x36: {  	s3 =	simm.s32 $0x6800;
	[smem:$0x7CA] =	sst s31  }
0x37: {  	s4 =	simm.s32 $0xA800;
	[smem:$0x7CB] =	sst s3  }
0x38: {  	s6 =	simm.s32 $0xE800;
	[smem:$0x7CC] =	sst s4  }
0x39: {  	s7 =	simm.s32 $0x10880;
	[smem:$0x7CD] =	sst s6  }
0x3a: {  	[smem:$0x7CE] =	sst s7;
	s8 =	simm.s32 $0x11080  }
0x3b: {  	s9 =	simm.s32 $0x2C00;
	[smem:$0x7CF] =	sst s8  }
0x3c: {  	s10 =	simm.s32 $0x6C00;
	[smem:$0x7D0] =	sst s9  }
0x3d: {  	s11 =	simm.s32 $0xAC00;
	[smem:$0x7D1] =	sst s10  }
0x3e: {  	s12 =	simm.s32 $0xEC00;
	[smem:$0x7D2] =	sst s11  }
0x3f: {  	s13 =	simm.s32 $0x10900;
	[smem:$0x7D3] =	sst s12  }
0x40: {  	s14 =	simm.s32 $0x11100;
	[smem:$0x7D4] =	sst s13  }
0x41: {  	s15 =	simm.s32 $0x3000;
	[smem:$0x7D5] =	sst s14  }
0x42: {  	s16 =	simm.s32 $0x7000;
	[smem:$0x7D6] =	sst s15  }
0x43: {  	s17 =	simm.s32 $0xB000;
	[smem:$0x7D7] =	sst s16  }
0x44: {  	s18 =	simm.s32 $0xF000;
	[smem:$0x7D8] =	sst s17  }
0x45: {  	s19 =	simm.s32 $0x10980;
	[smem:$0x7D9] =	sst s18  }
0x46: {  	s20 =	simm.s32 $0x11180;
	[smem:$0x7DA] =	sst s19  }
0x47: {  	s21 =	simm.s32 $0x3400;
	[smem:$0x7DB] =	sst s20  }
0x48: {  	s23 =	simm.s32 $0x7400;
	[smem:$0x7DC] =	sst s21  }
0x49: {  	s24 =	simm.s32 $0xB400;
	[smem:$0x7DD] =	sst s23  }
0x4a: {  	s25 =	simm.s32 $0xF400;
	[smem:$0x7DE] =	sst s24  }
0x4b: {  	s26 =	simm.s32 $0x10A00;
	[smem:$0x7E0] =	sst s25  }
0x4c: {  	s29 =	simm.s32 $0x11200;
	[smem:$0x7E2] =	sst s26  }
0x4d: {  	s31 =	simm.s32 $0x3800;
	[smem:$0x7E3] =	sst s29  }
0x4e: {  	[smem:$0x7E5] =	sst s31;
	s10 =	simm.s32 $0x7800  }
0x4f: {  	s11 =	simm.s32 $0xB800;
	[smem:$0x7E7] =	sst s10  }
0x50: {  	s13 =	simm.s32 $0xF800;
	[smem:$0x7E8] =	sst s11  }
0x51: {  	s15 =	simm.s32 $0x10A80;
	[smem:$0x7EA] =	sst s13  }
0x52: {  	s16 =	simm.s32 $0x11280;
	[smem:$0x7EC] =	sst s15  }
0x53: {  	s3 =	sadd.s32 $0xE00, s1;
	s18 =	simm.s32 $0x3C00;
	[smem:$0x7ED] =	sst s16  }
0x54: {  	s1 =	sadd.s32 $0x600, s1;
	s19 =	simm.s32 $0x7C00;
	[smem:$0x7EF] =	sst s18  }
0x55: {  	s4 =	srdreg.scid;
	s20 =	simm.s32 $0xBC00;
	[smem:$0x7F1] =	sst s19  }
0x56: {  	s8 =	stileid.u32;
	s21 =	simm.s32 $0xFC00;
	[smem:$0x7F3] =	sst s20  }
0x57: {  	s4 =	sand.u32 $0x1, s4;
	s23 =	simm.s32 $0x10B00;
	[smem:$0x7F5] =	sst s21  }
0x58: {  	s24 =	simm.s32 $0x11300;
	s25 =	simm.s32 $0x4000;
	[smem:$0x7F6] =	sst s23  }
0x59: {  	s26 =	simm.s32 $0x8000;
	s29 =	simm.s32 $0x10000;
	[smem:$0x7F7] =	sst s24  }
0x5a: {  	s31 =	simm.s32 $0x11380;
	s6 =	ssub.s32 $0x2, s4;
	[smem:$0x7F8] =	sst s25  }
0x5b: {  	s22 =	sshll.u32 s8, $0x7;
	s4 =	sshll.u32 s4, $0x6;
	[smem:$0x7F9] =	sst s26  }
0x5c: {  	[smem:$0x7FB] =	sst s29;
	s7 =	sshrl.u32 s6, $0x1;
	s4 =	sor.u32 s4, s22  }
0x5d: {  	[smem:$0x7FD] =	sst s31;
	s6 =	ssub.s32 s6, s7;
	s7 =	sadd.s32 s3, s4  }
0x5e: {  	s28 =	sadd.s32 s1, s4;
	[smem:$0x7DF] =	sst s7  }
0x5f: {  	s30 =	sor.u32 $0x10, s4;
	s0 =	sadd.s32 s0, s4;
	[smem:$0x7E1] =	sst s28  }
0x60: {  	s9 =	sadd.s32 s3, s30;
	[smem:$0x7F2] =	sst s0  }
0x61: {  	s12 =	sor.u32 $0x20, s4;
	s7 =	sadd.s32 s1, s30;
	[smem:$0x7E4] =	sst s9  }
0x62: {  	v16 =	vlaneseq.u32;
	s17 =	sor.u32 $0x30, s4;
	s14 =	sadd.s32 s3, s12;
	[smem:$0x7E6] =	sst s7  }
0x63: {  	v0 =	vmul.u32 $0x400, v16;
	s3 =	sadd.s32 s3, s17;
	[smem:$0x7E9] =	sst s14  }
0x64: {  	v16 =	vmul.u32 $0x80, v16;
	s22 =	smax.u32 s6, $0x1;
	[smem:$0x7EE] =	sst s3  }
0x65: {  	v1 =	vor.u32 $0x80, v0;
	v2 =	vor.u32 $0x100, v0;
	v3 =	vor.u32 $0x180, v0;
	s28 =	simm.s32 $0xC000;
	[smem:$0x7F4] =	sst s22  }
0x66: {  	v4 =	vor.u32 $0x200, v0;
	v5 =	vor.u32 $0x280, v0;
	v6 =	vor.u32 $0x300, v0;
	s30 =	simm.s32 $0x10B80;
	[smem:$0x7FA] =	sst s28  }
0x67: {  	v7 =	vor.u32 $0x380, v0;
	v8 =	vor.u32 $0x4000, v0;
	v9 =	vor.u32 $0x4080, v0;
	s7 =	sadd.s32 s1, s12;
	[smem:$0x7FC] =	sst s30  }
0x68: {  	v10 =	vor.u32 $0x4100, v0;
	v11 =	vor.u32 $0x4180, v0;
	v12 =	vor.u32 $0x4200, v0;
	s1 =	sadd.s32 s1, s17;
	[smem:$0x7EB] =	sst s7  }
0x69: {  	s2 =	simm.s32 $0x0;
	v13 =	vor.u32 $0x4280, v0;
	v14 =	vor.u32 $0x4300, v0;
	v15 =	vor.u32 $0x4380, v0;
	[smem:$0x7F0] =	sst s1;
	s1 =	simm.s32 $0x2  }
.LBB2_1:
0x6a: {  	s0 =	sld [smem:$0x7DF];
	_ =	sdelay $0x1  }
0x6b: {  	[smem:$0x78D] =	sst s2  }
0x6c: {  	[tilespmem:s5], [sflag:$0x2] =	stream.linear.gather [hbm4b:s0+s5], $0x80, $0x38;
	[tilespmem:$0x11600] =	vst v63  }
0x6d: {  	_ =	swait.ge [sflag:s1], $0x80  }
0x6e: {  	s8 =	sld [smem:$0x7E1]  }
0x6f: {  	[sflag:s1] =	ssyncset.done $0x0  }
0x70: {  	s9 =	simm.s32 $0x200;
	[sflag:s1] =	ssyncadd.s32 $0xFFFFFF80  }
0x71: {  	[tilespmem:s9], [sflag:$0x2] =	stream.linear.gather [hbm4b:s8+s5], $0x80, $0x38;
	[tilespmem:$0x11600] =	vst v63  }
0x72: {  	_ =	swait.ge [sflag:s1], $0x80  }
0x73: {  	s10 =	sld [smem:$0x7E4]  }
0x74: {  	[sflag:s1] =	ssyncset.done $0x0  }
0x75: {  	s11 =	simm.s32 $0x80;
	[sflag:s1] =	ssyncadd.s32 $0xFFFFFF80  }
0x76: {  	[tilespmem:s11], [sflag:$0x2] =	stream.linear.gather [hbm4b:s10+s5], $0x80, $0x38;
	[tilespmem:$0x11600] =	vst v63  }
0x77: {  	_ =	swait.ge [sflag:s1], $0x80  }
0x78: {  	s12 =	sld [smem:$0x7E6]  }
0x79: {  	[sflag:s1] =	ssyncset.done $0x0  }
0x7a: {  	s13 =	simm.s32 $0x280;
	[sflag:s1] =	ssyncadd.s32 $0xFFFFFF80  }
0x7b: {  	[tilespmem:s13], [sflag:$0x2] =	stream.linear.gather [hbm4b:s12+s5], $0x80, $0x38;
	[tilespmem:$0x11600] =	vst v63  }
0x7c: {  	_ =	swait.ge [sflag:s1], $0x80  }
0x7d: {  	s14 =	sld [smem:$0x7E9]  }
0x7e: {  	[sflag:s1] =	ssyncset.done $0x0  }
0x7f: {  	s15 =	simm.s32 $0x100;
	[sflag:s1] =	ssyncadd.s32 $0xFFFFFF80  }
0x80: {  	[tilespmem:s15], [sflag:$0x2] =	stream.linear.gather [hbm4b:s14+s5], $0x80, $0x38;
	[tilespmem:$0x11600] =	vst v63  }
0x81: {  	_ =	swait.ge [sflag:s1], $0x80  }
0x82: {  	s16 =	sld [smem:$0x7EB]  }
0x83: {  	[sflag:s1] =	ssyncset.done $0x0  }
0x84: {  	s17 =	simm.s32 $0x300;
	[sflag:s1] =	ssyncadd.s32 $0xFFFFFF80  }
0x85: {  	[tilespmem:s17], [sflag:$0x2] =	stream.linear.gather [hbm4b:s16+s5], $0x80, $0x38;
	[tilespmem:$0x11600] =	vst v63  }
0x86: {  	_ =	swait.ge [sflag:s1], $0x80  }
0x87: {  	s18 =	sld [smem:$0x7EE]  }
0x88: {  	[sflag:s1] =	ssyncset.done $0x0  }
0x89: {  	s19 =	simm.s32 $0x180;
	[sflag:s1] =	ssyncadd.s32 $0xFFFFFF80  }
0x8a: {  	[tilespmem:s19], [sflag:$0x2] =	stream.linear.gather [hbm4b:s18+s5], $0x80, $0x38;
	[tilespmem:$0x11600] =	vst v63  }
0x8b: {  	_ =	swait.ge [sflag:s1], $0x80  }
0x8c: {  	s20 =	sld [smem:$0x7F0]  }
0x8d: {  	[sflag:s1] =	ssyncset.done $0x0  }
0x8e: {  	s21 =	simm.s32 $0x380;
	[sflag:s1] =	ssyncadd.s32 $0xFFFFFF80  }
0x8f: {  	[tilespmem:s21], [sflag:$0x2] =	stream.linear.gather [hbm4b:s20+s5], $0x80, $0x38;
	[tilespmem:$0x11600] =	vst v63  }
0x90: {  	_ =	swait.ge [sflag:s1], $0x80  }
0x91: {  	s23 =	simm.s32 $0x0;
	[sflag:s1] =	ssyncset.done $0x0  }
0x92: {  	s22 =	simm.s32 $0x0;
	[smem:$0x78E] =	sst s23;
	[sflag:s1] =	ssyncadd.s32 $0xFFFFFF80  }
0x93: {  	s0 =	sld [smem:$0x7D1];
	v18 =	vld [tilespmem:s22+$0x0]  }
0x94: {  	s2 =	sld [smem:$0x7CF]  }
0x95: {  	s3 =	sld [smem:$0x7CE];
	v17 =	vld [tilespmem:s22+$0x200]  }
0x96: {  	s4 =	sld [smem:$0x7CD]  }
0x97: {  	s6 =	sld [smem:$0x7CC]  }
0x98: {  	s7 =	sld [smem:$0x7CB];
	(v2sf) =	vpush v18, $0x0  }
0x99: {  	s8 =	sld [smem:$0x7CA];
	(v2sf) =	vpush v18, $0x1  }
0x9a: {  	s9 =	sld [smem:$0x7C9];
	(v2sf) =	vpush v17, $0x0  }
0x9b: {  	s10 =	sld [smem:$0x7C8]  }
0x9c: {  	s11 =	sld [smem:$0x7C7]  }
0x9d: {  	s12 =	sld [smem:$0x7C6]  }
0x9e: {  	s13 =	sld [smem:$0x7C5]  }
0x9f: {  	s14 =	sld [smem:$0x7C4]  }
0xa0: {  	s15 =	sld [smem:$0x7C3]  }
0xa1: {  	s16 =	sld [smem:$0x7C2]  }
0xa2: {  	s18 =	rddreg [dreg:$0x7]  }
0xa3: {  	s23 =	rddreg [dreg:$0x8]  }
0xa4: {  	s1 =	sld [smem:$0x7D0]  }
0xa5: {  	s26 =	rddreg [dreg:$0x1]  }
0xa6: {  	s24 =	simm.s32 $0x400;
	s28 =	rddreg [dreg:$0x2];
	(v2sf) =	vpush v17, $0x1  }
0xa7: {  	s31 =	simm.s32 $0x8400;
	s29 =	rddreg [dreg:$0x3];
	s19 =	spop (v2sf)  }
0xa8: {  	s30 =	rddreg [dreg:$0x4];
	s17 =	sand.u32 $0x1FFFFF80, s19;
	s20 =	spop (v2sf)  }
0xa9: {  	s19 =	sshrl.u32 s19, $0x3;
	s21 =	sadd.s32 s26, s17;
	s22 =	spop (v2sf)  }
0xaa: {  	[tilespmem:s24], [sflag:$0x1] =	stream.linear.gather [hbm4b:s21+s5], $0x400, $0x38;
	[tilespmem:$0x11600] =	vst v63  }
0xab: {  	s17 =	sld [smem:$0x7C0];
	s21 =	sadd.s32 $0xF4280, s21;
	s25 =	sand.u32 $0x1FFFFF80, s22  }
0xac: {  	[tilespmem:s18], [sflag:$0x1] =	stream.linear.gather [hbm4b:s21+s5], $0x400, $0x38;
	[tilespmem:$0x11600] =	vst v63  }
0xad: {  	s24 =	sand.u32 $0x1FFFFFF0, s19;
	s19 =	sld [smem:$0x7BC];
	s21 =	sadd.s32 s28, s25  }
0xae: {  	[tilespmem:s31], [sflag:$0x1] =	stream.linear.gather [hbm4b:s21+s5], $0x400, $0x38;
	[tilespmem:$0x11600] =	vst v63  }
0xaf: {  	(v2sf) =	vpush v18, $0x2;
	s22 =	sshrl.u32 s22, $0x3;
	s18 =	sld [smem:$0x7BD];
	s21 =	sadd.s32 $0xF4280, s21  }
0xb0: {  	[tilespmem:s23], [sflag:$0x1] =	stream.linear.gather [hbm4b:s21+s5], $0x400, $0x38;
	[tilespmem:$0x11600] =	vst v63  }
0xb1: {  	s25 =	sand.u32 $0x1FFFFFF0, s22;
	s23 =	sadd.s32 s29, s24;
	s24 =	simm.s32 $0x10400  }
0xb2: {  	[tilespmem:s24], [sflag:$0x1] =	stream.linear.gather [hbm4b:s23+s5], $0x80, $0x38;
	[tilespmem:$0x11600] =	vst v63  }
0xb3: {  	s21 =	sadd.s32 s30, s25;
	s25 =	simm.s32 $0x10C00;
	s23 =	sand.u32 $0x1FFFFF80, s20  }
0xb4: {  	[tilespmem:s25], [sflag:$0x1] =	stream.linear.gather [hbm4b:s21+s5], $0x80, $0x38;
	[tilespmem:$0x11600] =	vst v63  }
0xb5: {  	(v2sf) =	vpush v17, $0x2;
	s22 =	rddreg [dreg:$0x9];
	s24 =	spop (v2sf);
	s23 =	sadd.s32 s26, s23  }
0xb6: {  	[tilespmem:s22], [sflag:$0x1] =	stream.linear.gather [hbm4b:s23+s5], $0x400, $0x38;
	[tilespmem:$0x11600] =	vst v63  }
0xb7: {  	s20 =	sshrl.u32 s20, $0x3;
	s25 =	rddreg [dreg:$0xa];
	s23 =	sadd.s32 $0xF4280, s23  }
0xb8: {  	[tilespmem:s25], [sflag:$0x1] =	stream.linear.gather [hbm4b:s23+s5], $0x400, $0x38;
	[tilespmem:$0x11600] =	vst v63  }
0xb9: {  	s20 =	sand.u32 $0x1FFFFFF0, s20;
	s25 =	sand.u32 $0x1FFFFF80, s24  }
0xba: {  	s20 =	sadd.s32 s29, s20;
	s22 =	rddreg [dreg:$0xb];
	s23 =	sadd.s32 s28, s25  }
0xbb: {  	[tilespmem:s22], [sflag:$0x1] =	stream.linear.gather [hbm4b:s23+s5], $0x400, $0x38;
	[tilespmem:$0x11600] =	vst v63  }
0xbc: {  	(v2sf) =	vpush v18, $0x3;
	s24 =	sshrl.u32 s24, $0x3;
	s25 =	rddreg [dreg:$0xc];
	s23 =	sadd.s32 $0xF4280, s23  }
0xbd: {  	[tilespmem:s25], [sflag:$0x1] =	stream.linear.gather [hbm4b:s23+s5], $0x400, $0x38;
	[tilespmem:$0x11600] =	vst v63  }
0xbe: {  	s24 =	sand.u32 $0x1FFFFFF0, s24;
	s22 =	rddreg [dreg:$0xd];
	s25 =	spop (v2sf)  }
0xbf: {  	[tilespmem:s22], [sflag:$0x1] =	stream.linear.gather [hbm4b:s20+s5], $0x80, $0x38;
	[tilespmem:$0x11600] =	vst v63  }
0xc0: {  	s24 =	sadd.s32 s30, s24;
	s23 =	rddreg [dreg:$0xe];
	s22 =	sand.u32 $0x1FFFFF80, s25  }
0xc1: {  	[tilespmem:s23], [sflag:$0x1] =	stream.linear.gather [hbm4b:s24+s5], $0x80, $0x38;
	[tilespmem:$0x11600] =	vst v63  }
0xc2: {  	(v2sf) =	vpush v17, $0x3;
	s20 =	rddreg [dreg:$0xf];
	s22 =	sadd.s32 s26, s22  }
0xc3: {  	[tilespmem:s20], [sflag:$0x1] =	stream.linear.gather [hbm4b:s22+s5], $0x400, $0x38;
	[tilespmem:$0x11600] =	vst v63  }
0xc4: {  	s23 =	rddreg [dreg:$0x10];
	s24 =	spop (v2sf);
	s22 =	sadd.s32 $0xF4280, s22  }
0xc5: {  	[tilespmem:s23], [sflag:$0x1] =	stream.linear.gather [hbm4b:s22+s5], $0x400, $0x38;
	[tilespmem:$0x11600] =	vst v63  }
0xc6: {  	s21 =	rddreg [dreg:$0x13];
	s25 =	sshrl.u32 s25, $0x3;
	s23 =	sand.u32 $0x1FFFFF80, s24  }
0xc7: {  	s25 =	sand.u32 $0x1FFFFFF0, s25;
	s20 =	rddreg [dreg:$0x11];
	s23 =	sadd.s32 s28, s23  }
0xc8: {  	[tilespmem:s20], [sflag:$0x1] =	stream.linear.gather [hbm4b:s23+s5], $0x400, $0x38;
	[tilespmem:$0x11600] =	vst v63  }
0xc9: {  	(v2sf) =	vpush v18, $0x4;
	s22 =	rddreg [dreg:$0x12];
	s24 =	sshrl.u32 s24, $0x3;
	s23 =	sadd.s32 $0xF4280, s23  }
0xca: {  	[tilespmem:s22], [sflag:$0x1] =	stream.linear.gather [hbm4b:s23+s5], $0x400, $0x38;
	[tilespmem:$0x11600] =	vst v63  }
0xcb: {  	s20 =	sand.u32 $0x1FFFFFF0, s24;
	s24 =	sadd.s32 s29, s25;
	s22 =	spop (v2sf)  }
0xcc: {  	[tilespmem:s21], [sflag:$0x1] =	stream.linear.gather [hbm4b:s24+s5], $0x80, $0x38;
	[tilespmem:$0x11600] =	vst v63  }
0xcd: {  	s25 =	rddreg [dreg:$0x14];
	s20 =	sadd.s32 s30, s20;
	s23 =	sand.u32 $0x1FFFFF80, s22  }
0xce: {  	[tilespmem:s25], [sflag:$0x1] =	stream.linear.gather [hbm4b:s20+s5], $0x80, $0x38;
	[tilespmem:$0x11600] =	vst v63  }
0xcf: {  	(v2sf) =	vpush v17, $0x4;
	s22 =	sshrl.u32 s22, $0x3;
	s21 =	rddreg [dreg:$0x15];
	s23 =	sadd.s32 s26, s23  }
0xd0: {  	[tilespmem:s21], [sflag:$0x1] =	stream.linear.gather [hbm4b:s23+s5], $0x400, $0x38;
	[tilespmem:$0x11600] =	vst v63  }
0xd1: {  	s24 =	spop (v2sf);
	s25 =	rddreg [dreg:$0x16];
	s23 =	sadd.s32 $0xF4280, s23  }
0xd2: {  	[tilespmem:s25], [sflag:$0x1] =	stream.linear.gather [hbm4b:s23+s5], $0x400, $0x38;
	[tilespmem:$0x11600] =	vst v63  }
0xd3: {  	s22 =	sand.u32 $0x1FFFFFF0, s22;
	s20 =	rddreg [dreg:$0x1a];
	s23 =	sand.u32 $0x1FFFFF80, s24  }
0xd4: {  	s22 =	sadd.s32 s29, s22;
	s21 =	rddreg [dreg:$0x17];
	s23 =	sadd.s32 s28, s23  }
0xd5: {  	[tilespmem:s21], [sflag:$0x1] =	stream.linear.gather [hbm4b:s23+s5], $0x400, $0x38;
	[tilespmem:$0x11600] =	vst v63  }
0xd6: {  	(v2sf) =	vpush v18, $0x5;
	s25 =	rddreg [dreg:$0x18];
	s21 =	sshrl.u32 s24, $0x3;
	s23 =	sadd.s32 $0xF4280, s23  }
0xd7: {  	[tilespmem:s25], [sflag:$0x1] =	stream.linear.gather [hbm4b:s23+s5], $0x400, $0x38;
	[tilespmem:$0x11600] =	vst v63  }
0xd8: {  	s24 =	rddreg [dreg:$0x19];
	s21 =	sand.u32 $0x1FFFFFF0, s21;
	s23 =	spop (v2sf)  }
0xd9: {  	[tilespmem:s24], [sflag:$0x1] =	stream.linear.gather [hbm4b:s22+s5], $0x80, $0x38;
	[tilespmem:$0x11600] =	vst v63  }
0xda: {  	s21 =	sadd.s32 s30, s21;
	s25 =	sand.u32 $0x1FFFFF80, s23;
	s22 =	rddreg [dreg:$0x1b]  }
0xdb: {  	[tilespmem:s20], [sflag:$0x1] =	stream.linear.gather [hbm4b:s21+s5], $0x80, $0x38;
	[tilespmem:$0x11600] =	vst v63  }
0xdc: {  	(v2sf) =	vpush v17, $0x5;
	s23 =	sshrl.u32 s23, $0x3;
	s25 =	sadd.s32 s26, s25;
	s20 =	rddreg [dreg:$0x1c]  }
0xdd: {  	[tilespmem:s22], [sflag:$0x1] =	stream.linear.gather [hbm4b:s25+s5], $0x400, $0x38;
	[tilespmem:$0x11600] =	vst v63  }
0xde: {  	s24 =	spop (v2sf);
	s21 =	sadd.s32 $0xF4280, s25;
	s22 =	rddreg [dreg:$0x1d]  }
0xdf: {  	[tilespmem:s20], [sflag:$0x1] =	stream.linear.gather [hbm4b:s21+s5], $0x400, $0x38;
	[tilespmem:$0x11600] =	vst v63  }
0xe0: {  	s23 =	sand.u32 $0x1FFFFFF0, s23;
	s25 =	rddreg [dreg:$0x1e];
	s21 =	sand.u32 $0x1FFFFF80, s24  }
0xe1: {  	s23 =	sadd.s32 s29, s23;
	s20 =	sld [smem:$0x7B6];
	s21 =	sadd.s32 s28, s21  }
0xe2: {  	[tilespmem:s22], [sflag:$0x1] =	stream.linear.gather [hbm4b:s21+s5], $0x400, $0x38;
	[tilespmem:$0x11600] =	vst v63  }
0xe3: {  	(v2sf) =	vpush v18, $0x6;
	s24 =	sshrl.u32 s24, $0x3;
	s22 =	rddreg [dreg:$0x1f];
	s21 =	sadd.s32 $0xF4280, s21  }
0xe4: {  	[tilespmem:s25], [sflag:$0x1] =	stream.linear.gather [hbm4b:s21+s5], $0x400, $0x38;
	[tilespmem:$0x11600] =	vst v63  }
0xe5: {  	s24 =	sand.u32 $0x1FFFFFF0, s24;
	s21 =	sld [smem:$0x7B1];
	s25 =	spop (v2sf)  }
0xe6: {  	[tilespmem:s22], [sflag:$0x1] =	stream.linear.gather [hbm4b:s23+s5], $0x80, $0x38;
	[tilespmem:$0x11600] =	vst v63  }
0xe7: {  	s24 =	sadd.s32 s30, s24;
	(v2sf) =	vpush v17, $0x6;
	s22 =	sld [smem:$0x7B2];
	s23 =	sand.u32 $0x1FFFFF80, s25  }
0xe8: {  	[tilespmem:s21], [sflag:$0x1] =	stream.linear.gather [hbm4b:s24+s5], $0x80, $0x38;
	[tilespmem:$0x11600] =	vst v63  }
0xe9: {  	s25 =	sshrl.u32 s25, $0x3;
	s23 =	sadd.s32 s26, s23;
	s21 =	sld [smem:$0x7B3]  }
0xea: {  	[tilespmem:s22], [sflag:$0x1] =	stream.linear.gather [hbm4b:s23+s5], $0x400, $0x38;
	[tilespmem:$0x11600] =	vst v63  }
0xeb: {  	s24 =	spop (v2sf);
	s22 =	sld [smem:$0x7B4];
	s23 =	sadd.s32 $0xF4280, s23  }
0xec: {  	[tilespmem:s21], [sflag:$0x1] =	stream.linear.gather [hbm4b:s23+s5], $0x400, $0x38;
	[tilespmem:$0x11600] =	vst v63  }
0xed: {  	s25 =	sand.u32 $0x1FFFFFF0, s25;
	s23 =	sand.u32 $0x1FFFFF80, s24  }
0xee: {  	s21 =	sld [smem:$0x7B5];
	s24 =	sshrl.u32 s24, $0x3;
	s23 =	sadd.s32 s28, s23  }
0xef: {  	(v2sf) =	vpush v18, $0x7;
	[tilespmem:s22], [sflag:$0x1] =	stream.linear.gather [hbm4b:s23+s5], $0x400, $0x38;
	[tilespmem:$0x11600] =	vst v63  }
0xf0: {  	s24 =	sand.u32 $0x1FFFFFF0, s24;
	s23 =	sadd.s32 $0xF4280, s23;
	s22 =	sadd.s32 s29, s25  }
0xf1: {  	(v2sf) =	vpush v17, $0x7;
	[tilespmem:s21], [sflag:$0x1] =	stream.linear.gather [hbm4b:s23+s5], $0x400, $0x38;
	[tilespmem:$0x11600] =	vst v63  }
0xf2: {  	s24 =	sadd.s32 s30, s24;
	s21 =	spop (v2sf);
	s23 =	sld [smem:$0x7B7]  }
0xf3: {  	[tilespmem:s20], [sflag:$0x1] =	stream.linear.gather [hbm4b:s22+s5], $0x80, $0x38;
	[tilespmem:$0x11600] =	vst v63  }
0xf4: {  	s25 =	sand.u32 $0x1FFFFF80, s21;
	s21 =	sshrl.u32 s21, $0x3;
	s20 =	sld [smem:$0x7B8]  }
0xf5: {  	[tilespmem:s23], [sflag:$0x1] =	stream.linear.gather [hbm4b:s24+s5], $0x80, $0x38;
	[tilespmem:$0x11600] =	vst v63  }
0xf6: {  	s22 =	sadd.s32 s26, s25;
	s23 =	sld [smem:$0x7B9];
	s24 =	spop (v2sf)  }
0xf7: {  	(v2sf) =	vpush v18, $0x8;
	[tilespmem:s20], [sflag:$0x1] =	stream.linear.gather [hbm4b:s22+s5], $0x400, $0x38;
	[tilespmem:$0x11600] =	vst v63  }
0xf8: {  	s25 =	sand.u32 $0x1FFFFF80, s24;
	s20 =	sld [smem:$0x7BA];
	s22 =	sadd.s32 $0xF4280, s22  }
0xf9: {  	(v2sf) =	vpush v17, $0x8;
	[tilespmem:s23], [sflag:$0x1] =	stream.linear.gather [hbm4b:s22+s5], $0x400, $0x38;
	[tilespmem:$0x11600] =	vst v63  }
0xfa: {  	s24 =	sshrl.u32 s24, $0x3;
	s22 =	sld [smem:$0x7BB];
	s23 =	sadd.s32 s28, s25  }
0xfb: {  	[tilespmem:s20], [sflag:$0x1] =	stream.linear.gather [hbm4b:s23+s5], $0x400, $0x38;
	[tilespmem:$0x11600] =	vst v63  }
0xfc: {  	s25 =	sand.u32 $0x1FFFFFF0, s21;
	s21 =	sand.u32 $0x1FFFFFF0, s24;
	s23 =	sadd.s32 $0xF4280, s23  }
0xfd: {  	[tilespmem:s22], [sflag:$0x1] =	stream.linear.gather [hbm4b:s23+s5], $0x400, $0x38;
	[tilespmem:$0x11600] =	vst v63  }
0xfe: {  	s21 =	sadd.s32 s30, s21;
	s20 =	sadd.s32 s29, s25;
	s22 =	spop (v2sf)  }
0xff: {  	[tilespmem:s19], [sflag:$0x1] =	stream.linear.gather [hbm4b:s20+s5], $0x80, $0x38;
	[tilespmem:$0x11600] =	vst v63  }
0x100: {  	s25 =	sand.u32 $0x1FFFFF80, s22;
	s24 =	spop (v2sf);
	s19 =	sld [smem:$0x7BE]  }
0x101: {  	(v2sf) =	vpush v18, $0x9;
	[tilespmem:s18], [sflag:$0x1] =	stream.linear.gather [hbm4b:s21+s5], $0x80, $0x38;
	[tilespmem:$0x11600] =	vst v63  }
0x102: {  	s23 =	sld [smem:$0x7BF];
	s20 =	sadd.s32 s26, s25;
	s25 =	sand.u32 $0x1FFFFF80, s24  }
0x103: {  	(v2sf) =	vpush v17, $0x9;
	[tilespmem:s19], [sflag:$0x1] =	stream.linear.gather [hbm4b:s20+s5], $0x400, $0x38;
	[tilespmem:$0x11600] =	vst v63  }
0x104: {  	s22 =	sshrl.u32 s22, $0x3;
	s20 =	sadd.s32 $0xF4280, s20;
	s19 =	sadd.s32 s28, s25  }
0x105: {  	[tilespmem:s23], [sflag:$0x1] =	stream.linear.gather [hbm4b:s20+s5], $0x400, $0x38;
	[tilespmem:$0x11600] =	vst v63  }
0x106: {  	s20 =	sld [smem:$0x7C1];
	s23 =	sshrl.u32 s24, $0x3;
	s24 =	spop (v2sf)  }
0x107: {  	(v2sf) =	vpush v18, $0xA;
	[tilespmem:s17], [sflag:$0x1] =	stream.linear.gather [hbm4b:s19+s5], $0x400, $0x38;
	[tilespmem:$0x11600] =	vst v63  }
0x108: {  	s22 =	sand.u32 $0x1FFFFFF0, s22;
	s25 =	spop (v2sf);
	s19 =	sadd.s32 $0xF4280, s19  }
0x109: {  	[tilespmem:s20], [sflag:$0x1] =	stream.linear.gather [hbm4b:s19+s5], $0x400, $0x38;
	[tilespmem:$0x11600] =	vst v63  }
0x10a: {  	s17 =	sand.u32 $0x1FFFFFF0, s23;
	s23 =	sand.u32 $0x1FFFFF80, s25;
	s20 =	sadd.s32 s29, s22  }
0x10b: {  	(v2sf) =	vpush v17, $0xA;
	[tilespmem:s16], [sflag:$0x1] =	stream.linear.gather [hbm4b:s20+s5], $0x80, $0x38;
	[tilespmem:$0x11600] =	vst v63  }
0x10c: {  	s25 =	sshrl.u32 s25, $0x3;
	s17 =	sadd.s32 s30, s17;
	s22 =	sand.u32 $0x1FFFFF80, s24  }
0x10d: {  	[tilespmem:s15], [sflag:$0x1] =	stream.linear.gather [hbm4b:s17+s5], $0x80, $0x38;
	[tilespmem:$0x11600] =	vst v63  }
0x10e: {  	s21 =	sand.u32 $0x1FFFFFF0, s25;
	s23 =	sadd.s32 s28, s23;
	s16 =	sadd.s32 s26, s22  }
0x10f: {  	[tilespmem:s14], [sflag:$0x1] =	stream.linear.gather [hbm4b:s16+s5], $0x400, $0x38;
	[tilespmem:$0x11600] =	vst v63  }
0x110: {  	s24 =	sshrl.u32 s24, $0x3;
	s20 =	spop (v2sf);
	s16 =	sadd.s32 $0xF4280, s16  }
0x111: {  	[tilespmem:s13], [sflag:$0x1] =	stream.linear.gather [hbm4b:s16+s5], $0x400, $0x38;
	[tilespmem:$0x11600] =	vst v63  }
0x112: {  	s18 =	sand.u32 $0x1FFFFFF0, s24;
	s22 =	sand.u32 $0x1FFFFF80, s20;
	s24 =	spop (v2sf)  }
0x113: {  	[tilespmem:s12], [sflag:$0x1] =	stream.linear.gather [hbm4b:s23+s5], $0x400, $0x38;
	[tilespmem:$0x11600] =	vst v63  }
0x114: {  	s15 =	sshrl.u32 s20, $0x3;
	s17 =	sadd.s32 $0xF4280, s23;
	s25 =	sand.u32 $0x1FFFFF80, s24  }
0x115: {  	(v2sf) =	vpush v18, $0xB;
	[tilespmem:s11], [sflag:$0x1] =	stream.linear.gather [hbm4b:s17+s5], $0x400, $0x38;
	[tilespmem:$0x11600] =	vst v63  }
0x116: {  	s15 =	sand.u32 $0x1FFFFFF0, s15;
	s14 =	sadd.s32 s29, s18;
	s18 =	spop (v2sf)  }
0x117: {  	(v2sf) =	vpush v17, $0xB;
	[tilespmem:s10], [sflag:$0x1] =	stream.linear.gather [hbm4b:s14+s5], $0x80, $0x38;
	[tilespmem:$0x11600] =	vst v63  }
0x118: {  	s20 =	sand.u32 $0x1FFFFF80, s18;
	s13 =	sadd.s32 s30, s21;
	s21 =	sadd.s32 s26, s22  }
0x119: {  	[tilespmem:s9], [sflag:$0x1] =	stream.linear.gather [hbm4b:s13+s5], $0x80, $0x38;
	[tilespmem:$0x11600] =	vst v63  }
0x11a: {  	s12 =	sshrl.u32 s18, $0x3;
	s18 =	sld [smem:$0x7D2];
	s22 =	spop (v2sf)  }
0x11b: {  	[tilespmem:s8], [sflag:$0x1] =	stream.linear.gather [hbm4b:s21+s5], $0x400, $0x38;
	[tilespmem:$0x11600] =	vst v63  }
0x11c: {  	s12 =	sand.u32 $0x1FFFFFF0, s12;
	s17 =	sshrl.u32 s24, $0x3;
	s13 =	sadd.s32 $0xF4280, s21  }
0x11d: {  	[tilespmem:s7], [sflag:$0x1] =	stream.linear.gather [hbm4b:s13+s5], $0x400, $0x38;
	[tilespmem:$0x11600] =	vst v63  }
0x11e: {  	s23 =	sand.u32 $0x1FFFFF80, s22;
	s11 =	sadd.s32 s28, s25;
	s24 =	sshrl.u32 s22, $0x3  }
0x11f: {  	(v2sf) =	vpush v18, $0xC;
	[tilespmem:s6], [sflag:$0x1] =	stream.linear.gather [hbm4b:s11+s5], $0x400, $0x38;
	[tilespmem:$0x11600] =	vst v63  }
0x120: {  	s22 =	sld [smem:$0x7D4];
	s19 =	sand.u32 $0x1FFFFFF0, s17;
	s11 =	sadd.s32 $0xF4280, s11  }
0x121: {  	(v2sf) =	vpush v17, $0xC;
	[tilespmem:s4], [sflag:$0x1] =	stream.linear.gather [hbm4b:s11+s5], $0x400, $0x38;
	[tilespmem:$0x11600] =	vst v63  }
0x122: {  	s10 =	sld [smem:$0x7DE];
	s9 =	sadd.s32 s30, s19;
	s13 =	sadd.s32 s29, s15  }
0x123: {  	[tilespmem:s3], [sflag:$0x1] =	stream.linear.gather [hbm4b:s13+s5], $0x80, $0x38;
	[tilespmem:$0x11600] =	vst v63  }
0x124: {  	s19 =	sadd.s32 s28, s23;
	s23 =	sadd.s32 s29, s12;
	s25 =	spop (v2sf)  }
0x125: {  	[tilespmem:s2], [sflag:$0x1] =	stream.linear.gather [hbm4b:s9+s5], $0x80, $0x38;
	[tilespmem:$0x11600] =	vst v63  }
0x126: {  	s14 =	spop (v2sf);
	s8 =	sshrl.u32 s25, $0x3;
	s15 =	sadd.s32 s26, s20  }
0x127: {  	[tilespmem:s1], [sflag:$0x1] =	stream.linear.gather [hbm4b:s15+s5], $0x400, $0x38;
	[tilespmem:$0x11600] =	vst v63  }
0x128: {  	s8 =	sand.u32 $0x1FFFFFF0, s8;
	s20 =	sld [smem:$0x7D3];
	s17 =	sadd.s32 $0xF4280, s15  }
0x129: {  	[tilespmem:s0], [sflag:$0x1] =	stream.linear.gather [hbm4b:s17+s5], $0x400, $0x38;
	[tilespmem:$0x11600] =	vst v63  }
0x12a: {  	s16 =	sshrl.u32 s14, $0x3;
	s7 =	sld [smem:$0x7FA];
	s6 =	sand.u32 $0x1FFFFF80, s25  }
0x12b: {  	[tilespmem:s18], [sflag:$0x1] =	stream.linear.gather [hbm4b:s19+s5], $0x400, $0x38;
	[tilespmem:$0x11600] =	vst v63  }
0x12c: {  	s4 =	sand.u32 $0x1FFFFFF0, s24;
	s24 =	sld [smem:$0x7D5];
	s1 =	sadd.s32 $0xF4280, s19  }
0x12d: {  	[tilespmem:s20], [sflag:$0x1] =	stream.linear.gather [hbm4b:s1+s5], $0x400, $0x38;
	[tilespmem:$0x11600] =	vst v63  }
0x12e: {  	s6 =	sadd.s32 s26, s6;
	s11 =	sld [smem:$0x7D6];
	s21 =	spop (v2sf)  }
0x12f: {  	[tilespmem:s22], [sflag:$0x1] =	stream.linear.gather [hbm4b:s23+s5], $0x80, $0x38;
	[tilespmem:$0x11600] =	vst v63  }
0x130: {  	s4 =	sadd.s32 s30, s4;
	s13 =	sld [smem:$0x7D7];
	s25 =	spop (v2sf)  }
0x131: {  	(v2sf) =	vpush v18, $0xD;
	[tilespmem:s24], [sflag:$0x1] =	stream.linear.gather [hbm4b:s4+s5], $0x80, $0x38;
	[tilespmem:$0x11600] =	vst v63  }
0x132: {  	s2 =	sand.u32 $0x1FFFFF80, s14;
	s12 =	sand.u32 $0x1FFFFF80, s25;
	s3 =	sshrl.u32 s25, $0x3  }
0x133: {  	[tilespmem:s11], [sflag:$0x1] =	stream.linear.gather [hbm4b:s6+s5], $0x400, $0x38;
	[tilespmem:$0x11600] =	vst v63  }
0x134: {  	s14 =	sld [smem:$0x7D8];
	s2 =	sadd.s32 s28, s2;
	s6 =	sadd.s32 $0xF4280, s6  }
0x135: {  	[tilespmem:s13], [sflag:$0x1] =	stream.linear.gather [hbm4b:s6+s5], $0x400, $0x38;
	[tilespmem:$0x11600] =	vst v63  }
0x136: {  	s3 =	sand.u32 $0x1FFFFFF0, s3;
	s0 =	sand.u32 $0x1FFFFFF0, s16;
	s16 =	sld [smem:$0x7D9]  }
0x137: {  	[tilespmem:s14], [sflag:$0x1] =	stream.linear.gather [hbm4b:s2+s5], $0x400, $0x38;
	[tilespmem:$0x11600] =	vst v63  }
0x138: {  	s15 =	sshrl.u32 s21, $0x3;
	s17 =	sld [smem:$0x7DA];
	s2 =	sadd.s32 $0xF4280, s2  }
0x139: {  	(v2sf) =	vpush v17, $0xD;
	[tilespmem:s16], [sflag:$0x1] =	stream.linear.gather [hbm4b:s2+s5], $0x400, $0x38;
	[tilespmem:$0x11600] =	vst v63  }
0x13a: {  	s3 =	sadd.s32 s30, s3;
	s19 =	sadd.s32 s29, s8;
	s20 =	sld [smem:$0x7DB]  }
0x13b: {  	[tilespmem:s17], [sflag:$0x1] =	stream.linear.gather [hbm4b:s19+s5], $0x80, $0x38;
	[tilespmem:$0x11600] =	vst v63  }
0x13c: {  	s0 =	sadd.s32 s30, s0;
	s1 =	sand.u32 $0x1FFFFF80, s21;
	s22 =	sld [smem:$0x7DC]  }
0x13d: {  	[tilespmem:s20], [sflag:$0x1] =	stream.linear.gather [hbm4b:s0+s5], $0x80, $0x38;
	[tilespmem:$0x11600] =	vst v63  }
0x13e: {  	s18 =	sand.u32 $0x1FFFFFF0, s15;
	s1 =	sadd.s32 s26, s1;
	s24 =	sld [smem:$0x7DD]  }
0x13f: {  	(v2sf) =	vpush v18, $0xE;
	[tilespmem:s22], [sflag:$0x1] =	stream.linear.gather [hbm4b:s1+s5], $0x400, $0x38;
	[tilespmem:$0x11600] =	vst v63  }
0x140: {  	s15 =	sld [smem:$0x7E3];
	s21 =	spop (v2sf);
	s1 =	sadd.s32 $0xF4280, s1  }
0x141: {  	[tilespmem:s24], [sflag:$0x1] =	stream.linear.gather [hbm4b:s1+s5], $0x400, $0x38;
	[tilespmem:$0x11600] =	vst v63  }
0x142: {  	s4 =	sadd.s32 s28, s12;
	s12 =	sld [smem:$0x7E0];
	s6 =	sshrl.u32 s21, $0x3  }
0x143: {  	[tilespmem:s10], [sflag:$0x1] =	stream.linear.gather [hbm4b:s4+s5], $0x400, $0x38;
	[tilespmem:$0x11600] =	vst v63  }
0x144: {  	s13 =	sld [smem:$0x7E2];
	s14 =	sand.u32 $0x1FFFFFF0, s6;
	s4 =	sadd.s32 $0xF4280, s4  }
0x145: {  	(v2sf) =	vpush v17, $0xE;
	[tilespmem:s12], [sflag:$0x1] =	stream.linear.gather [hbm4b:s4+s5], $0x400, $0x38;
	[tilespmem:$0x11600] =	vst v63  }
0x146: {  	s9 =	sadd.s32 s29, s14;
	s14 =	sld [smem:$0x7F1];
	s2 =	sadd.s32 s29, s18  }
0x147: {  	[tilespmem:s13], [sflag:$0x1] =	stream.linear.gather [hbm4b:s2+s5], $0x80, $0x38;
	[tilespmem:$0x11600] =	vst v63  }
0x148: {  	s23 =	sand.u32 $0x1FFFFF80, s21;
	s25 =	spop (v2sf);
	s17 =	sld [smem:$0x7E5]  }
0x149: {  	(v2sf) =	vpush v18, $0xF;
	[tilespmem:s15], [sflag:$0x1] =	stream.linear.gather [hbm4b:s3+s5], $0x80, $0x38;
	[tilespmem:$0x11600] =	vst v63  }
0x14a: {  	s11 =	sand.u32 $0x1FFFFF80, s25;
	s18 =	sld [smem:$0x7E7];
	s0 =	sadd.s32 s26, s23  }
0x14b: {  	[tilespmem:s17], [sflag:$0x1] =	stream.linear.gather [hbm4b:s0+s5], $0x400, $0x38;
	[tilespmem:$0x11600] =	vst v63  }
0x14c: {  	s16 =	sshrl.u32 s25, $0x3;
	s20 =	sld [smem:$0x7E8];
	s0 =	sadd.s32 $0xF4280, s0  }
0x14d: {  	[tilespmem:s18], [sflag:$0x1] =	stream.linear.gather [hbm4b:s0+s5], $0x400, $0x38;
	[tilespmem:$0x11600] =	vst v63  }
0x14e: {  	s19 =	spop (v2sf);
	s22 =	sld [smem:$0x7EA];
	s1 =	sadd.s32 s28, s11  }
0x14f: {  	[tilespmem:s20], [sflag:$0x1] =	stream.linear.gather [hbm4b:s1+s5], $0x400, $0x38;
	[tilespmem:$0x11600] =	vst v63  }
0x150: {  	s21 =	sand.u32 $0x1FFFFF80, s19;
	s24 =	sld [smem:$0x7EC];
	s1 =	sadd.s32 $0xF4280, s1  }
0x151: {  	[tilespmem:s22], [sflag:$0x1] =	stream.linear.gather [hbm4b:s1+s5], $0x400, $0x38;
	[tilespmem:$0x11600] =	vst v63  }
0x152: {  	s10 =	sld [smem:$0x7ED];
	s2 =	sand.u32 $0x1FFFFFF0, s16  }
0x153: {  	(v2sf) =	vpush v17, $0xF;
	[tilespmem:s24], [sflag:$0x1] =	stream.linear.gather [hbm4b:s9+s5], $0x80, $0x38;
	[tilespmem:$0x11600] =	vst v63  }
0x154: {  	s23 =	spop (v2sf);
	s12 =	sld [smem:$0x7EF];
	s2 =	sadd.s32 s30, s2  }
0x155: {  	[tilespmem:s10], [sflag:$0x1] =	stream.linear.gather [hbm4b:s2+s5], $0x80, $0x38;
	[tilespmem:$0x11600] =	vst v63  }
0x156: {  	s25 =	sand.u32 $0x1FFFFF80, s23;
	s11 =	sshrl.u32 s19, $0x3;
	s0 =	sadd.s32 s26, s21  }
0x157: {  	[tilespmem:s12], [sflag:$0x1] =	stream.linear.gather [hbm4b:s0+s5], $0x400, $0x38;
	[tilespmem:$0x11600] =	vst v63  }
0x158: {  	s19 =	spop (v2sf);
	s16 =	sld [smem:$0x7F3];
	s0 =	sadd.s32 $0xF4280, s0  }
0x159: {  	[tilespmem:s14], [sflag:$0x1] =	stream.linear.gather [hbm4b:s0+s5], $0x400, $0x38;
	[tilespmem:$0x11600] =	vst v63  }
0x15a: {  	s13 =	sand.u32 $0x1FFFFFF0, s11;
	s18 =	sld [smem:$0x7F5];
	s1 =	sadd.s32 s28, s25  }
0x15b: {  	[tilespmem:s16], [sflag:$0x1] =	stream.linear.gather [hbm4b:s1+s5], $0x400, $0x38;
	[tilespmem:$0x11600] =	vst v63  }
0x15c: {  	s15 =	sshrl.u32 s23, $0x3;
	s20 =	sld [smem:$0x7F6];
	s1 =	sadd.s32 $0xF4280, s1  }
0x15d: {  	[tilespmem:s18], [sflag:$0x1] =	stream.linear.gather [hbm4b:s1+s5], $0x400, $0x38;
	[tilespmem:$0x11600] =	vst v63  }
0x15e: {  	s17 =	sand.u32 $0x1FFFFFF0, s15;
	s22 =	sld [smem:$0x7F7];
	s2 =	sadd.s32 s29, s13  }
0x15f: {  	[tilespmem:s20], [sflag:$0x1] =	stream.linear.gather [hbm4b:s2+s5], $0x80, $0x38;
	[tilespmem:$0x11600] =	vst v63  }
0x160: {  	s23 =	sand.u32 $0x1FFFFF80, s19;
	s24 =	sld [smem:$0x7F8];
	s0 =	sadd.s32 s30, s17  }
0x161: {  	[tilespmem:s22], [sflag:$0x1] =	stream.linear.gather [hbm4b:s0+s5], $0x80, $0x38;
	[tilespmem:$0x11600] =	vst v63  }
0x162: {  	s25 =	spop (v2sf);
	s2 =	sadd.s32 s26, s23;
	s26 =	sld [smem:$0x7F9]  }
0x163: {  	[tilespmem:s24], [sflag:$0x1] =	stream.linear.gather [hbm4b:s2+s5], $0x400, $0x38;
	[tilespmem:$0x11600] =	vst v63  }
0x164: {  	s6 =	sand.u32 $0x1FFFFF80, s25;
	s9 =	sld [smem:$0x7FB];
	s2 =	sadd.s32 $0xF4280, s2  }
0x165: {  	[tilespmem:s26], [sflag:$0x1] =	stream.linear.gather [hbm4b:s2+s5], $0x400, $0x38;
	[tilespmem:$0x11600] =	vst v63  }
0x166: {  	s21 =	sshrl.u32 s19, $0x3;
	s8 =	sadd.s32 s28, s6;
	s10 =	sld [smem:$0x7FC]  }
0x167: {  	[tilespmem:s7], [sflag:$0x1] =	stream.linear.gather [hbm4b:s8+s5], $0x400, $0x38;
	[tilespmem:$0x11600] =	vst v63  }
0x168: {  	s1 =	sand.u32 $0x1FFFFFF0, s21;
	s0 =	sshrl.u32 s25, $0x3;
	s2 =	sadd.s32 $0xF4280, s8  }
0x169: {  	[tilespmem:s9], [sflag:$0x1] =	stream.linear.gather [hbm4b:s2+s5], $0x400, $0x38;
	[tilespmem:$0x11600] =	vst v63  }
0x16a: {  	s11 =	sld [smem:$0x7FD];
	s1 =	sadd.s32 s29, s1;
	s0 =	sand.u32 $0x1FFFFFF0, s0  }
0x16b: {  	[tilespmem:s10], [sflag:$0x1] =	stream.linear.gather [hbm4b:s1+s5], $0x80, $0x38;
	[tilespmem:$0x11600] =	vst v63  }
0x16c: {  	s12 =	simm.s32 $0x1;
	s0 =	sadd.s32 s30, s0  }
0x16d: {  	[tilespmem:s11], [sflag:$0x1] =	stream.linear.gather [hbm4b:s0+s5], $0x80, $0x38;
	[tilespmem:$0x11600] =	vst v63  }
0x16e: {  	_ =	swait.ge [sflag:s12], $0x8000  }
0x16f: {  	[sflag:s12] =	ssyncset.done $0x0  }
0x170: {  	[sflag:s12] =	ssyncadd.s32 $0xFFFF8000  }
0x171: {  	_ =	swait.ge [sflag:s12], $0x8000  }
0x172: {  	[sflag:s12] =	ssyncset.done $0x0  }
0x173: {  	[sflag:s12] =	ssyncadd.s32 $0xFFFF8000  }
0x174: {  	_ =	swait.ge [sflag:s12], $0x800  }
0x175: {  	[sflag:s12] =	ssyncset.done $0x0  }
0x176: {  	[sflag:s12] =	ssyncadd.s32 $0xFFFFF800  }
0x177: {  	_ =	swait.ge [sflag:s12], $0x800  }
0x178: {  	s15 =	sld [smem:$0x7D1]  }
0x179: {  	s16 =	sld [smem:$0x7D0]  }
0x17a: {  	s17 =	sld [smem:$0x7CF]  }
0x17b: {  	s18 =	sld [smem:$0x7CE]  }
0x17c: {  	s19 =	sld [smem:$0x7CD]  }
0x17d: {  	s20 =	sld [smem:$0x7CC]  }
0x17e: {  	s21 =	sld [smem:$0x7CB]  }
0x17f: {  	s22 =	sld [smem:$0x7CA]  }
0x180: {  	v18 =	vand.u32 $0x7F, v18;
	s23 =	sld [smem:$0x7C9]  }
0x181: {  	v19 =	vor.u32 v0, v18;
	v17 =	vand.u32 $0x7F, v17;
	s24 =	sld [smem:$0x7C8]  }
0x182: {  	v20 =	vor.u32 v0, v17;
	s25 =	sld [smem:$0x7C7]  }
0x183: {  	v21 =	vor.u32 v1, v18;
	v23 =	vor.u32 v2, v18;
	s26 =	sld [smem:$0x7C6]  }
0x184: {  	v25 =	vor.u32 v3, v18;
	v27 =	vor.u32 v4, v18;
	v22 =	vor.u32 v1, v17;
	[sflag:s12] =	ssyncset.done $0x0;
	s2 =	sld [smem:$0x7C5]  }
0x185: {  	v29 =	vor.u32 v5, v18;
	v46 =	vor.u32 v6, v18;
	v47 =	vor.u32 v7, v18;
	s13 =	simm.s32 $0x400;
	s3 =	sld [smem:$0x7C3];
	[sflag:s12] =	ssyncadd.s32 $0xFFFFF800  }
0x186: {  	v48 =	vor.u32 v8, v18;
	v50 =	vor.u32 v9, v18;
	v24 =	vor.u32 v2, v17;
	s4 =	sld [smem:$0x7C2];
	v19 =	vld.idx.msk [tilespmem:v19+s13+$0x0], $0xffff  }
0x187: {  	v52 =	vor.u32 v10, v18;
	v26 =	vor.u32 v3, v17;
	v28 =	vor.u32 v4, v17;
	s6 =	sld [smem:$0x7C1];
	v20 =	vld.idx.msk [tilespmem:v20+s31+$0x0], $0xffff  }
0x188: {  	v30 =	vor.u32 v5, v17;
	v31 =	vor.u32 v6, v17;
	v32 =	vor.u32 v7, v17;
	s8 =	sld [smem:$0x7C0];
	v21 =	vld.idx.msk [tilespmem:v21+s13+$0x0], $0xffff  }
0x189: {  	v49 =	vor.u32 v8, v17;
	v51 =	vor.u32 v9, v17;
	v53 =	vor.u32 v10, v17;
	s9 =	sld [smem:$0x7BF];
	v22 =	vld.idx.msk [tilespmem:v22+s31+$0x0], $0xffff  }
0x18a: {  	v55 =	vor.u32 v11, v17;
	v57 =	vor.u32 v12, v17;
	v59 =	vor.u32 v13, v17;
	s11 =	sld [smem:$0x7BE];
	v23 =	vld.idx.msk [tilespmem:v23+s13+$0x0], $0xffff  }
0x18b: {  	v61 =	vor.u32 v14, v17;
	v63 =	vor.u32 v15, v17;
	v17 =	vor.u32 v16, v17;
	s0 =	rddreg [dreg:$0x11];
	v24 =	vld.idx.msk [tilespmem:v24+s31+$0x0], $0xffff  }
0x18c: {  	v54 =	vor.u32 v11, v18;
	v56 =	vor.u32 v12, v18;
	v58 =	vor.u32 v13, v18;
	s28 =	rddreg [dreg:$0xf];
	v25 =	vld.idx.msk [tilespmem:v25+s13+$0x0], $0xffff  }
0x18d: {  	v60 =	vor.u32 v14, v18;
	v62 =	vor.u32 v15, v18;
	v18 =	vor.u32 v16, v18;
	s29 =	rddreg [dreg:$0xe];
	v27 =	vld.idx.msk [tilespmem:v27+s13+$0x0], $0xffff  }
0x18e: {  	s30 =	rddreg [dreg:$0xa];
	v29 =	vld.idx.msk [tilespmem:v29+s13+$0x0], $0xffff;
	v19 =	vmul.f32 v20, v19  }
0x18f: {  	s10 =	simm.s32 $0x10C00;
	s1 =	rddreg [dreg:$0x9];
	v20 =	vld.idx.msk [tilespmem:v26+s31+$0x0], $0xffff  }
0x190: {  	s12 =	sld [smem:$0x7BD];
	v17 =	vld.idx.msk [tilespmem:v17+s10+$0x0], $0xffff;
	v21 =	vmul.f32 v22, v21;
	v19 =	vadd.f32 $0.0e+00, v19  }
0x191: {  	s7 =	simm.s32 $0x10400;
	s10 =	sld [smem:$0x7B9];
	v22 =	vld.idx.msk [tilespmem:v28+s31+$0x0], $0xffff  }
0x192: {  	v18 =	vld.idx.msk [tilespmem:v18+s7+$0x0], $0xffff;
	s7 =	rddreg [dreg:$0x1a];
	v19 =	vadd.f32 v21, v19;
	v21 =	vmul.f32 v24, v23  }
0x193: {  	[smem:$0x78F] =	sst s15;
	v23 =	vld.idx.msk [tilespmem:v30+s31+$0x0], $0xffff  }
0x194: {  	[smem:$0x790] =	sst s16;
	v26 =	vld.idx.msk [tilespmem:v46+s13+$0x0], $0xffff;
	v20 =	vmul.f32 v20, v25;
	v19 =	vadd.f32 v21, v19  }
0x195: {  	[smem:$0x791] =	sst s17;
	v21 =	vld.idx.msk [tilespmem:v31+s31+$0x0], $0xffff  }
0x196: {  	[smem:$0x792] =	sst s18;
	v28 =	vld.idx.msk [tilespmem:v47+s13+$0x0], $0xffff;
	v19 =	vadd.f32 v20, v19;
	v20 =	vmul.f32 v22, v27  }
0x197: {  	[smem:$0x793] =	sst s19;
	v22 =	vld.idx.msk [tilespmem:v32+s31+$0x0], $0xffff  }
0x198: {  	[smem:$0x794] =	sst s20;
	v24 =	vld.idx.msk [tilespmem:v48+s13+$0x0], $0xffff;
	v19 =	vadd.f32 v20, v19;
	v20 =	vmul.f32 v23, v29  }
0x199: {  	[smem:$0x795] =	sst s21;
	v23 =	vld.idx.msk [tilespmem:v49+s31+$0x0], $0xffff  }
0x19a: {  	[smem:$0x796] =	sst s22;
	v25 =	vld.idx.msk [tilespmem:v50+s13+$0x0], $0xffff;
	v19 =	vadd.f32 v20, v19;
	v20 =	vmul.f32 v21, v26  }
0x19b: {  	s14 =	simm.s32 $0x400;
	[smem:$0x797] =	sst s23;
	v21 =	vld.idx.msk [tilespmem:v51+s31+$0x0], $0xffff  }
0x19c: {  	[smem:$0x798] =	sst s24;
	v27 =	vld.idx.msk [tilespmem:v52+s14+$0x0], $0xffff;
	v19 =	vadd.f32 v20, v19;
	v20 =	vmul.f32 v22, v28  }
0x19d: {  	[smem:$0x799] =	sst s25;
	v22 =	vld.idx.msk [tilespmem:v53+s31+$0x0], $0xffff  }
0x19e: {  	[smem:$0x79A] =	sst s26;
	v29 =	vld.idx.msk [tilespmem:v54+s14+$0x0], $0xffff;
	v19 =	vadd.f32 v20, v19;
	v20 =	vmul.f32 v23, v24  }
0x19f: {  	[smem:$0x79B] =	sst s2;
	v23 =	vld.idx.msk [tilespmem:v55+s31+$0x0], $0xffff  }
0x1a0: {  	[smem:$0x79C] =	sst s3;
	v26 =	vld.idx.msk [tilespmem:v56+s14+$0x0], $0xffff;
	v19 =	vadd.f32 v20, v19;
	v20 =	vmul.f32 v21, v25  }
0x1a1: {  	[smem:$0x79D] =	sst s4;
	v21 =	vld.idx.msk [tilespmem:v57+s31+$0x0], $0xffff  }
0x1a2: {  	[smem:$0x79E] =	sst s6;
	v28 =	vld.idx.msk [tilespmem:v58+s14+$0x0], $0xffff;
	v19 =	vadd.f32 v20, v19;
	v20 =	vmul.f32 v22, v27  }
0x1a3: {  	[smem:$0x79F] =	sst s8;
	v22 =	vld.idx.msk [tilespmem:v59+s31+$0x0], $0xffff  }
0x1a4: {  	[smem:$0x7A0] =	sst s9;
	v24 =	vld.idx.msk [tilespmem:v60+s14+$0x0], $0xffff;
	v19 =	vadd.f32 v20, v19;
	v20 =	vmul.f32 v23, v29  }
0x1a5: {  	[smem:$0x7A1] =	sst s11;
	v23 =	vld.idx.msk [tilespmem:v61+s31+$0x0], $0xffff  }
0x1a6: {  	s15 =	sld [smem:$0x7BA];
	v25 =	vld.idx.msk [tilespmem:v62+s14+$0x0], $0xffff;
	v19 =	vadd.f32 v20, v19;
	v20 =	vmul.f32 v21, v26  }
0x1a7: {  	s16 =	sld [smem:$0x7B8];
	v21 =	vld.idx.msk [tilespmem:v63+s31+$0x0], $0xffff  }
0x1a8: {  	s17 =	sld [smem:$0x7B6];
	v19 =	vadd.f32 v20, v19;
	v20 =	vmul.f32 v22, v28  }
0x1a9: {  	s18 =	sld [smem:$0x7B5]  }
0x1aa: {  	s19 =	sld [smem:$0x7B4];
	v19 =	vadd.f32 v20, v19;
	v20 =	vmul.f32 v23, v24  }
0x1ab: {  	s20 =	sld [smem:$0x7B3]  }
0x1ac: {  	s21 =	sld [smem:$0x7B2];
	v19 =	vadd.f32 v20, v19;
	v20 =	vmul.f32 v21, v25  }
0x1ad: {  	s8 =	sld [smem:$0x7B1]  }
0x1ae: {  	s22 =	rddreg [dreg:$0x1f];
	v19 =	vadd.f32 v20, v19  }
0x1af: {  	s23 =	rddreg [dreg:$0x1e]  }
0x1b0: {  	s24 =	rddreg [dreg:$0x1d];
	v18 =	vadd.f32 v19, v18  }
0x1b1: {  	s25 =	rddreg [dreg:$0x1c]  }
0x1b2: {  	s26 =	rddreg [dreg:$0x1b];
	v17 =	vadd.f32 v18, v17  }
0x1b3: {  	s9 =	rddreg [dreg:$0xb]  }
0x1b4: {  	s2 =	rddreg [dreg:$0x8];
	v17 =	vmax.f32 v17, $0.0e+00  }
0x1b5: {  	[smem:$0x7A2] =	sst s12;
	v17 =	vmul.f32 $-2.000000000e+00, v17  }
0x1b6: {  	[smem:$0x7AC] =	sst s22  }
0x1b7: {  	[smem:$0x7AD] =	sst s23;
	v17 =	vmul.f32 $1.442695020e+00, v17  }
0x1b8: {  	[smem:$0x7AE] =	sst s24  }
0x1b9: {  	[smem:$0x7AF] =	sst s25;
	(erf) = vpow2.f32 v17  }
0x1ba: {  	[smem:$0x7B0] =	sst s26  }
0x1bb: {  	s12 =	rddreg [dreg:$0x18]  }
0x1bc: {  	s24 =	rddreg [dreg:$0xd]  }
0x1bd: {  	[smem:$0x7A5] =	sst s15  }
0x1be: {  	[smem:$0x7A6] =	sst s16  }
0x1bf: {  	[smem:$0x7A7] =	sst s17  }
0x1c0: {  	[smem:$0x7A8] =	sst s18  }
0x1c1: {  	[smem:$0x7A9] =	sst s19  }
0x1c2: {  	[smem:$0x7AA] =	sst s20;
	v21 =	vpop (erf)  }
0x1c3: {  	s26 =	simm.s32 $0x10;
	[smem:$0x7AB] =	sst s21;
	v17 =	vadd.f32 $1.000000000e+00, v21  }
0x1c4: {  	s15 =	rddreg [dreg:$0x15];
	v20 =	vld [tilespmem:s26+$0x0]  }
0x1c5: {  	s16 =	rddreg [dreg:$0x13];
	(erf) = vrcp.f32 v17  }
0x1c6: {  	s18 =	rddreg [dreg:$0x12];
	v19 =	vld [tilespmem:s26+$0x200]  }
0x1c7: {  	s13 =	sld [smem:$0x7BC]  }
0x1c8: {  	s17 =	rddreg [dreg:$0x10]  }
0x1c9: {  	s14 =	sld [smem:$0x7BB];
	(v2sf) =	vpush v20, $0x0  }
0x1ca: {  	[smem:$0x7A3] =	sst s13;
	(v2sf) =	vpush v20, $0x1  }
0x1cb: {  	s13 =	rddreg [dreg:$0x17];
	(v2sf) =	vpush v19, $0x0  }
0x1cc: {  	[smem:$0x7A4] =	sst s14;
	(v2sf) =	vpush v19, $0x1  }
0x1cd: {  	s14 =	rddreg [dreg:$0x16];
	v18 =	vand.u32 $0x7F, v19;
	(v2sf) =	vpush v20, $0x2  }
0x1ce: {  	s22 =	simm.s32 $0x80;
	s31 =	sld [smem:$0x7C4];
	(v2sf) =	vpush v19, $0x2;
	v21 =	vsub.f32 $1.000000000e+00, v21;
	v17 =	vand.u32 $0x7F, v20;
	v22 =	vpop (erf)  }
.LBB2_2:
0x1cf: {  	[smem:$0x789] =	sst s26  }
0x1d0: {  	s3 =	rddreg [dreg:$0x7]  }
0x1d1: {  	s11 =	sld [smem:$0x78E]  }
0x1d2: {  	[smem:$0x786] =	sst s8  }
0x1d3: {  	[smem:$0x787] =	sst s10  }
0x1d4: {  	[smem:$0x788] =	sst s31  }
0x1d5: {  	s8 =	rddreg [dreg:$0x1]  }
0x1d6: {  	s6 =	smov.u32 s22;
	s31 =	rddreg [dreg:$0x3]  }
0x1d7: {  	s23 =	simm.s32 $0x8400;
	s25 =	sadd.s32 $0x40, s22;
	[smem:$0x78B] =	sst s6  }
0x1d8: {  	v21 =	vmul.f32 v22, v21;
	s10 =	simm.s32 $0x400;
	[smem:$0x78C] =	sst s25;
	s4 =	spop (v2sf)  }
0x1d9: {  	s26 =	sand.u32 $0x1FFFFF80, s4;
	s4 =	sshrl.u32 s4, $0x3;
	s25 =	spop (v2sf)  }
0x1da: {  	[tilespmem:s11+$0x11400] =	vst v21;
	s6 =	sadd.s32 s8, s26;
	s4 =	sand.u32 $0x1FFFFFF0, s4;
	s26 =	sand.u32 $0x1FFFFF80, s25  }
0x1db: {  	[tilespmem:s10], [sflag:$0x1] =	stream.linear.gather [hbm4b:s6+s5], $0x400, $0x38;
	[tilespmem:$0x11600] =	vst v63  }
0x1dc: {  	s25 =	sshrl.u32 s25, $0x3;
	s19 =	spop (v2sf);
	s6 =	sadd.s32 $0xF4280, s6  }
0x1dd: {  	s11 =	sand.u32 $0x1FFFFF80, s19;
	s21 =	spop (v2sf);
	s10 =	rddreg [dreg:$0x2]  }
0x1de: {  	(v2sf) =	vpush v20, $0x3;
	[tilespmem:s3], [sflag:$0x1] =	stream.linear.gather [hbm4b:s6+s5], $0x400, $0x38;
	[tilespmem:$0x11600] =	vst v63  }
0x1df: {  	s20 =	sshrl.u32 s19, $0x3;
	s19 =	sshrl.u32 s21, $0x3;
	s3 =	sadd.s32 s10, s11  }
0x1e0: {  	(v2sf) =	vpush v19, $0x3;
	s6 =	sand.u32 $0x1FFFFFF0, s20;
	s20 =	sand.u32 $0x1FFFFF80, s21;
	s11 =	sadd.s32 s31, s4  }
0x1e1: {  	[tilespmem:s23], [sflag:$0x1] =	stream.linear.gather [hbm4b:s3+s5], $0x400, $0x38;
	[tilespmem:$0x11600] =	vst v63  }
0x1e2: {  	s4 =	spop (v2sf);
	s21 =	simm.s32 $0x10400;
	s3 =	sadd.s32 $0xF4280, s3  }
0x1e3: {  	[tilespmem:s2], [sflag:$0x1] =	stream.linear.gather [hbm4b:s3+s5], $0x400, $0x38;
	[tilespmem:$0x11600] =	vst v63  }
0x1e4: {  	s25 =	sand.u32 $0x1FFFFFF0, s25;
	(v2sf) =	vpush v20, $0x4;
	s3 =	sand.u32 $0x1FFFFFF0, s19;
	s19 =	sand.u32 $0x1FFFFF80, s4  }
0x1e5: {  	[tilespmem:s21], [sflag:$0x1] =	stream.linear.gather [hbm4b:s11+s5], $0x80, $0x38;
	[tilespmem:$0x11600] =	vst v63  }
0x1e6: {  	s25 =	sadd.s32 s31, s25;
	s19 =	sadd.s32 s8, s19;
	s11 =	rddreg [dreg:$0x4]  }
0x1e7: {  	s21 =	simm.s32 $0x10C00;
	s23 =	sadd.s32 s11, s6;
	s6 =	spop (v2sf)  }
0x1e8: {  	(v2sf) =	vpush v19, $0x4;
	[tilespmem:s21], [sflag:$0x1] =	stream.linear.gather [hbm4b:s23+s5], $0x80, $0x38;
	[tilespmem:$0x11600] =	vst v63  }
0x1e9: {  	s23 =	sadd.s32 s8, s26;
	s26 =	sand.u32 $0x1FFFFF80, s6;
	s6 =	sshrl.u32 s6, $0x3  }
0x1ea: {  	[tilespmem:s1], [sflag:$0x1] =	stream.linear.gather [hbm4b:s23+s5], $0x400, $0x38;
	[tilespmem:$0x11600] =	vst v63  }
0x1eb: {  	s21 =	sshrl.u32 s4, $0x3;
	s4 =	sadd.s32 s10, s20;
	s2 =	sadd.s32 $0xF4280, s23  }
0x1ec: {  	[tilespmem:s30], [sflag:$0x1] =	stream.linear.gather [hbm4b:s2+s5], $0x400, $0x38;
	[tilespmem:$0x11600] =	vst v63  }
0x1ed: {  	s23 =	sand.u32 $0x1FFFFFF0, s6;
	s6 =	rddreg [dreg:$0xc];
	s20 =	spop (v2sf)  }
0x1ee: {  	[tilespmem:s9], [sflag:$0x1] =	stream.linear.gather [hbm4b:s4+s5], $0x400, $0x38;
	[tilespmem:$0x11600] =	vst v63  }
0x1ef: {  	s1 =	sadd.s32 $0xF4280, s4;
	s4 =	sshrl.u32 s20, $0x3;
	s9 =	spop (v2sf)  }
0x1f0: {  	(v2sf) =	vpush v20, $0x5;
	[tilespmem:s6], [sflag:$0x1] =	stream.linear.gather [hbm4b:s1+s5], $0x400, $0x38;
	[tilespmem:$0x11600] =	vst v63  }
0x1f1: {  	s6 =	sand.u32 $0x1FFFFF80, s9;
	s1 =	sand.u32 $0x1FFFFFF0, s4;
	s4 =	sadd.s32 s11, s3  }
0x1f2: {  	(v2sf) =	vpush v19, $0x5;
	[tilespmem:s24], [sflag:$0x1] =	stream.linear.gather [hbm4b:s25+s5], $0x80, $0x38;
	[tilespmem:$0x11600] =	vst v63  }
0x1f3: {  	s6 =	sadd.s32 s10, s6;
	s24 =	sshrl.u32 s9, $0x3;
	s25 =	spop (v2sf)  }
0x1f4: {  	[tilespmem:s29], [sflag:$0x1] =	stream.linear.gather [hbm4b:s4+s5], $0x80, $0x38;
	[tilespmem:$0x11600] =	vst v63  }
0x1f5: {  	s1 =	sadd.s32 s31, s1;
	s2 =	sand.u32 $0x1FFFFF80, s25;
	s4 =	sand.u32 $0x1FFFFFF0, s24  }
0x1f6: {  	[tilespmem:s28], [sflag:$0x1] =	stream.linear.gather [hbm4b:s19+s5], $0x400, $0x38;
	[tilespmem:$0x11600] =	vst v63  }
0x1f7: {  	s24 =	sadd.s32 $0xF4280, s19;
	s19 =	sshrl.u32 s25, $0x3;
	s25 =	spop (v2sf)  }
0x1f8: {  	s2 =	sadd.s32 s8, s2;
	s4 =	sadd.s32 s11, s4;
	(v2sf) =	vpush v20, $0x6;
	s3 =	sand.u32 $0x1FFFFF80, s25  }
0x1f9: {  	[tilespmem:s17], [sflag:$0x1] =	stream.linear.gather [hbm4b:s24+s5], $0x400, $0x38;
	[tilespmem:$0x11600] =	vst v63  }
0x1fa: {  	s9 =	sshrl.u32 s25, $0x3;
	(v2sf) =	vpush v19, $0x6;
	s24 =	sadd.s32 s10, s26;
	s26 =	sand.u32 $0x1FFFFFF0, s21  }
0x1fb: {  	s29 =	sand.u32 $0x1FFFFFF0, s19;
	s19 =	sadd.s32 s31, s26;
	s26 =	sand.u32 $0x1FFFFF80, s20  }
0x1fc: {  	[tilespmem:s0], [sflag:$0x1] =	stream.linear.gather [hbm4b:s24+s5], $0x400, $0x38;
	[tilespmem:$0x11600] =	vst v63  }
0x1fd: {  	s21 =	rddreg [dreg:$0x14];
	s25 =	sadd.s32 $0xF4280, s24;
	s17 =	sadd.s32 s8, s26  }
0x1fe: {  	[tilespmem:s18], [sflag:$0x1] =	stream.linear.gather [hbm4b:s25+s5], $0x400, $0x38;
	[tilespmem:$0x11600] =	vst v63  }
0x1ff: {  	s9 =	sand.u32 $0x1FFFFFF0, s9;
	s24 =	spop (v2sf);
	s0 =	sadd.s32 $0xF4280, s17  }
0x200: {  	(v2sf) =	vpush v20, $0x7;
	[tilespmem:s16], [sflag:$0x1] =	stream.linear.gather [hbm4b:s19+s5], $0x80, $0x38;
	[tilespmem:$0x11600] =	vst v63  }
0x201: {  	s25 =	sadd.s32 s11, s23;
	s30 =	sand.u32 $0x1FFFFF80, s24;
	s20 =	spop (v2sf)  }
0x202: {  	(v2sf) =	vpush v19, $0x7;
	[tilespmem:s21], [sflag:$0x1] =	stream.linear.gather [hbm4b:s25+s5], $0x80, $0x38;
	[tilespmem:$0x11600] =	vst v63  }
0x203: {  	s23 =	rddreg [dreg:$0x19];
	s19 =	sshrl.u32 s24, $0x3;
	s28 =	sand.u32 $0x1FFFFF80, s20  }
0x204: {  	[tilespmem:s15], [sflag:$0x1] =	stream.linear.gather [hbm4b:s17+s5], $0x400, $0x38;
	[tilespmem:$0x11600] =	vst v63  }
0x205: {  	s24 =	sand.u32 $0x1FFFFFF0, s19;
	s19 =	sld [smem:$0x7AF];
	s21 =	sshrl.u32 s20, $0x3  }
0x206: {  	[tilespmem:s14], [sflag:$0x1] =	stream.linear.gather [hbm4b:s0+s5], $0x400, $0x38;
	[tilespmem:$0x11600] =	vst v63  }
0x207: {  	s20 =	smov.u32 s8;
	s0 =	sand.u32 $0x1FFFFFF0, s21;
	s25 =	spop (v2sf)  }
0x208: {  	[tilespmem:s13], [sflag:$0x1] =	stream.linear.gather [hbm4b:s6+s5], $0x400, $0x38;
	[tilespmem:$0x11600] =	vst v63  }
0x209: {  	s14 =	sld [smem:$0x7B0];
	s6 =	sadd.s32 $0xF4280, s6;
	s26 =	spop (v2sf)  }
0x20a: {  	[tilespmem:s12], [sflag:$0x1] =	stream.linear.gather [hbm4b:s6+s5], $0x400, $0x38;
	[tilespmem:$0x11600] =	vst v63  }
0x20b: {  	s21 =	sadd.s32 s10, s3;
	s18 =	sand.u32 $0x1FFFFF80, s25;
	s17 =	sand.u32 $0x1FFFFF80, s26  }
0x20c: {  	(v2sf) =	vpush v20, $0x8;
	[tilespmem:s23], [sflag:$0x1] =	stream.linear.gather [hbm4b:s1+s5], $0x80, $0x38;
	[tilespmem:$0x11600] =	vst v63  }
0x20d: {  	s13 =	sshrl.u32 s26, $0x3;
	s26 =	sld [smem:$0x7AD];
	s12 =	sshrl.u32 s25, $0x3  }
0x20e: {  	[tilespmem:s7], [sflag:$0x1] =	stream.linear.gather [hbm4b:s4+s5], $0x80, $0x38;
	[tilespmem:$0x11600] =	vst v63  }
0x20f: {  	s25 =	sld [smem:$0x7AE];
	s1 =	sand.u32 $0x1FFFFFF0, s12;
	s15 =	spop (v2sf)  }
0x210: {  	(v2sf) =	vpush v19, $0x8;
	[tilespmem:s14], [sflag:$0x1] =	stream.linear.gather [hbm4b:s2+s5], $0x400, $0x38;
	[tilespmem:$0x11600] =	vst v63  }
0x211: {  	s16 =	sand.u32 $0x1FFFFF80, s15;
	s23 =	spop (v2sf);
	s2 =	sadd.s32 $0xF4280, s2  }
0x212: {  	[tilespmem:s19], [sflag:$0x1] =	stream.linear.gather [hbm4b:s2+s5], $0x400, $0x38;
	[tilespmem:$0x11600] =	vst v63  }
0x213: {  	s4 =	sshrl.u32 s15, $0x3;
	s7 =	sadd.s32 s31, s29;
	s12 =	sand.u32 $0x1FFFFF80, s23  }
0x214: {  	[tilespmem:s25], [sflag:$0x1] =	stream.linear.gather [hbm4b:s21+s5], $0x400, $0x38;
	[tilespmem:$0x11600] =	vst v63  }
0x215: {  	s14 =	sand.u32 $0x1FFFFFF0, s13;
	s13 =	sld [smem:$0x7AC];
	s2 =	sadd.s32 $0xF4280, s21  }
0x216: {  	(v2sf) =	vpush v20, $0x9;
	[tilespmem:s26], [sflag:$0x1] =	stream.linear.gather [hbm4b:s2+s5], $0x400, $0x38;
	[tilespmem:$0x11600] =	vst v63  }
0x217: {  	s15 =	sadd.s32 s11, s9;
	s8 =	sand.u32 $0x1FFFFFF0, s4;
	s21 =	sld [smem:$0x786]  }
0x218: {  	[tilespmem:s13], [sflag:$0x1] =	stream.linear.gather [hbm4b:s7+s5], $0x80, $0x38;
	[tilespmem:$0x11600] =	vst v63  }
0x219: {  	s3 =	sshrl.u32 s23, $0x3;
	s23 =	sadd.s32 s20, s30;
	s26 =	sld [smem:$0x7AB]  }
0x21a: {  	(v2sf) =	vpush v19, $0x9;
	[tilespmem:s21], [sflag:$0x1] =	stream.linear.gather [hbm4b:s15+s5], $0x80, $0x38;
	[tilespmem:$0x11600] =	vst v63  }
0x21b: {  	s19 =	spop (v2sf);
	s2 =	sadd.s32 $0xF4280, s23;
	s7 =	sld [smem:$0x7AA]  }
0x21c: {  	[tilespmem:s26], [sflag:$0x1] =	stream.linear.gather [hbm4b:s23+s5], $0x400, $0x38;
	[tilespmem:$0x11600] =	vst v63  }
0x21d: {  	s4 =	sshrl.u32 s19, $0x3;
	s15 =	sand.u32 $0x1FFFFF80, s19;
	s19 =	sld [smem:$0x7A9]  }
0x21e: {  	[tilespmem:s7], [sflag:$0x1] =	stream.linear.gather [hbm4b:s2+s5], $0x400, $0x38;
	[tilespmem:$0x11600] =	vst v63  }
0x21f: {  	s9 =	sadd.s32 s10, s28;
	s25 =	spop (v2sf);
	s21 =	sld [smem:$0x7A8]  }
0x220: {  	(v2sf) =	vpush v20, $0xA;
	[tilespmem:s19], [sflag:$0x1] =	stream.linear.gather [hbm4b:s9+s5], $0x400, $0x38;
	[tilespmem:$0x11600] =	vst v63  }
0x221: {  	s0 =	sadd.s32 s11, s0;
	s2 =	sadd.s32 $0xF4280, s9;
	s19 =	sld [smem:$0x7A7]  }
0x222: {  	[tilespmem:s21], [sflag:$0x1] =	stream.linear.gather [hbm4b:s2+s5], $0x400, $0x38;
	[tilespmem:$0x11600] =	vst v63  }
0x223: {  	s13 =	sand.u32 $0x1FFFFFF0, s3;
	s23 =	sadd.s32 s31, s24;
	s24 =	sld [smem:$0x7B7]  }
0x224: {  	(v2sf) =	vpush v19, $0xA;
	[tilespmem:s19], [sflag:$0x1] =	stream.linear.gather [hbm4b:s23+s5], $0x80, $0x38;
	[tilespmem:$0x11600] =	vst v63  }
0x225: {  	s3 =	sshrl.u32 s25, $0x3;
	s26 =	sand.u32 $0x1FFFFF80, s25;
	s25 =	spop (v2sf)  }
0x226: {  	[tilespmem:s24], [sflag:$0x1] =	stream.linear.gather [hbm4b:s0+s5], $0x80, $0x38;
	[tilespmem:$0x11600] =	vst v63  }
0x227: {  	s28 =	sand.u32 $0x1FFFFF80, s25;
	s24 =	sshrl.u32 s25, $0x3;
	s25 =	sld [smem:$0x7A6]  }
0x228: {  	_ = 	snop  }
0x229: {  	s21 =	spop (v2sf);
	s23 =	sadd.s32 s20, s18;
	s19 =	sld [smem:$0x787]  }
0x22a: {  	(v2sf) =	vpush v20, $0xB;
	[tilespmem:s25], [sflag:$0x1] =	stream.linear.gather [hbm4b:s23+s5], $0x400, $0x38;
	[tilespmem:$0x11600] =	vst v63  }
0x22b: {  	s6 =	sand.u32 $0x1FFFFF80, s21;
	s18 =	sadd.s32 $0xF4280, s23  }
0x22c: {  	(v2sf) =	vpush v19, $0xB;
	[tilespmem:s19], [sflag:$0x1] =	stream.linear.gather [hbm4b:s18+s5], $0x400, $0x38;
	[tilespmem:$0x11600] =	vst v63  }
0x22d: {  	s2 =	sshrl.u32 s21, $0x3;
	s21 =	sadd.s32 s10, s17;
	s18 =	sld [smem:$0x7A5]  }
0x22e: {  	s7 =	sand.u32 $0x1FFFFFF0, s3;
	s3 =	sadd.s32 $0xF4280, s21  }
0x22f: {  	s25 =	sand.u32 $0x1FFFFFF0, s2;
	s23 =	spop (v2sf);
	s19 =	sld [smem:$0x7A4]  }
0x230: {  	[tilespmem:s18], [sflag:$0x1] =	stream.linear.gather [hbm4b:s21+s5], $0x400, $0x38;
	[tilespmem:$0x11600] =	vst v63  }
0x231: {  	(v2sf) =	vpush v20, $0xC;
	s2 =	sand.u32 $0x1FFFFF80, s23;
	s21 =	sshrl.u32 s23, $0x3;
	s23 =	sld [smem:$0x7A3]  }
0x232: {  	[tilespmem:s19], [sflag:$0x1] =	stream.linear.gather [hbm4b:s3+s5], $0x400, $0x38;
	[tilespmem:$0x11600] =	vst v63  }
0x233: {  	s1 =	sadd.s32 s31, s1;
	s17 =	spop (v2sf)  }
0x234: {  	(v2sf) =	vpush v19, $0xC;
	[tilespmem:s23], [sflag:$0x1] =	stream.linear.gather [hbm4b:s1+s5], $0x80, $0x38;
	[tilespmem:$0x11600] =	vst v63  }
0x235: {  	s9 =	sand.u32 $0x1FFFFFF0, s4;
	s23 =	sld [smem:$0x7A2]  }
0x236: {  	s0 =	sand.u32 $0x1FFFFFF0, s24;
	s24 =	sand.u32 $0x1FFFFF80, s17;
	s18 =	sadd.s32 s11, s14  }
0x237: {  	s14 =	sadd.s32 s20, s16;
	s16 =	sld [smem:$0x7A1];
	s19 =	sand.u32 $0x1FFFFFF0, s21  }
0x238: {  	[tilespmem:s23], [sflag:$0x1] =	stream.linear.gather [hbm4b:s18+s5], $0x80, $0x38;
	[tilespmem:$0x11600] =	vst v63  }
0x239: {  	s21 =	sshrl.u32 s17, $0x3;
	s3 =	spop (v2sf);
	s17 =	sld [smem:$0x7A0]  }
0x23a: {  	[tilespmem:s16], [sflag:$0x1] =	stream.linear.gather [hbm4b:s14+s5], $0x400, $0x38;
	[tilespmem:$0x11600] =	vst v63  }
0x23b: {  	s4 =	spop (v2sf);
	s1 =	sadd.s32 $0xF4280, s14;
	s16 =	sld [smem:$0x79F]  }
0x23c: {  	[tilespmem:s17], [sflag:$0x1] =	stream.linear.gather [hbm4b:s1+s5], $0x400, $0x38;
	[tilespmem:$0x11600] =	vst v63  }
0x23d: {  	s23 =	sand.u32 $0x1FFFFF80, s3;
	s18 =	sadd.s32 s10, s12;
	s3 =	sshrl.u32 s3, $0x3  }
0x23e: {  	[tilespmem:s16], [sflag:$0x1] =	stream.linear.gather [hbm4b:s18+s5], $0x400, $0x38;
	[tilespmem:$0x11600] =	vst v63  }
0x23f: {  	s12 =	sadd.s32 s11, s13;
	s1 =	sadd.s32 $0xF4280, s18;
	s18 =	sld [smem:$0x79E]  }
0x240: {  	s29 =	sand.u32 $0x1FFFFFF0, s3;
	s14 =	sand.u32 $0x1FFFFF80, s4;
	s3 =	spop (v2sf)  }
0x241: {  	s17 =	sshrl.u32 s4, $0x3;
	s4 =	sadd.s32 s31, s8;
	s8 =	sld [smem:$0x79D]  }
0x242: {  	[tilespmem:s18], [sflag:$0x1] =	stream.linear.gather [hbm4b:s1+s5], $0x400, $0x38;
	[tilespmem:$0x11600] =	vst v63  }
0x243: {  	s13 =	spop (v2sf);
	s16 =	sand.u32 $0x1FFFFFF0, s17;
	s17 =	sld [smem:$0x79C]  }
0x244: {  	[tilespmem:s8], [sflag:$0x1] =	stream.linear.gather [hbm4b:s4+s5], $0x80, $0x38;
	[tilespmem:$0x11600] =	vst v63  }
0x245: {  	s4 =	sshrl.u32 s13, $0x3  }
0x246: {  	[tilespmem:s17], [sflag:$0x1] =	stream.linear.gather [hbm4b:s12+s5], $0x80, $0x38;
	[tilespmem:$0x11600] =	vst v63  }
0x247: {  	s12 =	sadd.s32 s20, s15;
	s15 =	sand.u32 $0x1FFFFF80, s13;
	s13 =	sld [smem:$0x788]  }
0x248: {  	_ = 	snop  }
0x249: {  	s17 =	sld [smem:$0x79B]  }
0x24a: {  	[tilespmem:s13], [sflag:$0x1] =	stream.linear.gather [hbm4b:s12+s5], $0x400, $0x38;
	[tilespmem:$0x11600] =	vst v63  }
0x24b: {  	s1 =	sadd.s32 $0xF4280, s12;
	s13 =	sld [smem:$0x79A]  }
0x24c: {  	[tilespmem:s17], [sflag:$0x1] =	stream.linear.gather [hbm4b:s1+s5], $0x400, $0x38;
	[tilespmem:$0x11600] =	vst v63  }
0x24d: {  	s12 =	sadd.s32 s10, s26;
	s26 =	sld [smem:$0x799]  }
0x24e: {  	[tilespmem:s13], [sflag:$0x1] =	stream.linear.gather [hbm4b:s12+s5], $0x400, $0x38;
	[tilespmem:$0x11600] =	vst v63  }
0x24f: {  	s1 =	sadd.s32 $0xF4280, s12  }
0x250: {  	[tilespmem:s26], [sflag:$0x1] =	stream.linear.gather [hbm4b:s1+s5], $0x400, $0x38;
	[tilespmem:$0x11600] =	vst v63  }
0x251: {  	s26 =	sld [smem:$0x798];
	_ =	sdelay $0x1  }
0x252: {  	s9 =	sadd.s32 s31, s9;
	(v2sf) =	vpush v20, $0xD  }
0x253: {  	(v2sf) =	vpush v19, $0xD;
	[tilespmem:s26], [sflag:$0x1] =	stream.linear.gather [hbm4b:s9+s5], $0x80, $0x38;
	[tilespmem:$0x11600] =	vst v63  }
0x254: {  	s26 =	sadd.s32 s11, s7;
	s7 =	sld [smem:$0x797];
	_ =	sdelay $0x2  }
0x255: {  	[tilespmem:s7], [sflag:$0x1] =	stream.linear.gather [hbm4b:s26+s5], $0x80, $0x38;
	[tilespmem:$0x11600] =	vst v63  }
0x256: {  	s7 =	sld [smem:$0x796];
	_ =	sdelay $0x1  }
0x257: {  	s26 =	sadd.s32 s20, s28  }
0x258: {  	[tilespmem:s7], [sflag:$0x1] =	stream.linear.gather [hbm4b:s26+s5], $0x400, $0x38;
	[tilespmem:$0x11600] =	vst v63  }
0x259: {  	s1 =	sadd.s32 $0xF4280, s26;
	s26 =	sld [smem:$0x795];
	_ =	sdelay $0x1  }
0x25a: {  	(v2sf) =	vpush v20, $0xE  }
0x25b: {  	(v2sf) =	vpush v19, $0xE;
	[tilespmem:s26], [sflag:$0x1] =	stream.linear.gather [hbm4b:s1+s5], $0x400, $0x38;
	[tilespmem:$0x11600] =	vst v63  }
0x25c: {  	s18 =	sand.u32 $0x1FFFFF80, s3;
	s3 =	sshrl.u32 s3, $0x3;
	s26 =	sld [smem:$0x794]  }
0x25d: {  	s17 =	sand.u32 $0x1FFFFFF0, s3;
	s3 =	spop (v2sf);
	(v2sf) =	vpush v20, $0xF  }
0x25e: {  	s8 =	sand.u32 $0x1FFFFFF0, s4;
	s4 =	spop (v2sf);
	(v2sf) =	vpush v19, $0xF;
	s1 =	sadd.s32 s10, s6  }
0x25f: {  	[tilespmem:s26], [sflag:$0x1] =	stream.linear.gather [hbm4b:s1+s5], $0x400, $0x38;
	[tilespmem:$0x11600] =	vst v63  }
0x260: {  	s26 =	sld [smem:$0x793];
	_ =	sdelay $0x1  }
0x261: {  	s1 =	sadd.s32 $0xF4280, s1  }
0x262: {  	[tilespmem:s26], [sflag:$0x1] =	stream.linear.gather [hbm4b:s1+s5], $0x400, $0x38;
	[tilespmem:$0x11600] =	vst v63  }
0x263: {  	s26 =	sld [smem:$0x792]  }
0x264: {  	s13 =	sand.u32 $0x1FFFFF80, s3;
	s3 =	sshrl.u32 s3, $0x3  }
0x265: {  	s0 =	sadd.s32 s31, s0;
	s9 =	sand.u32 $0x1FFFFFF0, s3;
	s3 =	sshrl.u32 s4, $0x3  }
0x266: {  	[tilespmem:s26], [sflag:$0x1] =	stream.linear.gather [hbm4b:s0+s5], $0x80, $0x38;
	[tilespmem:$0x11600] =	vst v63  }
0x267: {  	s3 =	sand.u32 $0x1FFFFFF0, s3;
	s26 =	sld [smem:$0x791]  }
0x268: {  	[smem:$0x78A] =	sst s3;
	s3 =	spop (v2sf)  }
0x269: {  	s12 =	sand.u32 $0x1FFFFF80, s4;
	s4 =	spop (v2sf);
	s1 =	sadd.s32 s11, s25  }
0x26a: {  	[tilespmem:s26], [sflag:$0x1] =	stream.linear.gather [hbm4b:s1+s5], $0x80, $0x38;
	[tilespmem:$0x11600] =	vst v63  }
0x26b: {  	s6 =	spop (v2sf);
	s26 =	sld [smem:$0x790]  }
0x26c: {  	s25 =	spop (v2sf)  }
0x26d: {  	s1 =	sadd.s32 s20, s2;
	s2 =	sand.u32 $0x1FFFFF80, s25;
	s25 =	sshrl.u32 s25, $0x3  }
0x26e: {  	[tilespmem:s26], [sflag:$0x1] =	stream.linear.gather [hbm4b:s1+s5], $0x400, $0x38;
	[tilespmem:$0x11600] =	vst v63  }
0x26f: {  	s26 =	sadd.s32 $0xF4280, s1;
	s1 =	sand.u32 $0x1FFFFFF0, s25;
	s25 =	sld [smem:$0x78F]  }
0x270: {  	_ = 	snop  }
0x271: {  	s28 =	sld [smem:$0x7D2]  }
0x272: {  	[tilespmem:s25], [sflag:$0x1] =	stream.linear.gather [hbm4b:s26+s5], $0x400, $0x38;
	[tilespmem:$0x11600] =	vst v63  }
0x273: {  	s25 =	sadd.s32 s10, s24;
	s24 =	sld [smem:$0x7D3]  }
0x274: {  	[tilespmem:s28], [sflag:$0x1] =	stream.linear.gather [hbm4b:s25+s5], $0x400, $0x38;
	[tilespmem:$0x11600] =	vst v63  }
0x275: {  	p0 =	sne.s32 s22, $0x7C0;
	s28 =	sld [smem:$0x789]  }
0x276: {  	s21 =	sand.u32 $0x1FFFFFF0, s21;
	s22 =	sadd.s32 $0xF4280, s25;
	s25 =	sld [smem:$0x7D4]  }
0x277: {  	[tilespmem:s24], [sflag:$0x1] =	stream.linear.gather [hbm4b:s22+s5], $0x400, $0x38;
	[tilespmem:$0x11600] =	vst v63  }
0x278: {  	s24 =	sadd.s32 s11, s21;
	s21 =	sld [smem:$0x7DD];
	s26 =	smov.u32 s28  }
0x279: {  	[smem:$0x78E] =	sst s26  }
0x27a: {  	s19 =	sadd.s32 s31, s19;
	s26 =	sld [smem:$0x7D5]  }
0x27b: {  	[tilespmem:s25], [sflag:$0x1] =	stream.linear.gather [hbm4b:s19+s5], $0x80, $0x38;
	[tilespmem:$0x11600] =	vst v63  }
0x27c: {  	s25 =	sld [smem:$0x7D6]  }
0x27d: {  	[tilespmem:s26], [sflag:$0x1] =	stream.linear.gather [hbm4b:s24+s5], $0x80, $0x38;
	[tilespmem:$0x11600] =	vst v63  }
0x27e: {  	s24 =	smov.u32 s20;
	s26 =	sadd.s32 s20, s23;
	s20 =	sld [smem:$0x7D7]  }
0x27f: {  	[tilespmem:s25], [sflag:$0x1] =	stream.linear.gather [hbm4b:s26+s5], $0x400, $0x38;
	[tilespmem:$0x11600] =	vst v63  }
0x280: {  	s23 =	sld [smem:$0x7D8];
	s19 =	sadd.s32 $0xF4280, s26  }
0x281: {  	[tilespmem:s20], [sflag:$0x1] =	stream.linear.gather [hbm4b:s19+s5], $0x400, $0x38;
	[tilespmem:$0x11600] =	vst v63  }
0x282: {  	s25 =	sadd.s32 s10, s14;
	s26 =	sld [smem:$0x7D9]  }
0x283: {  	[tilespmem:s23], [sflag:$0x1] =	stream.linear.gather [hbm4b:s25+s5], $0x400, $0x38;
	[tilespmem:$0x11600] =	vst v63  }
0x284: {  	s14 =	sld [smem:$0x7DA];
	s19 =	sadd.s32 $0xF4280, s25  }
0x285: {  	[tilespmem:s26], [sflag:$0x1] =	stream.linear.gather [hbm4b:s19+s5], $0x400, $0x38;
	[tilespmem:$0x11600] =	vst v63  }
0x286: {  	s22 =	sadd.s32 s31, s29;
	s23 =	sld [smem:$0x7DB]  }
0x287: {  	[tilespmem:s14], [sflag:$0x1] =	stream.linear.gather [hbm4b:s22+s5], $0x80, $0x38;
	[tilespmem:$0x11600] =	vst v63  }
0x288: {  	s25 =	sadd.s32 s11, s16;
	s26 =	sld [smem:$0x7DC]  }
0x289: {  	[tilespmem:s23], [sflag:$0x1] =	stream.linear.gather [hbm4b:s25+s5], $0x80, $0x38;
	[tilespmem:$0x11600] =	vst v63  }
0x28a: {  	s20 =	sadd.s32 s24, s18;
	s19 =	sld [smem:$0x7E5]  }
0x28b: {  	[tilespmem:s26], [sflag:$0x1] =	stream.linear.gather [hbm4b:s20+s5], $0x400, $0x38;
	[tilespmem:$0x11600] =	vst v63  }
0x28c: {  	s14 =	sadd.s32 $0xF4280, s20;
	s22 =	sld [smem:$0x7DE]  }
0x28d: {  	[tilespmem:s21], [sflag:$0x1] =	stream.linear.gather [hbm4b:s14+s5], $0x400, $0x38;
	[tilespmem:$0x11600] =	vst v63  }
0x28e: {  	s23 =	sadd.s32 s10, s15;
	s25 =	sld [smem:$0x7E0]  }
0x28f: {  	[tilespmem:s22], [sflag:$0x1] =	stream.linear.gather [hbm4b:s23+s5], $0x400, $0x38;
	[tilespmem:$0x11600] =	vst v63  }
0x290: {  	s26 =	sld [smem:$0x7E2];
	s14 =	sadd.s32 $0xF4280, s23  }
0x291: {  	[tilespmem:s25], [sflag:$0x1] =	stream.linear.gather [hbm4b:s14+s5], $0x400, $0x38;
	[tilespmem:$0x11600] =	vst v63  }
0x292: {  	s15 =	sadd.s32 s31, s17;
	s17 =	sld [smem:$0x7E3]  }
0x293: {  	[tilespmem:s26], [sflag:$0x1] =	stream.linear.gather [hbm4b:s15+s5], $0x80, $0x38;
	[tilespmem:$0x11600] =	vst v63  }
0x294: {  	s8 =	sadd.s32 s11, s8;
	s21 =	sld [smem:$0x7E7]  }
0x295: {  	[tilespmem:s17], [sflag:$0x1] =	stream.linear.gather [hbm4b:s8+s5], $0x80, $0x38;
	[tilespmem:$0x11600] =	vst v63  }
0x296: {  	s20 =	sadd.s32 s24, s13;
	s22 =	sld [smem:$0x7E8]  }
0x297: {  	[tilespmem:s19], [sflag:$0x1] =	stream.linear.gather [hbm4b:s20+s5], $0x400, $0x38;
	[tilespmem:$0x11600] =	vst v63  }
0x298: {  	s23 =	sadd.s32 s10, s12;
	s12 =	sld [smem:$0x78A];
	s8 =	sadd.s32 $0xF4280, s20  }
0x299: {  	[tilespmem:s21], [sflag:$0x1] =	stream.linear.gather [hbm4b:s8+s5], $0x400, $0x38;
	[tilespmem:$0x11600] =	vst v63  }
0x29a: {  	s25 =	sld [smem:$0x7EA]  }
0x29b: {  	[tilespmem:s22], [sflag:$0x1] =	stream.linear.gather [hbm4b:s23+s5], $0x400, $0x38;
	[tilespmem:$0x11600] =	vst v63  }
0x29c: {  	s26 =	sld [smem:$0x7EC];
	s8 =	sadd.s32 $0xF4280, s23  }
0x29d: {  	[tilespmem:s25], [sflag:$0x1] =	stream.linear.gather [hbm4b:s8+s5], $0x400, $0x38;
	[tilespmem:$0x11600] =	vst v63  }
0x29e: {  	s9 =	sadd.s32 s31, s9;
	s18 =	smov.u32 s10;
	s10 =	sld [smem:$0x7ED]  }
0x29f: {  	[tilespmem:s26], [sflag:$0x1] =	stream.linear.gather [hbm4b:s9+s5], $0x80, $0x38;
	[tilespmem:$0x11600] =	vst v63  }
0x2a0: {  	s30 =	sand.u32 $0x1FFFFF80, s3;
	s13 =	sld [smem:$0x7EF];
	s8 =	sadd.s32 s11, s12  }
0x2a1: {  	[tilespmem:s10], [sflag:$0x1] =	stream.linear.gather [hbm4b:s8+s5], $0x80, $0x38;
	[tilespmem:$0x11600] =	vst v63  }
0x2a2: {  	s3 =	sshrl.u32 s3, $0x3;
	s14 =	sadd.s32 s24, s30;
	s15 =	sld [smem:$0x7F1]  }
0x2a3: {  	[tilespmem:s13], [sflag:$0x1] =	stream.linear.gather [hbm4b:s14+s5], $0x400, $0x38;
	[tilespmem:$0x11600] =	vst v63  }
0x2a4: {  	s7 =	sand.u32 $0x1FFFFF80, s4;
	s16 =	sld [smem:$0x7F3];
	s8 =	sadd.s32 $0xF4280, s14  }
0x2a5: {  	[tilespmem:s15], [sflag:$0x1] =	stream.linear.gather [hbm4b:s8+s5], $0x400, $0x38;
	[tilespmem:$0x11600] =	vst v63  }
0x2a6: {  	s3 =	sand.u32 $0x1FFFFFF0, s3;
	s7 =	sadd.s32 s18, s7;
	s17 =	sld [smem:$0x7F5]  }
0x2a7: {  	[tilespmem:s16], [sflag:$0x1] =	stream.linear.gather [hbm4b:s7+s5], $0x400, $0x38;
	[tilespmem:$0x11600] =	vst v63  }
0x2a8: {  	s4 =	sshrl.u32 s4, $0x3;
	s19 =	sld [smem:$0x7F6];
	s7 =	sadd.s32 $0xF4280, s7  }
0x2a9: {  	[tilespmem:s17], [sflag:$0x1] =	stream.linear.gather [hbm4b:s7+s5], $0x400, $0x38;
	[tilespmem:$0x11600] =	vst v63  }
0x2aa: {  	s3 =	sadd.s32 s31, s3;
	s4 =	sand.u32 $0x1FFFFFF0, s4;
	s20 =	sld [smem:$0x7F7]  }
0x2ab: {  	[tilespmem:s19], [sflag:$0x1] =	stream.linear.gather [hbm4b:s3+s5], $0x80, $0x38;
	[tilespmem:$0x11600] =	vst v63  }
0x2ac: {  	s21 =	sadd.s32 s11, s4;
	s22 =	sand.u32 $0x1FFFFF80, s6;
	s23 =	sld [smem:$0x7F8]  }
0x2ad: {  	[tilespmem:s20], [sflag:$0x1] =	stream.linear.gather [hbm4b:s21+s5], $0x80, $0x38;
	[tilespmem:$0x11600] =	vst v63  }
0x2ae: {  	s24 =	sadd.s32 s24, s22;
	s25 =	sld [smem:$0x7F9]  }
0x2af: {  	[tilespmem:s23], [sflag:$0x1] =	stream.linear.gather [hbm4b:s24+s5], $0x400, $0x38;
	[tilespmem:$0x11600] =	vst v63  }
0x2b0: {  	s26 =	sld [smem:$0x7FA];
	s3 =	sadd.s32 $0xF4280, s24  }
0x2b1: {  	[tilespmem:s25], [sflag:$0x1] =	stream.linear.gather [hbm4b:s3+s5], $0x400, $0x38;
	[tilespmem:$0x11600] =	vst v63  }
0x2b2: {  	s0 =	sshrl.u32 s6, $0x3;
	s2 =	sadd.s32 s18, s2;
	s4 =	sld [smem:$0x7FB]  }
0x2b3: {  	[tilespmem:s26], [sflag:$0x1] =	stream.linear.gather [hbm4b:s2+s5], $0x400, $0x38;
	[tilespmem:$0x11600] =	vst v63  }
0x2b4: {  	s0 =	sand.u32 $0x1FFFFFF0, s0;
	s6 =	sld [smem:$0x7FC];
	s2 =	sadd.s32 $0xF4280, s2  }
0x2b5: {  	[tilespmem:s4], [sflag:$0x1] =	stream.linear.gather [hbm4b:s2+s5], $0x400, $0x38;
	[tilespmem:$0x11600] =	vst v63  }
0x2b6: {  	s0 =	sadd.s32 s31, s0;
	s7 =	sld [smem:$0x7FD]  }
0x2b7: {  	[tilespmem:s6], [sflag:$0x1] =	stream.linear.gather [hbm4b:s0+s5], $0x80, $0x38;
	[tilespmem:$0x11600] =	vst v63  }
0x2b8: {  	s9 =	simm.s32 $0x1;
	s8 =	sadd.s32 s11, s1  }
0x2b9: {  	[tilespmem:s7], [sflag:$0x1] =	stream.linear.gather [hbm4b:s8+s5], $0x80, $0x38;
	[tilespmem:$0x11600] =	vst v63  }
0x2ba: {  	_ =	swait.ge [sflag:s9], $0x8000  }
0x2bb: {  	[sflag:s9] =	ssyncset.done $0x0  }
0x2bc: {  	[sflag:s9] =	ssyncadd.s32 $0xFFFF8000  }
0x2bd: {  	_ =	swait.ge [sflag:s9], $0x8000  }
0x2be: {  	[sflag:s9] =	ssyncset.done $0x0  }
0x2bf: {  	[sflag:s9] =	ssyncadd.s32 $0xFFFF8000  }
0x2c0: {  	_ =	swait.ge [sflag:s9], $0x800  }
0x2c1: {  	[sflag:s9] =	ssyncset.done $0x0  }
0x2c2: {  	[sflag:s9] =	ssyncadd.s32 $0xFFFFF800  }
0x2c3: {  	_ =	swait.ge [sflag:s9], $0x800  }
0x2c4: {  	s13 =	sld [smem:$0x7D1]  }
0x2c5: {  	s14 =	sld [smem:$0x7D0]  }
0x2c6: {  	s15 =	sld [smem:$0x7CF]  }
0x2c7: {  	s16 =	sld [smem:$0x7CE]  }
0x2c8: {  	s17 =	sld [smem:$0x7CD]  }
0x2c9: {  	s18 =	sld [smem:$0x7CC]  }
0x2ca: {  	s19 =	sld [smem:$0x7CB]  }
0x2cb: {  	s20 =	sld [smem:$0x7CA]  }
0x2cc: {  	s21 =	sld [smem:$0x7C9]  }
0x2cd: {  	s22 =	sld [smem:$0x7C8]  }
0x2ce: {  	s23 =	sld [smem:$0x7C7]  }
0x2cf: {  	s25 =	sld [smem:$0x7C6]  }
0x2d0: {  	v19 =	vor.u32 v0, v17;
	s26 =	sld [smem:$0x7C5]  }
0x2d1: {  	v20 =	vor.u32 v0, v18;
	s31 =	sld [smem:$0x7C4]  }
0x2d2: {  	v23 =	vor.u32 v2, v17;
	v24 =	vor.u32 v2, v18;
	v21 =	vor.u32 v1, v17;
	s2 =	sld [smem:$0x7C3]  }
0x2d3: {  	v25 =	vor.u32 v3, v17;
	v27 =	vor.u32 v4, v17;
	v22 =	vor.u32 v1, v18;
	[sflag:s9] =	ssyncset.done $0x0;
	s4 =	sld [smem:$0x7C2]  }
0x2d4: {  	v29 =	vor.u32 v5, v17;
	v46 =	vor.u32 v6, v17;
	v47 =	vor.u32 v7, v17;
	s10 =	simm.s32 $0x400;
	s6 =	sld [smem:$0x7C1];
	[sflag:s9] =	ssyncadd.s32 $0xFFFFF800  }
0x2d5: {  	v48 =	vor.u32 v8, v17;
	v50 =	vor.u32 v9, v17;
	v52 =	vor.u32 v10, v17;
	s11 =	simm.s32 $0x8400;
	s7 =	sld [smem:$0x7C0];
	v19 =	vld.idx.msk [tilespmem:v19+s10+$0x0], $0xffff  }
0x2d6: {  	v54 =	vor.u32 v11, v17;
	v56 =	vor.u32 v12, v17;
	v58 =	vor.u32 v13, v17;
	s8 =	sld [smem:$0x7BF];
	v20 =	vld.idx.msk [tilespmem:v20+s11+$0x0], $0xffff  }
0x2d7: {  	v60 =	vor.u32 v14, v17;
	v62 =	vor.u32 v15, v17;
	v17 =	vor.u32 v16, v17;
	s0 =	rddreg [dreg:$0x11];
	v21 =	vld.idx.msk [tilespmem:v21+s10+$0x0], $0xffff  }
0x2d8: {  	v26 =	vor.u32 v3, v18;
	s28 =	rddreg [dreg:$0xf];
	v22 =	vld.idx.msk [tilespmem:v22+s11+$0x0], $0xffff  }
0x2d9: {  	s29 =	rddreg [dreg:$0xe];
	v23 =	vld.idx.msk [tilespmem:v23+s10+$0x0], $0xffff  }
0x2da: {  	v28 =	vor.u32 v4, v18;
	s30 =	rddreg [dreg:$0xa];
	v24 =	vld.idx.msk [tilespmem:v24+s11+$0x0], $0xffff  }
0x2db: {  	s1 =	simm.s32 $0x10400;
	s9 =	sld [smem:$0x7BE];
	v25 =	vld.idx.msk [tilespmem:v25+s10+$0x0], $0xffff  }
0x2dc: {  	v30 =	vor.u32 v5, v18;
	v17 =	vld.idx.msk [tilespmem:v17+s1+$0x0], $0xffff;
	s1 =	rddreg [dreg:$0x9];
	v19 =	vmul.f32 v20, v19  }
0x2dd: {  	[smem:$0x78F] =	sst s13;
	v20 =	vld.idx.msk [tilespmem:v26+s11+$0x0], $0xffff  }
0x2de: {  	v31 =	vor.u32 v6, v18;
	v27 =	vld.idx.msk [tilespmem:v27+s10+$0x0], $0xffff;
	[smem:$0x790] =	sst s14;
	v21 =	vmul.f32 v22, v21;
	v19 =	vadd.f32 $0.0e+00, v19  }
0x2df: {  	[smem:$0x791] =	sst s15;
	v22 =	vld.idx.msk [tilespmem:v28+s11+$0x0], $0xffff  }
0x2e0: {  	v32 =	vor.u32 v7, v18;
	v29 =	vld.idx.msk [tilespmem:v29+s10+$0x0], $0xffff;
	[smem:$0x792] =	sst s16;
	v19 =	vadd.f32 v21, v19;
	v21 =	vmul.f32 v24, v23  }
0x2e1: {  	[smem:$0x793] =	sst s17;
	v23 =	vld.idx.msk [tilespmem:v30+s11+$0x0], $0xffff  }
0x2e2: {  	v49 =	vor.u32 v8, v18;
	[smem:$0x794] =	sst s18;
	v26 =	vld.idx.msk [tilespmem:v46+s10+$0x0], $0xffff;
	v20 =	vmul.f32 v20, v25;
	v19 =	vadd.f32 v21, v19  }
0x2e3: {  	[smem:$0x795] =	sst s19;
	v21 =	vld.idx.msk [tilespmem:v31+s11+$0x0], $0xffff  }
0x2e4: {  	v51 =	vor.u32 v9, v18;
	[smem:$0x796] =	sst s20;
	v28 =	vld.idx.msk [tilespmem:v47+s10+$0x0], $0xffff;
	v19 =	vadd.f32 v20, v19;
	v20 =	vmul.f32 v22, v27  }
0x2e5: {  	[smem:$0x797] =	sst s21;
	v22 =	vld.idx.msk [tilespmem:v32+s11+$0x0], $0xffff  }
0x2e6: {  	v53 =	vor.u32 v10, v18;
	[smem:$0x798] =	sst s22;
	v24 =	vld.idx.msk [tilespmem:v48+s10+$0x0], $0xffff;
	v19 =	vadd.f32 v20, v19;
	v20 =	vmul.f32 v23, v29  }
0x2e7: {  	[smem:$0x799] =	sst s23;
	v23 =	vld.idx.msk [tilespmem:v49+s11+$0x0], $0xffff  }
0x2e8: {  	v55 =	vor.u32 v11, v18;
	[smem:$0x79A] =	sst s25;
	v25 =	vld.idx.msk [tilespmem:v50+s10+$0x0], $0xffff;
	v19 =	vadd.f32 v20, v19;
	v20 =	vmul.f32 v21, v26  }
0x2e9: {  	s12 =	simm.s32 $0x400;
	[smem:$0x79B] =	sst s26;
	v21 =	vld.idx.msk [tilespmem:v51+s11+$0x0], $0xffff  }
0x2ea: {  	v57 =	vor.u32 v12, v18;
	[smem:$0x79C] =	sst s2;
	v27 =	vld.idx.msk [tilespmem:v52+s12+$0x0], $0xffff;
	v19 =	vadd.f32 v20, v19;
	v20 =	vmul.f32 v22, v28  }
0x2eb: {  	[smem:$0x79D] =	sst s4;
	v22 =	vld.idx.msk [tilespmem:v53+s11+$0x0], $0xffff  }
0x2ec: {  	v59 =	vor.u32 v13, v18;
	[smem:$0x79E] =	sst s6;
	v29 =	vld.idx.msk [tilespmem:v54+s12+$0x0], $0xffff;
	v19 =	vadd.f32 v20, v19;
	v20 =	vmul.f32 v23, v24  }
0x2ed: {  	[smem:$0x79F] =	sst s7;
	v23 =	vld.idx.msk [tilespmem:v55+s11+$0x0], $0xffff  }
0x2ee: {  	v61 =	vor.u32 v14, v18;
	[smem:$0x7A0] =	sst s8;
	v26 =	vld.idx.msk [tilespmem:v56+s12+$0x0], $0xffff;
	v19 =	vadd.f32 v20, v19;
	v20 =	vmul.f32 v21, v25  }
0x2ef: {  	s13 =	sld [smem:$0x7BA];
	v21 =	vld.idx.msk [tilespmem:v57+s11+$0x0], $0xffff  }
0x2f0: {  	v63 =	vor.u32 v15, v18;
	s14 =	sld [smem:$0x7B8];
	v28 =	vld.idx.msk [tilespmem:v58+s12+$0x0], $0xffff;
	v19 =	vadd.f32 v20, v19;
	v20 =	vmul.f32 v22, v27  }
0x2f1: {  	s15 =	sld [smem:$0x7B6];
	v22 =	vld.idx.msk [tilespmem:v59+s11+$0x0], $0xffff  }
0x2f2: {  	s16 =	sld [smem:$0x7B5];
	v24 =	vld.idx.msk [tilespmem:v60+s12+$0x0], $0xffff;
	v19 =	vadd.f32 v20, v19;
	v20 =	vmul.f32 v23, v29  }
0x2f3: {  	s17 =	sld [smem:$0x7B4];
	v23 =	vld.idx.msk [tilespmem:v61+s11+$0x0], $0xffff  }
0x2f4: {  	s24 =	simm.s32 $0x8400;
	s18 =	sld [smem:$0x7B3];
	v25 =	vld.idx.msk [tilespmem:v62+s12+$0x0], $0xffff;
	v19 =	vadd.f32 v20, v19;
	v20 =	vmul.f32 v21, v26  }
0x2f5: {  	s19 =	sld [smem:$0x7B2];
	v21 =	vld.idx.msk [tilespmem:v63+s24+$0x0], $0xffff  }
0x2f6: {  	v18 =	vor.u32 v16, v18;
	s8 =	sld [smem:$0x7B1];
	v19 =	vadd.f32 v20, v19;
	v20 =	vmul.f32 v22, v28  }
0x2f7: {  	s20 =	sld [smem:$0x78B]  }
0x2f8: {  	s21 =	rddreg [dreg:$0x1f];
	v19 =	vadd.f32 v20, v19;
	v20 =	vmul.f32 v23, v24  }
0x2f9: {  	s22 =	rddreg [dreg:$0x1e]  }
0x2fa: {  	s3 =	simm.s32 $0x10C00;
	s23 =	rddreg [dreg:$0x1d];
	v19 =	vadd.f32 v20, v19;
	v20 =	vmul.f32 v21, v25  }
0x2fb: {  	v18 =	vld.idx.msk [tilespmem:v18+s3+$0x0], $0xffff;
	s25 =	rddreg [dreg:$0x1b]  }
0x2fc: {  	s7 =	rddreg [dreg:$0x1a];
	v19 =	vadd.f32 v20, v19  }
0x2fd: {  	s2 =	rddreg [dreg:$0x8]  }
0x2fe: {  	[smem:$0x7A1] =	sst s9;
	v17 =	vadd.f32 v19, v17  }
0x2ff: {  	[smem:$0x7AC] =	sst s21  }
0x300: {  	[smem:$0x7AD] =	sst s22;
	v17 =	vadd.f32 v17, v18  }
0x301: {  	[smem:$0x7AE] =	sst s23  }
0x302: {  	[smem:$0x7B0] =	sst s25;
	v17 =	vmax.f32 v17, $0.0e+00  }
0x303: {  	s9 =	rddreg [dreg:$0xb];
	v17 =	vmul.f32 $-2.000000000e+00, v17  }
0x304: {  	s22 =	sld [smem:$0x78C]  }
0x305: {  	[smem:$0x7A5] =	sst s13;
	v17 =	vmul.f32 $1.442695020e+00, v17  }
0x306: {  	[smem:$0x7A6] =	sst s14  }
0x307: {  	[smem:$0x7A7] =	sst s15;
	(erf) = vpow2.f32 v17  }
0x308: {  	[smem:$0x7A8] =	sst s16  }
0x309: {  	[smem:$0x7A9] =	sst s17  }
0x30a: {  	[smem:$0x7AA] =	sst s18  }
0x30b: {  	[smem:$0x7AB] =	sst s19  }
0x30c: {  	s13 =	rddreg [dreg:$0x17]  }
0x30d: {  	s14 =	rddreg [dreg:$0x16]  }
0x30e: {  	s15 =	rddreg [dreg:$0x15]  }
0x30f: {  	s16 =	rddreg [dreg:$0x13]  }
0x310: {  	s18 =	rddreg [dreg:$0x12];
	v21 =	vpop (erf)  }
0x311: {  	s26 =	sshra.s32 s20, $0x2;
	s10 =	sld [smem:$0x7BD];
	v22 =	vadd.f32 $1.000000000e+00, v21  }
0x312: {  	s17 =	rddreg [dreg:$0x10];
	v20 =	vld [tilespmem:s26+$0x0]  }
0x313: {  	s12 =	sld [smem:$0x7BB];
	(erf) = vrcp.f32 v22  }
0x314: {  	[smem:$0x7A2] =	sst s10;
	v19 =	vld [tilespmem:s26+$0x200]  }
0x315: {  	s10 =	sld [smem:$0x7B9]  }
0x316: {  	[smem:$0x7A4] =	sst s12  }
0x317: {  	s11 =	sld [smem:$0x7BC];
	(v2sf) =	vpush v20, $0x0  }
.Ltmp0:
0x318: {  	s12 =	rddreg [dreg:$0x18];
	(v2sf) =	vpush v20, $0x1;
	(pc) =	sbr.rel @p0 .LBB2_2-.Ltmp0, $4  }
0x319: {  	s24 =	rddreg [dreg:$0x1c];
	(v2sf) =	vpush v19, $0x0  }
0x31a: {  	[smem:$0x7A3] =	sst s11;
	(v2sf) =	vpush v19, $0x1  }
0x31b: {  	[smem:$0x7AF] =	sst s24;
	v18 =	vand.u32 $0x7F, v19;
	(v2sf) =	vpush v20, $0x2  }
0x31c: {  	s24 =	rddreg [dreg:$0xd];
	(v2sf) =	vpush v19, $0x2;
	v17 =	vand.u32 $0x7F, v20;
	v21 =	vsub.f32 $1.000000000e+00, v21;
	v22 =	vpop (erf)  }
0x31d: {  	_ =	sdelay $0x7  }
0x31e: {  	s6 =	sld [smem:$0x78E]  }
0x31f: {  	v21 =	vmul.f32 v22, v21;
	s3 =	spop (v2sf)  }
0x320: {  	s20 =	rddreg [dreg:$0x1];
	s4 =	sand.u32 $0x1FFFFF80, s3  }
0x321: {  	s21 =	simm.s32 $0x400;
	[tilespmem:s6+$0x11400] =	vst v21;
	s4 =	sadd.s32 s20, s4  }
0x322: {  	[tilespmem:s21], [sflag:$0x1] =	stream.linear.gather [hbm4b:s4+s5], $0x400, $0x38;
	[tilespmem:$0x11600] =	vst v63  }
0x323: {  	s23 =	rddreg [dreg:$0x7];
	s4 =	sadd.s32 $0xF4280, s4  }
0x324: {  	[tilespmem:s23], [sflag:$0x1] =	stream.linear.gather [hbm4b:s4+s5], $0x400, $0x38;
	[tilespmem:$0x11600] =	vst v63  }
0x325: {  	s4 =	spop (v2sf)  }
0x326: {  	s25 =	spop (v2sf)  }
0x327: {  	s11 =	rddreg [dreg:$0x2];
	s19 =	sand.u32 $0x1FFFFF80, s25  }
0x328: {  	s22 =	simm.s32 $0x8400;
	s19 =	sadd.s32 s11, s19  }
0x329: {  	[tilespmem:s22], [sflag:$0x1] =	stream.linear.gather [hbm4b:s19+s5], $0x400, $0x38;
	[tilespmem:$0x11600] =	vst v63  }
0x32a: {  	s23 =	sshrl.u32 s3, $0x3;
	s19 =	sadd.s32 $0xF4280, s19  }
0x32b: {  	[tilespmem:s2], [sflag:$0x1] =	stream.linear.gather [hbm4b:s19+s5], $0x400, $0x38;
	[tilespmem:$0x11600] =	vst v63  }
0x32c: {  	s2 =	sand.u32 $0x1FFFFFF0, s23;
	s19 =	rddreg [dreg:$0x3]  }
0x32d: {  	s25 =	sshrl.u32 s25, $0x3;
	s23 =	simm.s32 $0x10400;
	s2 =	sadd.s32 s19, s2  }
0x32e: {  	[tilespmem:s23], [sflag:$0x1] =	stream.linear.gather [hbm4b:s2+s5], $0x80, $0x38;
	[tilespmem:$0x11600] =	vst v63  }
0x32f: {  	s6 =	rddreg [dreg:$0x4];
	s2 =	sand.u32 $0x1FFFFFF0, s25  }
0x330: {  	s3 =	sand.u32 $0x1FFFFF80, s4;
	s25 =	simm.s32 $0x10C00;
	s2 =	sadd.s32 s6, s2  }
0x331: {  	[tilespmem:s25], [sflag:$0x1] =	stream.linear.gather [hbm4b:s2+s5], $0x80, $0x38;
	[tilespmem:$0x11600] =	vst v63  }
0x332: {  	s2 =	sadd.s32 s20, s3  }
0x333: {  	[tilespmem:s1], [sflag:$0x1] =	stream.linear.gather [hbm4b:s2+s5], $0x400, $0x38;
	[tilespmem:$0x11600] =	vst v63  }
0x334: {  	s1 =	spop (v2sf)  }
0x335: {  	s2 =	sadd.s32 $0xF4280, s2;
	s3 =	sand.u32 $0x1FFFFF80, s1  }
0x336: {  	[tilespmem:s30], [sflag:$0x1] =	stream.linear.gather [hbm4b:s2+s5], $0x400, $0x38;
	[tilespmem:$0x11600] =	vst v63  }
0x337: {  	s2 =	sadd.s32 s11, s3  }
0x338: {  	[tilespmem:s9], [sflag:$0x1] =	stream.linear.gather [hbm4b:s2+s5], $0x400, $0x38;
	[tilespmem:$0x11600] =	vst v63  }
0x339: {  	s4 =	sshrl.u32 s4, $0x3;
	s30 =	rddreg [dreg:$0xc];
	s2 =	sadd.s32 $0xF4280, s2  }
0x33a: {  	[tilespmem:s30], [sflag:$0x1] =	stream.linear.gather [hbm4b:s2+s5], $0x400, $0x38;
	[tilespmem:$0x11600] =	vst v63  }
0x33b: {  	s1 =	sshrl.u32 s1, $0x3;
	s2 =	sand.u32 $0x1FFFFFF0, s4  }
0x33c: {  	s1 =	sand.u32 $0x1FFFFFF0, s1;
	s9 =	spop (v2sf);
	s2 =	sadd.s32 s19, s2  }
0x33d: {  	(v2sf) =	vpush v20, $0x3;
	[tilespmem:s24], [sflag:$0x1] =	stream.linear.gather [hbm4b:s2+s5], $0x80, $0x38;
	[tilespmem:$0x11600] =	vst v63  }
0x33e: {  	s1 =	sadd.s32 s6, s1;
	s24 =	sand.u32 $0x1FFFFF80, s9  }
0x33f: {  	[tilespmem:s29], [sflag:$0x1] =	stream.linear.gather [hbm4b:s1+s5], $0x80, $0x38;
	[tilespmem:$0x11600] =	vst v63  }
0x340: {  	s2 =	sadd.s32 s20, s24  }
0x341: {  	[tilespmem:s28], [sflag:$0x1] =	stream.linear.gather [hbm4b:s2+s5], $0x400, $0x38;
	[tilespmem:$0x11600] =	vst v63  }
0x342: {  	s28 =	spop (v2sf)  }
0x343: {  	s2 =	sadd.s32 $0xF4280, s2;
	s29 =	sand.u32 $0x1FFFFF80, s28  }
0x344: {  	(v2sf) =	vpush v19, $0x3;
	[tilespmem:s17], [sflag:$0x1] =	stream.linear.gather [hbm4b:s2+s5], $0x400, $0x38;
	[tilespmem:$0x11600] =	vst v63  }
0x345: {  	s3 =	sadd.s32 s11, s29  }
0x346: {  	[tilespmem:s0], [sflag:$0x1] =	stream.linear.gather [hbm4b:s3+s5], $0x400, $0x38;
	[tilespmem:$0x11600] =	vst v63  }
0x347: {  	s30 =	sadd.s32 $0xF4280, s3;
	s3 =	sshrl.u32 s9, $0x3  }
0x348: {  	s0 =	sand.u32 $0x1FFFFFF0, s3  }
0x349: {  	[tilespmem:s18], [sflag:$0x1] =	stream.linear.gather [hbm4b:s30+s5], $0x400, $0x38;
	[tilespmem:$0x11600] =	vst v63  }
0x34a: {  	s4 =	sshrl.u32 s28, $0x3;
	s0 =	sadd.s32 s19, s0  }
0x34b: {  	[tilespmem:s16], [sflag:$0x1] =	stream.linear.gather [hbm4b:s0+s5], $0x80, $0x38;
	[tilespmem:$0x11600] =	vst v63  }
0x34c: {  	s0 =	sand.u32 $0x1FFFFFF0, s4;
	s16 =	spop (v2sf)  }
0x34d: {  	s9 =	rddreg [dreg:$0x14];
	(v2sf) =	vpush v20, $0x4;
	s0 =	sadd.s32 s6, s0;
	s17 =	sand.u32 $0x1FFFFF80, s16  }
0x34e: {  	[tilespmem:s9], [sflag:$0x1] =	stream.linear.gather [hbm4b:s0+s5], $0x80, $0x38;
	[tilespmem:$0x11600] =	vst v63  }
0x34f: {  	s1 =	sadd.s32 s20, s17  }
0x350: {  	[tilespmem:s15], [sflag:$0x1] =	stream.linear.gather [hbm4b:s1+s5], $0x400, $0x38;
	[tilespmem:$0x11600] =	vst v63  }
0x351: {  	s1 =	sadd.s32 $0xF4280, s1  }
0x352: {  	[tilespmem:s14], [sflag:$0x1] =	stream.linear.gather [hbm4b:s1+s5], $0x400, $0x38;
	[tilespmem:$0x11600] =	vst v63  }
0x353: {  	s18 =	spop (v2sf)  }
0x354: {  	(v2sf) =	vpush v19, $0x4;
	s24 =	sand.u32 $0x1FFFFF80, s18  }
0x355: {  	s0 =	sshrl.u32 s16, $0x3;
	s2 =	sadd.s32 s11, s24  }
0x356: {  	[tilespmem:s13], [sflag:$0x1] =	stream.linear.gather [hbm4b:s2+s5], $0x400, $0x38;
	[tilespmem:$0x11600] =	vst v63  }
0x357: {  	s0 =	sand.u32 $0x1FFFFFF0, s0;
	s2 =	sadd.s32 $0xF4280, s2  }
0x358: {  	[tilespmem:s12], [sflag:$0x1] =	stream.linear.gather [hbm4b:s2+s5], $0x400, $0x38;
	[tilespmem:$0x11600] =	vst v63  }
0x359: {  	s28 =	rddreg [dreg:$0x19];
	s0 =	sadd.s32 s19, s0;
	s29 =	sshrl.u32 s18, $0x3  }
0x35a: {  	[tilespmem:s28], [sflag:$0x1] =	stream.linear.gather [hbm4b:s0+s5], $0x80, $0x38;
	[tilespmem:$0x11600] =	vst v63  }
0x35b: {  	s0 =	sand.u32 $0x1FFFFFF0, s29  }
0x35c: {  	s3 =	sld [smem:$0x7B0];
	s0 =	sadd.s32 s6, s0;
	s30 =	spop (v2sf)  }
0x35d: {  	(v2sf) =	vpush v20, $0x5;
	[tilespmem:s7], [sflag:$0x1] =	stream.linear.gather [hbm4b:s0+s5], $0x80, $0x38;
	[tilespmem:$0x11600] =	vst v63  }
0x35e: {  	s2 =	sand.u32 $0x1FFFFF80, s30  }
0x35f: {  	s4 =	sld [smem:$0x7AF];
	s1 =	sadd.s32 s20, s2  }
0x360: {  	[tilespmem:s3], [sflag:$0x1] =	stream.linear.gather [hbm4b:s1+s5], $0x400, $0x38;
	[tilespmem:$0x11600] =	vst v63  }
0x361: {  	s1 =	sadd.s32 $0xF4280, s1  }
0x362: {  	[tilespmem:s4], [sflag:$0x1] =	stream.linear.gather [hbm4b:s1+s5], $0x400, $0x38;
	[tilespmem:$0x11600] =	vst v63  }
0x363: {  	s12 =	sld [smem:$0x7AE];
	s7 =	spop (v2sf)  }
0x364: {  	(v2sf) =	vpush v19, $0x5;
	s9 =	sand.u32 $0x1FFFFF80, s7  }
0x365: {  	s13 =	sld [smem:$0x7AD];
	s0 =	sshrl.u32 s30, $0x3;
	s2 =	sadd.s32 s11, s9  }
0x366: {  	[tilespmem:s12], [sflag:$0x1] =	stream.linear.gather [hbm4b:s2+s5], $0x400, $0x38;
	[tilespmem:$0x11600] =	vst v63  }
0x367: {  	s14 =	sld [smem:$0x7AC];
	s0 =	sand.u32 $0x1FFFFFF0, s0;
	s2 =	sadd.s32 $0xF4280, s2  }
0x368: {  	[tilespmem:s13], [sflag:$0x1] =	stream.linear.gather [hbm4b:s2+s5], $0x400, $0x38;
	[tilespmem:$0x11600] =	vst v63  }
0x369: {  	s0 =	sadd.s32 s19, s0;
	s15 =	sshrl.u32 s7, $0x3  }
0x36a: {  	[tilespmem:s14], [sflag:$0x1] =	stream.linear.gather [hbm4b:s0+s5], $0x80, $0x38;
	[tilespmem:$0x11600] =	vst v63  }
0x36b: {  	s0 =	sand.u32 $0x1FFFFFF0, s15  }
0x36c: {  	s18 =	sld [smem:$0x7AB];
	s0 =	sadd.s32 s6, s0;
	s16 =	spop (v2sf)  }
0x36d: {  	(v2sf) =	vpush v20, $0x6;
	[tilespmem:s8], [sflag:$0x1] =	stream.linear.gather [hbm4b:s0+s5], $0x80, $0x38;
	[tilespmem:$0x11600] =	vst v63  }
0x36e: {  	s17 =	sand.u32 $0x1FFFFF80, s16  }
0x36f: {  	s24 =	sld [smem:$0x7AA];
	s1 =	sadd.s32 s20, s17  }
0x370: {  	[tilespmem:s18], [sflag:$0x1] =	stream.linear.gather [hbm4b:s1+s5], $0x400, $0x38;
	[tilespmem:$0x11600] =	vst v63  }
0x371: {  	s1 =	sadd.s32 $0xF4280, s1  }
0x372: {  	[tilespmem:s24], [sflag:$0x1] =	stream.linear.gather [hbm4b:s1+s5], $0x400, $0x38;
	[tilespmem:$0x11600] =	vst v63  }
0x373: {  	s30 =	sld [smem:$0x7A9];
	s28 =	spop (v2sf)  }
0x374: {  	(v2sf) =	vpush v19, $0x6;
	s29 =	sand.u32 $0x1FFFFF80, s28  }
0x375: {  	s4 =	sld [smem:$0x7A8];
	s0 =	sshrl.u32 s16, $0x3;
	s2 =	sadd.s32 s11, s29  }
0x376: {  	[tilespmem:s30], [sflag:$0x1] =	stream.linear.gather [hbm4b:s2+s5], $0x400, $0x38;
	[tilespmem:$0x11600] =	vst v63  }
0x377: {  	s7 =	sld [smem:$0x7A7];
	s0 =	sand.u32 $0x1FFFFFF0, s0;
	s2 =	sadd.s32 $0xF4280, s2  }
0x378: {  	[tilespmem:s4], [sflag:$0x1] =	stream.linear.gather [hbm4b:s2+s5], $0x400, $0x38;
	[tilespmem:$0x11600] =	vst v63  }
0x379: {  	s9 =	sld [smem:$0x7B7];
	s0 =	sadd.s32 s19, s0;
	s8 =	sshrl.u32 s28, $0x3  }
0x37a: {  	[tilespmem:s7], [sflag:$0x1] =	stream.linear.gather [hbm4b:s0+s5], $0x80, $0x38;
	[tilespmem:$0x11600] =	vst v63  }
0x37b: {  	s0 =	sand.u32 $0x1FFFFFF0, s8  }
0x37c: {  	s14 =	sld [smem:$0x7A6];
	s0 =	sadd.s32 s6, s0;
	s12 =	spop (v2sf)  }
0x37d: {  	(v2sf) =	vpush v20, $0x7;
	[tilespmem:s9], [sflag:$0x1] =	stream.linear.gather [hbm4b:s0+s5], $0x80, $0x38;
	[tilespmem:$0x11600] =	vst v63  }
0x37e: {  	s13 =	sand.u32 $0x1FFFFF80, s12  }
0x37f: {  	s1 =	sadd.s32 s20, s13  }
0x380: {  	[tilespmem:s14], [sflag:$0x1] =	stream.linear.gather [hbm4b:s1+s5], $0x400, $0x38;
	[tilespmem:$0x11600] =	vst v63  }
0x381: {  	s1 =	sadd.s32 $0xF4280, s1  }
0x382: {  	[tilespmem:s10], [sflag:$0x1] =	stream.linear.gather [hbm4b:s1+s5], $0x400, $0x38;
	[tilespmem:$0x11600] =	vst v63  }
0x383: {  	s17 =	sld [smem:$0x7A5];
	s15 =	spop (v2sf)  }
0x384: {  	(v2sf) =	vpush v19, $0x7;
	s16 =	sand.u32 $0x1FFFFF80, s15  }
0x385: {  	s18 =	sld [smem:$0x7A4];
	s0 =	sshrl.u32 s12, $0x3;
	s2 =	sadd.s32 s11, s16  }
0x386: {  	[tilespmem:s17], [sflag:$0x1] =	stream.linear.gather [hbm4b:s2+s5], $0x400, $0x38;
	[tilespmem:$0x11600] =	vst v63  }
0x387: {  	s24 =	sld [smem:$0x7A3];
	s0 =	sand.u32 $0x1FFFFFF0, s0;
	s2 =	sadd.s32 $0xF4280, s2  }
0x388: {  	[tilespmem:s18], [sflag:$0x1] =	stream.linear.gather [hbm4b:s2+s5], $0x400, $0x38;
	[tilespmem:$0x11600] =	vst v63  }
0x389: {  	s29 =	sld [smem:$0x7A2];
	s0 =	sadd.s32 s19, s0;
	s28 =	sshrl.u32 s15, $0x3  }
0x38a: {  	[tilespmem:s24], [sflag:$0x1] =	stream.linear.gather [hbm4b:s0+s5], $0x80, $0x38;
	[tilespmem:$0x11600] =	vst v63  }
0x38b: {  	s0 =	sand.u32 $0x1FFFFFF0, s28  }
0x38c: {  	s7 =	sld [smem:$0x7A1];
	s0 =	sadd.s32 s6, s0;
	s30 =	spop (v2sf)  }
0x38d: {  	(v2sf) =	vpush v20, $0x8;
	[tilespmem:s29], [sflag:$0x1] =	stream.linear.gather [hbm4b:s0+s5], $0x80, $0x38;
	[tilespmem:$0x11600] =	vst v63  }
0x38e: {  	s4 =	sand.u32 $0x1FFFFF80, s30  }
0x38f: {  	s8 =	sld [smem:$0x7A0];
	s1 =	sadd.s32 s20, s4  }
0x390: {  	[tilespmem:s7], [sflag:$0x1] =	stream.linear.gather [hbm4b:s1+s5], $0x400, $0x38;
	[tilespmem:$0x11600] =	vst v63  }
0x391: {  	s1 =	sadd.s32 $0xF4280, s1  }
0x392: {  	[tilespmem:s8], [sflag:$0x1] =	stream.linear.gather [hbm4b:s1+s5], $0x400, $0x38;
	[tilespmem:$0x11600] =	vst v63  }
0x393: {  	s12 =	sld [smem:$0x79F];
	s9 =	spop (v2sf)  }
0x394: {  	(v2sf) =	vpush v19, $0x8;
	s10 =	sand.u32 $0x1FFFFF80, s9  }
0x395: {  	s13 =	sld [smem:$0x79E];
	s0 =	sshrl.u32 s30, $0x3;
	s2 =	sadd.s32 s11, s10  }
0x396: {  	[tilespmem:s12], [sflag:$0x1] =	stream.linear.gather [hbm4b:s2+s5], $0x400, $0x38;
	[tilespmem:$0x11600] =	vst v63  }
0x397: {  	s14 =	sld [smem:$0x79D];
	s0 =	sand.u32 $0x1FFFFFF0, s0;
	s2 =	sadd.s32 $0xF4280, s2  }
0x398: {  	[tilespmem:s13], [sflag:$0x1] =	stream.linear.gather [hbm4b:s2+s5], $0x400, $0x38;
	[tilespmem:$0x11600] =	vst v63  }
0x399: {  	s16 =	sld [smem:$0x79C];
	s0 =	sadd.s32 s19, s0;
	s15 =	sshrl.u32 s9, $0x3  }
0x39a: {  	[tilespmem:s14], [sflag:$0x1] =	stream.linear.gather [hbm4b:s0+s5], $0x80, $0x38;
	[tilespmem:$0x11600] =	vst v63  }
0x39b: {  	s0 =	sand.u32 $0x1FFFFFF0, s15  }
0x39c: {  	s0 =	sadd.s32 s6, s0;
	s17 =	spop (v2sf)  }
0x39d: {  	(v2sf) =	vpush v20, $0x9;
	[tilespmem:s16], [sflag:$0x1] =	stream.linear.gather [hbm4b:s0+s5], $0x80, $0x38;
	[tilespmem:$0x11600] =	vst v63  }
0x39e: {  	s24 =	sld [smem:$0x79B];
	s18 =	sand.u32 $0x1FFFFF80, s17  }
0x39f: {  	s30 =	sld [smem:$0x79A];
	s1 =	sadd.s32 s20, s18  }
0x3a0: {  	[tilespmem:s31], [sflag:$0x1] =	stream.linear.gather [hbm4b:s1+s5], $0x400, $0x38;
	[tilespmem:$0x11600] =	vst v63  }
0x3a1: {  	s4 =	sld [smem:$0x798];
	s1 =	sadd.s32 $0xF4280, s1  }
0x3a2: {  	[tilespmem:s24], [sflag:$0x1] =	stream.linear.gather [hbm4b:s1+s5], $0x400, $0x38;
	[tilespmem:$0x11600] =	vst v63  }
0x3a3: {  	s8 =	sld [smem:$0x797];
	s28 =	spop (v2sf)  }
0x3a4: {  	s12 =	sld [smem:$0x796];
	(v2sf) =	vpush v19, $0x9;
	s29 =	sand.u32 $0x1FFFFF80, s28  }
0x3a5: {  	s0 =	sshrl.u32 s17, $0x3;
	s31 =	sld [smem:$0x799];
	s2 =	sadd.s32 s11, s29  }
0x3a6: {  	[tilespmem:s30], [sflag:$0x1] =	stream.linear.gather [hbm4b:s2+s5], $0x400, $0x38;
	[tilespmem:$0x11600] =	vst v63  }
0x3a7: {  	s13 =	sld [smem:$0x795];
	s0 =	sand.u32 $0x1FFFFFF0, s0;
	s2 =	sadd.s32 $0xF4280, s2  }
0x3a8: {  	(v2sf) =	vpush v20, $0xA;
	[tilespmem:s31], [sflag:$0x1] =	stream.linear.gather [hbm4b:s2+s5], $0x400, $0x38;
	[tilespmem:$0x11600] =	vst v63  }
0x3a9: {  	s16 =	sld [smem:$0x794];
	s0 =	sadd.s32 s19, s0;
	s7 =	sshrl.u32 s28, $0x3  }
0x3aa: {  	[tilespmem:s4], [sflag:$0x1] =	stream.linear.gather [hbm4b:s0+s5], $0x80, $0x38;
	[tilespmem:$0x11600] =	vst v63  }
0x3ab: {  	s17 =	sld [smem:$0x793];
	s0 =	sand.u32 $0x1FFFFFF0, s7  }
0x3ac: {  	s18 =	sld [smem:$0x792];
	s0 =	sadd.s32 s6, s0;
	s9 =	spop (v2sf)  }
0x3ad: {  	[tilespmem:s8], [sflag:$0x1] =	stream.linear.gather [hbm4b:s0+s5], $0x80, $0x38;
	[tilespmem:$0x11600] =	vst v63  }
0x3ae: {  	s29 =	sld [smem:$0x791];
	s10 =	sand.u32 $0x1FFFFF80, s9  }
0x3af: {  	s7 =	sld [smem:$0x790];
	(v2sf) =	vpush v19, $0xA;
	s1 =	sadd.s32 s20, s10  }
0x3b0: {  	[tilespmem:s12], [sflag:$0x1] =	stream.linear.gather [hbm4b:s1+s5], $0x400, $0x38;
	[tilespmem:$0x11600] =	vst v63  }
0x3b1: {  	s0 =	sshrl.u32 s9, $0x3;
	s8 =	sld [smem:$0x7D2];
	s1 =	sadd.s32 $0xF4280, s1  }
0x3b2: {  	[tilespmem:s13], [sflag:$0x1] =	stream.linear.gather [hbm4b:s1+s5], $0x400, $0x38;
	[tilespmem:$0x11600] =	vst v63  }
0x3b3: {  	s9 =	sld [smem:$0x78F];
	s0 =	sand.u32 $0x1FFFFFF0, s0;
	s14 =	spop (v2sf)  }
0x3b4: {  	s12 =	sld [smem:$0x7D3];
	s15 =	sand.u32 $0x1FFFFF80, s14  }
0x3b5: {  	s0 =	sadd.s32 s19, s0;
	s13 =	sld [smem:$0x7D4];
	s2 =	sadd.s32 s11, s15  }
0x3b6: {  	[tilespmem:s16], [sflag:$0x1] =	stream.linear.gather [hbm4b:s2+s5], $0x400, $0x38;
	[tilespmem:$0x11600] =	vst v63  }
0x3b7: {  	(v2sf) =	vpush v20, $0xB;
	s24 =	sshrl.u32 s14, $0x3;
	s28 =	spop (v2sf);
	s2 =	sadd.s32 $0xF4280, s2  }
0x3b8: {  	[tilespmem:s17], [sflag:$0x1] =	stream.linear.gather [hbm4b:s2+s5], $0x400, $0x38;
	[tilespmem:$0x11600] =	vst v63  }
0x3b9: {  	(v2sf) =	vpush v19, $0xB;
	s30 =	sand.u32 $0x1FFFFF80, s28;
	s1 =	sshrl.u32 s28, $0x3;
	s15 =	sld [smem:$0x7D5]  }
0x3ba: {  	[tilespmem:s18], [sflag:$0x1] =	stream.linear.gather [hbm4b:s0+s5], $0x80, $0x38;
	[tilespmem:$0x11600] =	vst v63  }
0x3bb: {  	s28 =	sld [smem:$0x7D8];
	s1 =	sand.u32 $0x1FFFFFF0, s1;
	s0 =	sand.u32 $0x1FFFFFF0, s24  }
0x3bc: {  	s1 =	sadd.s32 s19, s1;
	s17 =	sld [smem:$0x7D6];
	s0 =	sadd.s32 s6, s0  }
0x3bd: {  	[tilespmem:s29], [sflag:$0x1] =	stream.linear.gather [hbm4b:s0+s5], $0x80, $0x38;
	[tilespmem:$0x11600] =	vst v63  }
0x3be: {  	s24 =	sld [smem:$0x7D7];
	s31 =	spop (v2sf);
	s0 =	sadd.s32 s20, s30  }
0x3bf: {  	[tilespmem:s7], [sflag:$0x1] =	stream.linear.gather [hbm4b:s0+s5], $0x400, $0x38;
	[tilespmem:$0x11600] =	vst v63  }
0x3c0: {  	s10 =	sand.u32 $0x1FFFFF80, s31;
	s30 =	sld [smem:$0x7D9];
	s0 =	sadd.s32 $0xF4280, s0  }
0x3c1: {  	[tilespmem:s9], [sflag:$0x1] =	stream.linear.gather [hbm4b:s0+s5], $0x400, $0x38;
	[tilespmem:$0x11600] =	vst v63  }
0x3c2: {  	s2 =	sshrl.u32 s31, $0x3;
	s31 =	sld [smem:$0x7DA];
	s0 =	sadd.s32 s11, s10  }
0x3c3: {  	(v2sf) =	vpush v20, $0xC;
	[tilespmem:s8], [sflag:$0x1] =	stream.linear.gather [hbm4b:s0+s5], $0x400, $0x38;
	[tilespmem:$0x11600] =	vst v63  }
0x3c4: {  	s2 =	sand.u32 $0x1FFFFFF0, s2;
	s10 =	sld [smem:$0x7DC];
	s0 =	sadd.s32 $0xF4280, s0  }
0x3c5: {  	[tilespmem:s12], [sflag:$0x1] =	stream.linear.gather [hbm4b:s0+s5], $0x400, $0x38;
	[tilespmem:$0x11600] =	vst v63  }
0x3c6: {  	s2 =	sadd.s32 s6, s2;
	s14 =	spop (v2sf);
	s8 =	sld [smem:$0x7DB]  }
0x3c7: {  	(v2sf) =	vpush v19, $0xC;
	[tilespmem:s13], [sflag:$0x1] =	stream.linear.gather [hbm4b:s1+s5], $0x80, $0x38;
	[tilespmem:$0x11600] =	vst v63  }
0x3c8: {  	s16 =	sand.u32 $0x1FFFFF80, s14;
	s18 =	spop (v2sf);
	s0 =	sshrl.u32 s14, $0x3  }
0x3c9: {  	[tilespmem:s15], [sflag:$0x1] =	stream.linear.gather [hbm4b:s2+s5], $0x80, $0x38;
	[tilespmem:$0x11600] =	vst v63  }
0x3ca: {  	s29 =	sand.u32 $0x1FFFFF80, s18;
	s12 =	sld [smem:$0x7DD];
	s1 =	sadd.s32 s20, s16  }
0x3cb: {  	[tilespmem:s17], [sflag:$0x1] =	stream.linear.gather [hbm4b:s1+s5], $0x400, $0x38;
	[tilespmem:$0x11600] =	vst v63  }
0x3cc: {  	s14 =	sld [smem:$0x7DE];
	s0 =	sand.u32 $0x1FFFFFF0, s0;
	s1 =	sadd.s32 $0xF4280, s1  }
0x3cd: {  	(v2sf) =	vpush v20, $0xD;
	[tilespmem:s24], [sflag:$0x1] =	stream.linear.gather [hbm4b:s1+s5], $0x400, $0x38;
	[tilespmem:$0x11600] =	vst v63  }
0x3ce: {  	s0 =	sadd.s32 s19, s0;
	s2 =	sshrl.u32 s18, $0x3;
	s1 =	sadd.s32 s11, s29  }
0x3cf: {  	[tilespmem:s28], [sflag:$0x1] =	stream.linear.gather [hbm4b:s1+s5], $0x400, $0x38;
	[tilespmem:$0x11600] =	vst v63  }
0x3d0: {  	s18 =	sld [smem:$0x7E2];
	s2 =	sand.u32 $0x1FFFFFF0, s2;
	s1 =	sadd.s32 $0xF4280, s1  }
0x3d1: {  	[tilespmem:s30], [sflag:$0x1] =	stream.linear.gather [hbm4b:s1+s5], $0x400, $0x38;
	[tilespmem:$0x11600] =	vst v63  }
0x3d2: {  	s7 =	spop (v2sf);
	s2 =	sadd.s32 s6, s2;
	s17 =	sld [smem:$0x7E0]  }
0x3d3: {  	(v2sf) =	vpush v19, $0xD;
	[tilespmem:s31], [sflag:$0x1] =	stream.linear.gather [hbm4b:s0+s5], $0x80, $0x38;
	[tilespmem:$0x11600] =	vst v63  }
0x3d4: {  	s9 =	sand.u32 $0x1FFFFF80, s7;
	s28 =	sld [smem:$0x7E3];
	s1 =	sshrl.u32 s7, $0x3  }
0x3d5: {  	[tilespmem:s8], [sflag:$0x1] =	stream.linear.gather [hbm4b:s2+s5], $0x80, $0x38;
	[tilespmem:$0x11600] =	vst v63  }
0x3d6: {  	s30 =	sld [smem:$0x7E5];
	s13 =	spop (v2sf);
	s0 =	sadd.s32 s20, s9  }
0x3d7: {  	[tilespmem:s10], [sflag:$0x1] =	stream.linear.gather [hbm4b:s0+s5], $0x400, $0x38;
	[tilespmem:$0x11600] =	vst v63  }
0x3d8: {  	s7 =	sld [smem:$0x7E7];
	s15 =	sand.u32 $0x1FFFFF80, s13;
	s0 =	sadd.s32 $0xF4280, s0  }
0x3d9: {  	[tilespmem:s12], [sflag:$0x1] =	stream.linear.gather [hbm4b:s0+s5], $0x400, $0x38;
	[tilespmem:$0x11600] =	vst v63  }
0x3da: {  	s1 =	sand.u32 $0x1FFFFFF0, s1;
	s16 =	sshrl.u32 s13, $0x3;
	s0 =	sadd.s32 s11, s15  }
0x3db: {  	(v2sf) =	vpush v20, $0xE;
	[tilespmem:s14], [sflag:$0x1] =	stream.linear.gather [hbm4b:s0+s5], $0x400, $0x38;
	[tilespmem:$0x11600] =	vst v63  }
0x3dc: {  	s24 =	spop (v2sf);
	s8 =	sld [smem:$0x7E8];
	s0 =	sadd.s32 $0xF4280, s0  }
0x3dd: {  	[tilespmem:s17], [sflag:$0x1] =	stream.linear.gather [hbm4b:s0+s5], $0x400, $0x38;
	[tilespmem:$0x11600] =	vst v63  }
0x3de: {  	s1 =	sadd.s32 s19, s1;
	s2 =	sand.u32 $0x1FFFFFF0, s16;
	s16 =	sld [smem:$0x7EF]  }
0x3df: {  	(v2sf) =	vpush v19, $0xE;
	[tilespmem:s18], [sflag:$0x1] =	stream.linear.gather [hbm4b:s1+s5], $0x80, $0x38;
	[tilespmem:$0x11600] =	vst v63  }
0x3e0: {  	s29 =	sand.u32 $0x1FFFFF80, s24;
	s2 =	sadd.s32 s6, s2;
	s10 =	sld [smem:$0x7EA]  }
0x3e1: {  	[tilespmem:s28], [sflag:$0x1] =	stream.linear.gather [hbm4b:s2+s5], $0x80, $0x38;
	[tilespmem:$0x11600] =	vst v63  }
0x3e2: {  	s12 =	sld [smem:$0x7EC];
	s31 =	spop (v2sf);
	s1 =	sadd.s32 s20, s29  }
0x3e3: {  	[tilespmem:s30], [sflag:$0x1] =	stream.linear.gather [hbm4b:s1+s5], $0x400, $0x38;
	[tilespmem:$0x11600] =	vst v63  }
0x3e4: {  	s9 =	sand.u32 $0x1FFFFF80, s31;
	s14 =	sld [smem:$0x7ED];
	s1 =	sadd.s32 $0xF4280, s1  }
0x3e5: {  	[tilespmem:s7], [sflag:$0x1] =	stream.linear.gather [hbm4b:s1+s5], $0x400, $0x38;
	[tilespmem:$0x11600] =	vst v63  }
0x3e6: {  	s0 =	sshrl.u32 s24, $0x3;
	s24 =	sld [smem:$0x7F3];
	s1 =	sadd.s32 s11, s9  }
0x3e7: {  	(v2sf) =	vpush v20, $0xF;
	[tilespmem:s8], [sflag:$0x1] =	stream.linear.gather [hbm4b:s1+s5], $0x400, $0x38;
	[tilespmem:$0x11600] =	vst v63  }
0x3e8: {  	s0 =	sand.u32 $0x1FFFFFF0, s0;
	s2 =	sshrl.u32 s31, $0x3;
	s1 =	sadd.s32 $0xF4280, s1  }
0x3e9: {  	[tilespmem:s10], [sflag:$0x1] =	stream.linear.gather [hbm4b:s1+s5], $0x400, $0x38;
	[tilespmem:$0x11600] =	vst v63  }
0x3ea: {  	s0 =	sadd.s32 s19, s0;
	s13 =	spop (v2sf);
	s2 =	sand.u32 $0x1FFFFFF0, s2  }
0x3eb: {  	(v2sf) =	vpush v19, $0xF;
	[tilespmem:s12], [sflag:$0x1] =	stream.linear.gather [hbm4b:s0+s5], $0x80, $0x38;
	[tilespmem:$0x11600] =	vst v63  }
0x3ec: {  	s18 =	sld [smem:$0x7F1];
	s15 =	sand.u32 $0x1FFFFF80, s13;
	s2 =	sadd.s32 s6, s2  }
0x3ed: {  	[tilespmem:s14], [sflag:$0x1] =	stream.linear.gather [hbm4b:s2+s5], $0x80, $0x38;
	[tilespmem:$0x11600] =	vst v63  }
0x3ee: {  	s29 =	sld [smem:$0x7F5];
	s17 =	spop (v2sf);
	s0 =	sadd.s32 s20, s15  }
0x3ef: {  	[tilespmem:s16], [sflag:$0x1] =	stream.linear.gather [hbm4b:s0+s5], $0x400, $0x38;
	[tilespmem:$0x11600] =	vst v63  }
0x3f0: {  	s28 =	sand.u32 $0x1FFFFF80, s17;
	s30 =	sld [smem:$0x7F6];
	s0 =	sadd.s32 $0xF4280, s0  }
0x3f1: {  	[tilespmem:s18], [sflag:$0x1] =	stream.linear.gather [hbm4b:s0+s5], $0x400, $0x38;
	[tilespmem:$0x11600] =	vst v63  }
0x3f2: {  	s7 =	sld [smem:$0x7F7];
	s1 =	sshrl.u32 s13, $0x3;
	s0 =	sadd.s32 s11, s28  }
0x3f3: {  	[tilespmem:s24], [sflag:$0x1] =	stream.linear.gather [hbm4b:s0+s5], $0x400, $0x38;
	[tilespmem:$0x11600] =	vst v63  }
0x3f4: {  	s1 =	sand.u32 $0x1FFFFFF0, s1;
	s2 =	sshrl.u32 s17, $0x3;
	s0 =	sadd.s32 $0xF4280, s0  }
0x3f5: {  	[tilespmem:s29], [sflag:$0x1] =	stream.linear.gather [hbm4b:s0+s5], $0x400, $0x38;
	[tilespmem:$0x11600] =	vst v63  }
0x3f6: {  	s31 =	spop (v2sf);
	s1 =	sadd.s32 s19, s1;
	s2 =	sand.u32 $0x1FFFFFF0, s2  }
0x3f7: {  	[tilespmem:s30], [sflag:$0x1] =	stream.linear.gather [hbm4b:s1+s5], $0x80, $0x38;
	[tilespmem:$0x11600] =	vst v63  }
0x3f8: {  	s10 =	sld [smem:$0x7F8];
	s9 =	sand.u32 $0x1FFFFF80, s31;
	s8 =	sadd.s32 s6, s2  }
0x3f9: {  	[tilespmem:s7], [sflag:$0x1] =	stream.linear.gather [hbm4b:s8+s5], $0x80, $0x38;
	[tilespmem:$0x11600] =	vst v63  }
0x3fa: {  	s13 =	sld [smem:$0x7F9];
	s12 =	sadd.s32 s20, s9;
	s14 =	spop (v2sf)  }
0x3fb: {  	[tilespmem:s10], [sflag:$0x1] =	stream.linear.gather [hbm4b:s12+s5], $0x400, $0x38;
	[tilespmem:$0x11600] =	vst v63  }
0x3fc: {  	s15 =	sld [smem:$0x7FA];
	s16 =	sand.u32 $0x1FFFFF80, s14;
	s1 =	sadd.s32 $0xF4280, s12  }
0x3fd: {  	[tilespmem:s13], [sflag:$0x1] =	stream.linear.gather [hbm4b:s1+s5], $0x400, $0x38;
	[tilespmem:$0x11600] =	vst v63  }
0x3fe: {  	s17 =	sld [smem:$0x7FB];
	s0 =	sshrl.u32 s31, $0x3;
	s1 =	sadd.s32 s11, s16  }
0x3ff: {  	[tilespmem:s15], [sflag:$0x1] =	stream.linear.gather [hbm4b:s1+s5], $0x400, $0x38;
	[tilespmem:$0x11600] =	vst v63  }
0x400: {  	s18 =	sld [smem:$0x7FC];
	s0 =	sand.u32 $0x1FFFFFF0, s0;
	s1 =	sadd.s32 $0xF4280, s1  }
0x401: {  	[tilespmem:s17], [sflag:$0x1] =	stream.linear.gather [hbm4b:s1+s5], $0x400, $0x38;
	[tilespmem:$0x11600] =	vst v63  }
0x402: {  	s20 =	sld [smem:$0x7FD];
	s0 =	sadd.s32 s19, s0;
	s19 =	sshrl.u32 s14, $0x3  }
0x403: {  	[tilespmem:s18], [sflag:$0x1] =	stream.linear.gather [hbm4b:s0+s5], $0x80, $0x38;
	[tilespmem:$0x11600] =	vst v63  }
0x404: {  	s0 =	sand.u32 $0x1FFFFFF0, s19  }
0x405: {  	s24 =	simm.s32 $0x1;
	s0 =	sadd.s32 s6, s0  }
0x406: {  	[tilespmem:s20], [sflag:$0x1] =	stream.linear.gather [hbm4b:s0+s5], $0x80, $0x38;
	[tilespmem:$0x11600] =	vst v63  }
0x407: {  	_ =	swait.ge [sflag:s24], $0x8000  }
0x408: {  	[sflag:s24] =	ssyncset.done $0x0  }
0x409: {  	[sflag:s24] =	ssyncadd.s32 $0xFFFF8000  }
0x40a: {  	_ =	swait.ge [sflag:s24], $0x8000  }
0x40b: {  	[sflag:s24] =	ssyncset.done $0x0  }
0x40c: {  	[sflag:s24] =	ssyncadd.s32 $0xFFFF8000  }
0x40d: {  	_ =	swait.ge [sflag:s24], $0x800  }
0x40e: {  	v19 =	vor.u32 v0, v17;
	[sflag:s24] =	ssyncset.done $0x0  }
0x40f: {  	v46 =	vor.u32 v0, v18;
	[sflag:s24] =	ssyncadd.s32 $0xFFFFF800  }
0x410: {  	v47 =	vor.u32 v1, v17;
	_ =	swait.ge [sflag:s24], $0x800  }
0x411: {  	v48 =	vor.u32 v1, v18;
	[sflag:s24] =	ssyncset.done $0x0  }
0x412: {  	v23 =	vor.u32 v2, v17;
	[sflag:s24] =	ssyncadd.s32 $0xFFFFF800  }
0x413: {  	v24 =	vor.u32 v2, v18;
	v19 =	vld.idx.msk [tilespmem:v19+s21+$0x0], $0xffff  }
0x414: {  	v25 =	vor.u32 v3, v17;
	v20 =	vld.idx.msk [tilespmem:v46+s22+$0x0], $0xffff  }
0x415: {  	v26 =	vor.u32 v3, v18;
	v21 =	vld.idx.msk [tilespmem:v47+s21+$0x0], $0xffff  }
0x416: {  	v27 =	vor.u32 v4, v17;
	v22 =	vld.idx.msk [tilespmem:v48+s22+$0x0], $0xffff  }
0x417: {  	v28 =	vor.u32 v4, v18;
	v23 =	vld.idx.msk [tilespmem:v23+s21+$0x0], $0xffff  }
0x418: {  	v29 =	vor.u32 v5, v17;
	v24 =	vld.idx.msk [tilespmem:v24+s22+$0x0], $0xffff  }
0x419: {  	v30 =	vor.u32 v5, v18;
	v25 =	vld.idx.msk [tilespmem:v25+s21+$0x0], $0xffff;
	v19 =	vmul.f32 v20, v19  }
0x41a: {  	v50 =	vor.u32 v6, v17;
	v49 =	vld.idx.msk [tilespmem:v26+s22+$0x0], $0xffff  }
0x41b: {  	v31 =	vor.u32 v6, v18;
	v27 =	vld.idx.msk [tilespmem:v27+s21+$0x0], $0xffff;
	v21 =	vmul.f32 v22, v21;
	v19 =	vadd.f32 $0.0e+00, v19  }
0x41c: {  	v52 =	vor.u32 v7, v17;
	v51 =	vld.idx.msk [tilespmem:v28+s22+$0x0], $0xffff  }
0x41d: {  	v32 =	vor.u32 v7, v18;
	v29 =	vld.idx.msk [tilespmem:v29+s21+$0x0], $0xffff;
	v53 =	vmul.f32 v24, v23;
	v19 =	vadd.f32 v21, v19  }
0x41e: {  	v56 =	vor.u32 v8, v18;
	v54 =	vld.idx.msk [tilespmem:v30+s22+$0x0], $0xffff  }
0x41f: {  	v55 =	vor.u32 v8, v17;
	v26 =	vld.idx.msk [tilespmem:v50+s21+$0x0], $0xffff;
	v20 =	vmul.f32 v49, v25;
	v19 =	vadd.f32 v53, v19  }
0x420: {  	v59 =	vor.u32 v9, v18;
	v57 =	vld.idx.msk [tilespmem:v31+s22+$0x0], $0xffff  }
0x421: {  	v58 =	vor.u32 v9, v17;
	v28 =	vld.idx.msk [tilespmem:v52+s21+$0x0], $0xffff;
	v60 =	vmul.f32 v51, v27;
	v19 =	vadd.f32 v20, v19  }
0x422: {  	v63 =	vor.u32 v10, v18;
	v61 =	vld.idx.msk [tilespmem:v32+s22+$0x0], $0xffff  }
0x423: {  	v62 =	vor.u32 v10, v17;
	v36 =	vld.idx.msk [tilespmem:v56+s22+$0x0], $0xffff;
	v35 =	vmul.f32 v54, v29;
	v19 =	vadd.f32 v60, v19  }
0x424: {  	v38 =	vor.u32 v11, v18;
	v24 =	vld.idx.msk [tilespmem:v55+s21+$0x0], $0xffff  }
0x425: {  	v37 =	vor.u32 v11, v17;
	v40 =	vld.idx.msk [tilespmem:v59+s22+$0x0], $0xffff;
	v39 =	vmul.f32 v57, v26;
	v19 =	vadd.f32 v35, v19  }
0x426: {  	v42 =	vor.u32 v12, v18;
	v25 =	vld.idx.msk [tilespmem:v58+s21+$0x0], $0xffff  }
0x427: {  	v41 =	vor.u32 v12, v17;
	v44 =	vld.idx.msk [tilespmem:v63+s22+$0x0], $0xffff;
	v43 =	vmul.f32 v61, v28;
	v19 =	vadd.f32 v39, v19  }
0x428: {  	v45 =	vor.u32 v13, v17;
	v27 =	vld.idx.msk [tilespmem:v62+s21+$0x0], $0xffff  }
0x429: {  	v46 =	vor.u32 v13, v18;
	v48 =	vld.idx.msk [tilespmem:v38+s22+$0x0], $0xffff;
	v47 =	vmul.f32 v36, v24;
	v19 =	vadd.f32 v43, v19  }
0x42a: {  	v50 =	vor.u32 v14, v18;
	v29 =	vld.idx.msk [tilespmem:v37+s21+$0x0], $0xffff  }
0x42b: {  	v52 =	vld.idx.msk [tilespmem:v42+s22+$0x0], $0xffff;
	v49 =	vor.u32 v14, v17;
	v51 =	vmul.f32 v40, v25;
	v19 =	vadd.f32 v47, v19  }
0x42c: {  	v26 =	vld.idx.msk [tilespmem:v41+s21+$0x0], $0xffff;
	v54 =	vor.u32 v15, v18  }
0x42d: {  	v28 =	vld.idx.msk [tilespmem:v45+s21+$0x0], $0xffff;
	v55 =	vmul.f32 v44, v27;
	v53 =	vor.u32 v15, v17;
	v19 =	vadd.f32 v51, v19  }
0x42e: {  	v56 =	vld.idx.msk [tilespmem:v46+s22+$0x0], $0xffff  }
0x42f: {  	v58 =	vld.idx.msk [tilespmem:v50+s22+$0x0], $0xffff;
	v57 =	vmul.f32 v48, v29;
	v19 =	vadd.f32 v55, v19  }
0x430: {  	v24 =	vld.idx.msk [tilespmem:v49+s21+$0x0], $0xffff  }
0x431: {  	v59 =	vmul.f32 v52, v26;
	v17 =	vor.u32 v16, v17;
	v60 =	vld.idx.msk [tilespmem:v54+s22+$0x0], $0xffff;
	v19 =	vadd.f32 v57, v19  }
0x432: {  	v25 =	vld.idx.msk [tilespmem:v53+s21+$0x0], $0xffff  }
0x433: {  	v18 =	vor.u32 v16, v18;
	v61 =	vmul.f32 v56, v28;
	v19 =	vadd.f32 v59, v19;
	_ =	sdelay $0x1  }
0x434: {  	v62 =	vmul.f32 v58, v24;
	v19 =	vadd.f32 v61, v19  }
0x435: {  	v17 =	vld.idx.msk [tilespmem:v17+s23+$0x0], $0xffff  }
0x436: {  	v63 =	vmul.f32 v60, v25;
	v19 =	vadd.f32 v62, v19  }
0x437: {  	v18 =	vld.idx.msk [tilespmem:v18+s25+$0x0], $0xffff  }
0x438: {  	v19 =	vadd.f32 v63, v19;
	_ =	sdelay $0x1  }
0x439: {  	v17 =	vadd.f32 v19, v17;
	_ =	sdelay $0x1  }
0x43a: {  	v17 =	vadd.f32 v17, v18;
	_ =	sdelay $0x1  }
0x43b: {  	v17 =	vmax.f32 v17, $0.0e+00  }
0x43c: {  	v17 =	vmul.f32 $-2.000000000e+00, v17;
	_ =	sdelay $0x1  }
0x43d: {  	v17 =	vmul.f32 $1.442695020e+00, v17;
	_ =	sdelay $0x1  }
0x43e: {  	(erf) = vpow2.f32 v17;
	_ =	sdelay $0x8  }
0x43f: {  	v17 =	vpop (erf)  }
0x440: {  	v18 =	vadd.f32 $1.000000000e+00, v17;
	_ =	sdelay $0x1  }
0x441: {  	(erf) = vrcp.f32 v18;
	_ =	sdelay $0x7  }
0x442: {  	v17 =	vsub.f32 $1.000000000e+00, v17  }
0x443: {  	v18 =	vpop (erf)  }
0x444: {  	s28 =	sld [smem:$0x7F2];
	v17 =	vmul.f32 v18, v17;
	_ =	sdelay $0x1  }
0x445: {  	s29 =	simm.s32 $0x11400;
	s1 =	simm.s32 $0x2;
	[tilespmem:s26+$0x11400] =	vst v17  }
0x446: {  	[hbm4b:s28+s5] =	stream.linear.scatter [tilespmem:s29], [sflag:$0x2], $0x200, $0x38;
	[tilespmem:$0x11600] =	vst v63  }
0x447: {  	_ =	swait.ge [sflag:s1], $0x200  }
0x448: {  	s30 =	sld [smem:$0x78D]  }
0x449: {  	s31 =	sld [smem:$0x7F4];
	_ =	sdelay $0x1  }
0x44a: {  	s2 =	sadd.s32 $0x1, s30  }
0x44b: {  	p0 =	sne.s32 s2, s31  }
.Ltmp1:
0x44c: {  	_ = 	snop;
	(pc) =	sbr.rel @p0 .LBB2_1-.Ltmp1, $3  }
0x44d: {  	_ =	sdelay $0x1  }
0x44e: {  	[sflag:s1] =	ssyncset.done $0x0  }
0x44f: {  	[sflag:s1] =	ssyncadd.s32 $0xFFFFFE00  }
0x450: {  	_ =	sfence.sel $0x180000  }
0x451: {  	[bflag:$0x0] =	sbarrier.arrive $0xFFFF  }
0x452: {  	_ =	strace $0x90000047  }
0x453: {  	s0 =	stileid.u32;
	[bflag:$0x2] =	sbarrier.arrive $0xFFFF  }
0x454: {  	p0 =	sne.s32 s0, $0x0;
	s0 =	rddreg [dreg:$0x6]  }
0x455: {  	s0 =	sadd.s32 @!p0 $0x100000, s0  }
0x456: {  	[sflag:s0] =	ssyncadd.tile.s32 @!p0 $0x1;
	_ =	shalt  }
.Lfunc_end2:
_tile_overlayer_lowered:
.L_overlay_start_2:
0x457: {  	(tag) =	ssettag $0x2  }
0x458: {  	s0 =	rddreg [dreg:$0x0];
	s2 =	stileid.u32  }
0x459: {  	s1 =	rddreg [dreg:$0x1];
	p0 =	sne.s32 s2, $0x0  }
0x45a: {  	s3 =	rddreg [dreg:$0x2];
	[bflag:$0x3] =	sbarrier.arrive $0xFFFF;
	s2 =	simm.s32 @!p0 $0x1C02  }
0x45b: {  	[timem:s3], [sflag:s2] =	dma.local @!p0 [hbm:s0], s1  }
0x45c: {  	s0 =	simm.s32 @!p0 $0x2  }
0x45d: {  	_ =	swait.ge @!p0 [sflag:s0], s1  }
0x45e: {  	s1 =	ssub.s32 @!p0 $0x0, s1;
	[sflag:s0] =	ssyncset.done @!p0 $0x0  }
0x45f: {  	[sflag:s0] =	ssyncadd.s32 @!p0 s1  }
0x460: {  	[bflag:$0x3] =	sbarrier.arrive $0xFFFF  }
0x461: {  	_ =	shalt  }

</sc_bundles>
